<compile_context>
chip_gen: v7x
topology: tpu7x:2x2x1
jax: 0.10.2.dev20260603
libtpu: 0.0.44.dev20260713+nightly
codegen_flags: <defaults>
</compile_context>

<pallas_src>
import functools

import jax
import jax.numpy as jnp
from jax import lax
from jax.experimental import pallas as pl
from jax.experimental.pallas import tpu as pltpu
from jax.experimental.pallas import tpu_sc as plsc

N_NODES = 10000
N_EDGES = 160000
DIM = 256
HALF = 128
N_LAYER = 3

NP = 10240
RT = 640
RTW = 32
N_MSG = N_EDGES + N_NODES
CHUNK = 128
NCH = 88
STG = 8
M_PAD = 16 * NCH * CHUNK


def _sc_deg(row_idx, zdeg):
    mesh = plsc.VectorSubcoreMesh(core_axis_name="c", subcore_axis_name="s")

    @functools.partial(
        pl.kernel, mesh=mesh,
        out_type=jax.ShapeDtypeStruct((2, NP, 16), jnp.float32),
        scratch_types=[
            pltpu.VMEM_SHARED((NP, 16), jnp.float32),
            pltpu.VMEM((NCH, CHUNK), jnp.int32),
            pltpu.VMEM((CHUNK, 16), jnp.float32),
        ],
    )
    def k(row_hbm, zdeg_hbm, degp_hbm, deg_sh, rowv, onesv):
        c = lax.axis_index("c")
        s = lax.axis_index("s")
        base = s * RT
        pltpu.sync_copy(zdeg_hbm, deg_sh.at[pl.ds(base, RT)])
        pltpu.sync_copy(row_hbm.at[s], rowv)

        def fill(r, _):
            onesv[r, :] = jnp.full((16,), 1.0, jnp.float32)
            return 0
        lax.fori_loop(0, CHUNK, fill, 0)
        plsc.subcore_barrier()

        def body(j, _):
            pltpu.sync_copy(onesv, deg_sh.at[rowv.at[j]], add=True)
            return 0
        lax.fori_loop(c * (NCH // 2), (c + 1) * (NCH // 2), body, 0)
        plsc.subcore_barrier()
        pltpu.sync_copy(deg_sh.at[pl.ds(base, RT)],
                        degp_hbm.at[c, pl.ds(base, RT)])

    return k(row_idx, zdeg)


def _sc_layers(col_idx, row_idx, y0_tab, dinv2w, zrow):
    mesh = plsc.VectorSubcoreMesh(core_axis_name="c", subcore_axis_name="s")
    ytab = jax.ShapeDtypeStruct((2 * NP, HALF), jnp.float32)

    @functools.partial(
        pl.kernel, mesh=mesh,
        out_type=(ytab, ytab, ytab),
        scratch_types=[
            pltpu.VMEM_SHARED((NP, HALF), jnp.float32),
            pltpu.VMEM((STG, CHUNK), jnp.int32),
            pltpu.VMEM((STG, CHUNK), jnp.int32),
            pltpu.VMEM((CHUNK, HALF), jnp.float32),
            pltpu.VMEM((CHUNK, HALF), jnp.float32),
            pltpu.VMEM((RTW, HALF), jnp.float32),
            pltpu.VMEM((RTW, 16), jnp.float32),
            pltpu.SemaphoreType.DMA,
            pltpu.SemaphoreType.DMA,
            pltpu.SemaphoreType.DMA,
            pltpu.SemaphoreType.DMA,
        ],
    )
    def k(col_hbm, row_hbm, y0_hbm, d2_hbm, z_hbm,
          y1_hbm, y2_hbm, y3_hbm,
          acc_sh, colv, rowv, gbufa, gbufb, wacc, d2v,
          gsa, gsb, ssa, ssb):
        c = lax.axis_index("c")
        s = lax.axis_index("s")
        base = s * RT

        for y_in, y_out in ((y0_hbm, y1_hbm), (y1_hbm, y2_hbm),
                            (y2_hbm, y3_hbm)):
            pltpu.sync_copy(z_hbm, acc_sh.at[pl.ds(base, RT)])
            plsc.subcore_barrier()

            def stage(st, _):
                pltpu.sync_copy(col_hbm.at[c, s, pl.ds(st * STG, STG)], colv)
                pltpu.sync_copy(row_hbm.at[s, pl.ds(st * STG, STG)], rowv)
                bufs = (gbufa, gbufb)
                gsem = (gsa, gsb)
                ssem = (ssa, ssb)
                hg = [None] * STG
                hs = [None] * STG
                hg[0] = pltpu.async_copy(y_in.at[colv.at[0]], gbufa, gsa)
                for j in range(STG):
                    b = j & 1
                    if j + 1 < STG:
                        if j >= 1:
                            hs[j - 1].wait()
                        hg[j + 1] = pltpu.async_copy(
                            y_in.at[colv.at[j + 1]], bufs[1 - b], gsem[1 - b])
                    hg[j].wait()
                    hs[j] = pltpu.async_copy(
                        bufs[b], acc_sh.at[rowv.at[j]], ssem[b], add=True)
                hs[STG - 2].wait()
                hs[STG - 1].wait()
                return 0
            lax.fori_loop(0, NCH // STG, stage, 0)
            plsc.subcore_barrier()

            def wb(blk, _):
                off = base + blk * RTW
                pltpu.sync_copy(acc_sh.at[pl.ds(off, RTW)], wacc)
                pltpu.sync_copy(d2_hbm.at[pl.ds(off, RTW)], d2v)

                def scale(r, _):
                    for k8 in range(HALF // 16):
                        sl = pl.ds(k8 * 16, 16)
                        wacc[r, sl] = wacc[r, sl] * d2v[r, :]
                    return 0
                lax.fori_loop(0, RTW, scale, 0)
                pltpu.sync_copy(wacc, y_out.at[pl.ds(c * NP + off, RTW)])
                return 0
            lax.fori_loop(0, RT // RTW, wb, 0)
            plsc.subcore_barrier()

    return k(col_idx, row_idx, y0_tab, dinv2w, zrow)


def _deg_math_body(dp_ref, d2_ref, degw_ref):
    deg = dp_ref[0] + dp_ref[1]
    d2_ref[...] = jnp.where(deg > 0, 1.0 / deg, 0.0)
    degw_ref[...] = jnp.broadcast_to(deg[:, :1], (NP, HALF))


def _tc_deg_math(deg_part):
    return pl.pallas_call(
        _deg_math_body,
        out_shape=(jax.ShapeDtypeStruct((NP, 16), jnp.float32),
                   jax.ShapeDtypeStruct((NP, HALF), jnp.float32)),
    )(deg_part)


def _mm_body(f_ref, l_ref, dw_ref, y_ref):
    x0 = jnp.dot(f_ref[...], l_ref[...], preferred_element_type=jnp.float32)
    y_ref[...] = lax.rsqrt(dw_ref[...][:, :1]) * x0


def _tc_matmul_scale(features, lin, degw10k):
    blk = 1000
    return pl.pallas_call(
        _mm_body,
        grid=(N_NODES // blk,),
        in_specs=[
            pl.BlockSpec((blk, DIM), lambda i: (i, 0)),
            pl.BlockSpec((DIM, DIM), lambda i: (0, 0)),
            pl.BlockSpec((blk, HALF), lambda i: (i, 0)),
        ],
        out_specs=pl.BlockSpec((blk, DIM), lambda i: (i, 0)),
        out_shape=jax.ShapeDtypeStruct((N_NODES, DIM), jnp.float32),
    )(features, lin, degw10k)


def _final_body(y1_ref, y2_ref, y3_ref, dw_ref, lp_ref, x1_ref, x2_ref,
                x3_ref):
    sd = jnp.sqrt(dw_ref[...][:, :1])
    x1_ref[...] = sd * y1_ref[...]
    x2_ref[...] = sd * y2_ref[...]
    x3 = sd * y3_ref[...]
    x3_ref[...] = x3
    m = jnp.max(x3, axis=1, keepdims=True)
    lse = m + jnp.log(jnp.sum(jnp.exp(x3 - m), axis=1, keepdims=True))
    lp_ref[...] = x3 - lse


def _tc_final(y1, y2, y3, degw10k):
    blk = 1000
    out = jax.ShapeDtypeStruct((N_NODES, DIM), jnp.float32)
    return pl.pallas_call(
        _final_body,
        grid=(N_NODES // blk,),
        in_specs=[pl.BlockSpec((blk, DIM), lambda i: (i, 0))] * 3
        + [pl.BlockSpec((blk, HALF), lambda i: (i, 0))],
        out_specs=[pl.BlockSpec((blk, DIM), lambda i: (i, 0))] * 4,
        out_shape=(out, out, out, out),
    )(y1, y2, y3, degw10k)


def _untab(yt):
    return (yt.reshape(2, NP, HALF)[:, :N_NODES, :]
            .transpose(1, 0, 2).reshape(N_NODES, DIM))


def kernel(features, adj, lin):
    src = adj[0].astype(jnp.int32)
    dst = adj[1].astype(jnp.int32)
    loops = jnp.arange(N_NODES, dtype=jnp.int32)
    pad = jnp.full((M_PAD - N_MSG,), N_NODES, jnp.int32)
    row = jnp.concatenate([dst, loops, pad])
    col = jnp.concatenate([src, loops, pad])
    row_idx = row.reshape(16, NCH, CHUNK)
    col_idx = jnp.stack([col, col + NP]).reshape(2, 16, NCH, CHUNK)

    zdeg = jnp.zeros((RT, 16), jnp.float32)
    zrow = jnp.zeros((RT, HALF), jnp.float32)

    deg_part = _sc_deg(row_idx, zdeg)
    dinv2w, degw = _tc_deg_math(deg_part)
    degw10k = degw[:N_NODES]

    y0 = _tc_matmul_scale(features, lin, degw10k)
    y0_tab = (jnp.zeros((2, NP, HALF), jnp.float32)
              .at[:, :N_NODES, :]
              .set(y0.reshape(N_NODES, 2, HALF).transpose(1, 0, 2))
              .reshape(2 * NP, HALF))

    y1t, y2t, y3t = _sc_layers(col_idx, row_idx, y0_tab, dinv2w, zrow)

    lp, x1, x2, x3 = _tc_final(_untab(y1t), _untab(y2t), _untab(y3t), degw10k)
    return (lp, x3, x1, x2, x3)

# --- scband reference (transcript-rebuilt; emitter-appended) ---
"""Pipeline reference for scband-simple-gcn-9474697855475 (READ-ONLY COPY).

The authoritative reference and input builder live on the scoring server;
editing this copy changes nothing except your own understanding.
"""

import jax, jax.numpy as jnp
import numpy as np

N_NODES = 10000
N_EDGES = 160000
IN_DIM = 256
OUT_DIM = 256
N_LAYER = 3


def setup_inputs(seed: int = 0):
    key = jax.random.key(seed)
    k1, k2, k3 = jax.random.split(key, 3)
    features = jax.random.normal(k1, (N_NODES, IN_DIM), dtype=jnp.float32)
    adj = jax.random.randint(k2, (2, N_EDGES), 0, N_NODES, dtype=jnp.int32)
    # kaiming_uniform_ on FloatTensor(in_dim, out_dim): fan_in per torch = dim 1,
    # bound = sqrt(2) * sqrt(3 / fan_in)
    bound = float(np.sqrt(6.0 / OUT_DIM))
    lin = jax.random.uniform(k3, (IN_DIM, OUT_DIM), dtype=jnp.float32, minval=-bound, maxval=bound)
    return {"features": features, "adj": adj, "lin": lin}


def reference(features, adj, lin):
    # preprocess_adj: symmetric normalization of (A + I): D^{-1/2} (A+I) D^{-1/2}
    src = adj[0]
    dst = adj[1]
    loops = jnp.arange(N_NODES, dtype=adj.dtype)
    row = jnp.concatenate([dst, loops])  # output node of each message
    col = jnp.concatenate([src, loops])  # source node of each message
    ones = jnp.ones(row.shape[0], dtype=jnp.float32)
    deg = jax.ops.segment_sum(ones, row, num_segments=N_NODES)
    d_inv_sqrt = jnp.where(deg > 0, 1.0 / jnp.sqrt(deg), 0.0)
    norm = d_inv_sqrt[row] * d_inv_sqrt[col]

    # sparse_dropout with rate=0 / eval mode is identity -> skipped
    # X = sparse.mm(X_feat, lin)
    X = features @ lin

    layerwise_feat_list = []
    for _ in range(N_LAYER):
        # X = sparse.mm(A_norm, X): gather rows by col, scale, scatter-add to row
        msgs = norm[:, None] * jnp.take(X, col, axis=0)
        X = jax.ops.segment_sum(msgs, row, num_segments=N_NODES)
        layerwise_feat_list.append(X)

    log_probs = jax.nn.log_softmax(X, axis=1)
    return (log_probs, X) + tuple(layerwise_feat_list)

if __name__ == "__main__":
    import jax
    _d = setup_inputs()
    print(jax.jit(kernel)(*tuple(_d.values())))

</pallas_src>

<mosaic_0001>
#map = affine_map<(d0, d1) -> (0, 0, 0)>
#map1 = affine_map<(d0, d1) -> (0, 0)>
module attributes {stable_mosaic.version = 14 : i64} {
  func.func @k(%arg0: i32, %arg1: i32, %arg2: memref<16x88x128xi32, #tpu.memory_space<hbm>>, %arg3: memref<640x16xf32, #tpu.memory_space<hbm>>, %arg4: memref<2x10240x16xf32, #tpu.memory_space<hbm>>, %arg5: memref<10240x16xf32, #tpu.memory_space<vmem_shared>>, %arg6: memref<88x128xi32, #tpu.memory_space<vmem>>, %arg7: memref<128x16xf32, #tpu.memory_space<vmem>>) attributes {dimension_semantics = [#tpu.dimension_semantics<core_parallel>, #tpu.dimension_semantics<subcore_parallel>], iteration_bounds = array<i64: 2, 16>, scalar_prefetch = 0 : i64, scratch_operands = 3 : i64, tpu.core_type = #tpu.core_type<sc_vector_subcore>, window_params = [{transform_indices = #map}, {transform_indices = #map1}, {transform_indices = #map}]} {
    %mul3A = arith.constant 640 : i32
    %mul3A_0 = arith.muli %arg1, %mul3A : i32
    "tpu.region"() ({
      %run_scoped3A = tpu.sem_alloc : memref<!tpu.dma_semaphore, #tpu.memory_space<semaphore_mem>>
      %dma_start3A = arith.constant 0 : i32
      %dma_start3A_23 = tpu.memref_slice %arg5[%mul3A_0, %dma_start3A] : memref<10240x16xf32, #tpu.memory_space<vmem_shared>> -> memref<640x16xf32, #tpu.memory_space<vmem_shared>>
      tpu.enqueue_dma source(%arg3 : memref<640x16xf32, #tpu.memory_space<hbm>>) target(%dma_start3A_23 : memref<640x16xf32, #tpu.memory_space<vmem_shared>>) target_semaphore(%run_scoped3A : memref<!tpu.dma_semaphore, #tpu.memory_space<semaphore_mem>>)
      %dma_wait3A = arith.constant 0 : i32
      %dma_wait3A_24 = tpu.memref_slice %arg5[%mul3A_0, %dma_wait3A] : memref<10240x16xf32, #tpu.memory_space<vmem_shared>> -> memref<640x16xf32, #tpu.memory_space<vmem_shared>>
      tpu.wait_dma2 semaphore(%run_scoped3A : memref<!tpu.dma_semaphore, #tpu.memory_space<semaphore_mem>>) src(%arg3 : memref<640x16xf32, #tpu.memory_space<hbm>>) dst(%dma_wait3A_24 : memref<640x16xf32, #tpu.memory_space<vmem_shared>>)
      tpu.yield
    }) : () -> ()
    "tpu.region"() ({
      %run_scoped3A = tpu.sem_alloc : memref<!tpu.dma_semaphore, #tpu.memory_space<semaphore_mem>>
      %dma_start3A = arith.constant 0 : i32
      %dma_start3A_23 = arith.constant 0 : i32
      %dma_start3A_24 = tpu.memref_slice %arg2[%arg1, %dma_start3A, %dma_start3A_23] : memref<16x88x128xi32, #tpu.memory_space<hbm>> -> memref<1x88x128xi32, #tpu.memory_space<hbm>>
      %dma_start3A_25 = tpu.memref_squeeze %dma_start3A_24 : memref<1x88x128xi32, #tpu.memory_space<hbm>> -> memref<88x128xi32, #tpu.memory_space<hbm>>
      %dma_start3A_26 = arith.constant 0 : i32
      %dma_start3A_27 = arith.constant 0 : i32
      %dma_start3A_28 = tpu.memref_slice %arg2[%arg1, %dma_start3A_26, %dma_start3A_27] : memref<16x88x128xi32, #tpu.memory_space<hbm>> -> memref<1x88x128xi32, #tpu.memory_space<hbm>>
      %dma_start3A_29 = tpu.memref_squeeze %dma_start3A_28 : memref<1x88x128xi32, #tpu.memory_space<hbm>> -> memref<88x128xi32, #tpu.memory_space<hbm>>
      tpu.enqueue_dma source(%dma_start3A_29 : memref<88x128xi32, #tpu.memory_space<hbm>>) target(%arg6 : memref<88x128xi32, #tpu.memory_space<vmem>>) target_semaphore(%run_scoped3A : memref<!tpu.dma_semaphore, #tpu.memory_space<semaphore_mem>>)
      %dma_wait3A = arith.constant 0 : i32
      %dma_wait3A_30 = arith.constant 0 : i32
      %dma_wait3A_31 = tpu.memref_slice %arg2[%arg1, %dma_wait3A, %dma_wait3A_30] : memref<16x88x128xi32, #tpu.memory_space<hbm>> -> memref<1x88x128xi32, #tpu.memory_space<hbm>>
      %dma_wait3A_32 = tpu.memref_squeeze %dma_wait3A_31 : memref<1x88x128xi32, #tpu.memory_space<hbm>> -> memref<88x128xi32, #tpu.memory_space<hbm>>
      %dma_wait3A_33 = arith.constant 0 : i32
      %dma_wait3A_34 = arith.constant 0 : i32
      %dma_wait3A_35 = tpu.memref_slice %arg2[%arg1, %dma_wait3A_33, %dma_wait3A_34] : memref<16x88x128xi32, #tpu.memory_space<hbm>> -> memref<1x88x128xi32, #tpu.memory_space<hbm>>
      %dma_wait3A_36 = tpu.memref_squeeze %dma_wait3A_35 : memref<1x88x128xi32, #tpu.memory_space<hbm>> -> memref<88x128xi32, #tpu.memory_space<hbm>>
      tpu.wait_dma2 semaphore(%run_scoped3A : memref<!tpu.dma_semaphore, #tpu.memory_space<semaphore_mem>>) src(%dma_wait3A_36 : memref<88x128xi32, #tpu.memory_space<hbm>>) dst(%arg6 : memref<88x128xi32, #tpu.memory_space<vmem>>)
      tpu.yield
    }) : () -> ()
    %scan3A = arith.constant 0 : i32
    %scan3A_1 = arith.constant 0 : i32
    %scan3A_2 = arith.constant 128 : i32
    %scan3A_3 = arith.addi %scan3A_1, %scan3A_2 : i32
    %scan3A_4 = arith.constant 1 : i32
    %scan3A_5 = scf.for %scan3A_23 = %scan3A_1 to %scan3A_3 step %scan3A_4 iter_args(%scan3A_24 = %scan3A) -> (i32)  : i32 {
      %broadcast_in_dim3A = arith.constant 1.000000e+00 : f32
      %broadcast_in_dim3A_25 = vector.broadcast %broadcast_in_dim3A : f32 to vector<16xf32>
      %swap3A = arith.index_cast %scan3A_23 : i32 to index
      %swap3A_26 = arith.constant 0 : index
      %swap3A_27 = tpu.vector_load %arg7[%swap3A, %swap3A_26] {strides = array<i32>} : memref<128x16xf32, #tpu.memory_space<vmem>>, vector<1x16xf32>,
      %swap3A_28 = vector.shape_cast %swap3A_27 : vector<1x16xf32> to vector<16xf32>
      %swap3A_29 = vector.shape_cast %broadcast_in_dim3A_25 : vector<16xf32> to vector<1x16xf32>
      tpu.vector_store %arg7[%swap3A, %swap3A_26], %swap3A_29 {strides = array<i32>} : memref<128x16xf32, #tpu.memory_space<vmem>>, vector<1x16xf32>,
      %scan3A_30 = arith.constant 0 : i32
      scf.yield %scan3A_30 : i32
    }
    %scan3A_6 = arith.constant 128 : i32
    %barrier3A = arith.constant 0 : index
    tpu.barrier barrier_id(%barrier3A)
    %mul3A_7 = arith.constant 44 : i32
    %mul3A_8 = arith.muli %arg0, %mul3A_7 : i32
    %add3A = arith.constant 1 : i32
    %add3A_9 = arith.addi %arg0, %add3A : i32
    %mul3A_10 = arith.constant 44 : i32
    %mul3A_11 = arith.muli %add3A_9, %mul3A_10 : i32
    %while3A = arith.constant 0 : i32
    %while3A_12 = arith.subi %mul3A_11, %mul3A_8 : i32
    %while3A_13 = arith.addi %mul3A_8, %while3A_12 : i32
    %while3A_14 = arith.constant 1 : i32
    %while3A_15 = arith.divsi %while3A_12, %while3A_14 : i32
    %while3A_16 = arith.muli %while3A_15, %while3A_14 : i32
    %while3A_17 = arith.addi %mul3A_8, %while3A_16 : i32
    %while3A_18 = arith.constant 1 : i32
    %while3A_19 = scf.for %while3A_23 = %mul3A_8 to %while3A_17 step %while3A_18 iter_args(%while3A_24 = %while3A) -> (i32)  : i32 {
      "tpu.region"() ({
        %run_scoped3A = tpu.sem_alloc : memref<!tpu.dma_semaphore, #tpu.memory_space<semaphore_mem>>
        %dma_start3A = arith.constant 0 : i32
        %dma_start3A_26 = tpu.memref_slice %arg6[%while3A_23, %dma_start3A] : memref<88x128xi32, #tpu.memory_space<vmem>> -> memref<1x128xi32, #tpu.memory_space<vmem>>
        %dma_start3A_27 = tpu.memref_squeeze %dma_start3A_26 : memref<1x128xi32, #tpu.memory_space<vmem>> -> memref<128xi32, #tpu.memory_space<vmem>>
        %dma_start3A_28 = arith.constant 0 : i32
        %dma_start3A_29 = arith.constant 0 : i32
        %dma_start3A_30 = tpu.memref_slice %arg5[%dma_start3A_28, %dma_start3A_29] : memref<10240x16xf32, #tpu.memory_space<vmem_shared>> -> memref<10240x16xf32, #tpu.memory_space<vmem_shared>>
        tpu.enqueue_indirect_dma source(%arg7 : memref<128x16xf32, #tpu.memory_space<vmem>>) target(%dma_start3A_30 : memref<10240x16xf32, #tpu.memory_space<vmem_shared>>) offsets(%dma_start3A_27 : memref<128xi32, #tpu.memory_space<vmem>>) semaphore(%run_scoped3A : memref<!tpu.dma_semaphore, #tpu.memory_space<semaphore_mem>>) {add = true}
        %dma_wait3A = arith.constant 0 : i32
        %dma_wait3A_31 = tpu.memref_slice %arg6[%while3A_23, %dma_wait3A] : memref<88x128xi32, #tpu.memory_space<vmem>> -> memref<1x128xi32, #tpu.memory_space<vmem>>
        %dma_wait3A_32 = tpu.memref_squeeze %dma_wait3A_31 : memref<1x128xi32, #tpu.memory_space<vmem>> -> memref<128xi32, #tpu.memory_space<vmem>>
        %dma_wait3A_33 = arith.constant 0 : i32
        %dma_wait3A_34 = arith.constant 0 : i32
        %dma_wait3A_35 = tpu.memref_slice %arg5[%dma_wait3A_33, %dma_wait3A_34] : memref<10240x16xf32, #tpu.memory_space<vmem_shared>> -> memref<10240x16xf32, #tpu.memory_space<vmem_shared>>
        tpu.wait_indirect_dma semaphore(%run_scoped3A : memref<!tpu.dma_semaphore, #tpu.memory_space<semaphore_mem>>) src(%arg7 : memref<128x16xf32, #tpu.memory_space<vmem>>) dst(%dma_wait3A_35 : memref<10240x16xf32, #tpu.memory_space<vmem_shared>>)
        tpu.yield
      }) : () -> ()
      %while3A_25 = arith.constant 0 : i32
      scf.yield %while3A_25 : i32
    }
    %while3A_20 = arith.constant 1 : i32
    %while3A_21 = scf.for %while3A_23 = %while3A_17 to %while3A_13 step %while3A_20 iter_args(%while3A_24 = %while3A_19) -> (i32)  : i32 {
      "tpu.region"() ({
        %run_scoped3A = tpu.sem_alloc : memref<!tpu.dma_semaphore, #tpu.memory_space<semaphore_mem>>
        %dma_start3A = arith.constant 0 : i32
        %dma_start3A_26 = tpu.memref_slice %arg6[%while3A_23, %dma_start3A] : memref<88x128xi32, #tpu.memory_space<vmem>> -> memref<1x128xi32, #tpu.memory_space<vmem>>
        %dma_start3A_27 = tpu.memref_squeeze %dma_start3A_26 : memref<1x128xi32, #tpu.memory_space<vmem>> -> memref<128xi32, #tpu.memory_space<vmem>>
        %dma_start3A_28 = arith.constant 0 : i32
        %dma_start3A_29 = arith.constant 0 : i32
        %dma_start3A_30 = tpu.memref_slice %arg5[%dma_start3A_28, %dma_start3A_29] : memref<10240x16xf32, #tpu.memory_space<vmem_shared>> -> memref<10240x16xf32, #tpu.memory_space<vmem_shared>>
        tpu.enqueue_indirect_dma source(%arg7 : memref<128x16xf32, #tpu.memory_space<vmem>>) target(%dma_start3A_30 : memref<10240x16xf32, #tpu.memory_space<vmem_shared>>) offsets(%dma_start3A_27 : memref<128xi32, #tpu.memory_space<vmem>>) semaphore(%run_scoped3A : memref<!tpu.dma_semaphore, #tpu.memory_space<semaphore_mem>>) {add = true}
        %dma_wait3A = arith.constant 0 : i32
        %dma_wait3A_31 = tpu.memref_slice %arg6[%while3A_23, %dma_wait3A] : memref<88x128xi32, #tpu.memory_space<vmem>> -> memref<1x128xi32, #tpu.memory_space<vmem>>
        %dma_wait3A_32 = tpu.memref_squeeze %dma_wait3A_31 : memref<1x128xi32, #tpu.memory_space<vmem>> -> memref<128xi32, #tpu.memory_space<vmem>>
        %dma_wait3A_33 = arith.constant 0 : i32
        %dma_wait3A_34 = arith.constant 0 : i32
        %dma_wait3A_35 = tpu.memref_slice %arg5[%dma_wait3A_33, %dma_wait3A_34] : memref<10240x16xf32, #tpu.memory_space<vmem_shared>> -> memref<10240x16xf32, #tpu.memory_space<vmem_shared>>
        tpu.wait_indirect_dma semaphore(%run_scoped3A : memref<!tpu.dma_semaphore, #tpu.memory_space<semaphore_mem>>) src(%arg7 : memref<128x16xf32, #tpu.memory_space<vmem>>) dst(%dma_wait3A_35 : memref<10240x16xf32, #tpu.memory_space<vmem_shared>>)
        tpu.yield
      }) : () -> ()
      %while3A_25 = arith.constant 0 : i32
      scf.yield %while3A_25 : i32
    }
    %barrier3A_22 = arith.constant 0 : index
    tpu.barrier barrier_id(%barrier3A_22)
    "tpu.region"() ({
      %run_scoped3A = tpu.sem_alloc : memref<!tpu.dma_semaphore, #tpu.memory_space<semaphore_mem>>
      %dma_start3A = arith.constant 0 : i32
      %dma_start3A_23 = tpu.memref_slice %arg4[%arg0, %mul3A_0, %dma_start3A] : memref<2x10240x16xf32, #tpu.memory_space<hbm>> -> memref<1x640x16xf32, #tpu.memory_space<hbm>>
      %dma_start3A_24 = tpu.memref_squeeze %dma_start3A_23 : memref<1x640x16xf32, #tpu.memory_space<hbm>> -> memref<640x16xf32, #tpu.memory_space<hbm>>
      %dma_start3A_25 = arith.constant 0 : i32
      %dma_start3A_26 = tpu.memref_slice %arg5[%mul3A_0, %dma_start3A_25] : memref<10240x16xf32, #tpu.memory_space<vmem_shared>> -> memref<640x16xf32, #tpu.memory_space<vmem_shared>>
      tpu.enqueue_dma source(%dma_start3A_26 : memref<640x16xf32, #tpu.memory_space<vmem_shared>>) target(%dma_start3A_24 : memref<640x16xf32, #tpu.memory_space<hbm>>) target_semaphore(%run_scoped3A : memref<!tpu.dma_semaphore, #tpu.memory_space<semaphore_mem>>)
      %dma_wait3A = arith.constant 0 : i32
      %dma_wait3A_27 = tpu.memref_slice %arg4[%arg0, %mul3A_0, %dma_wait3A] : memref<2x10240x16xf32, #tpu.memory_space<hbm>> -> memref<1x640x16xf32, #tpu.memory_space<hbm>>
      %dma_wait3A_28 = tpu.memref_squeeze %dma_wait3A_27 : memref<1x640x16xf32, #tpu.memory_space<hbm>> -> memref<640x16xf32, #tpu.memory_space<hbm>>
      %dma_wait3A_29 = arith.constant 0 : i32
      %dma_wait3A_30 = tpu.memref_slice %arg5[%mul3A_0, %dma_wait3A_29] : memref<10240x16xf32, #tpu.memory_space<vmem_shared>> -> memref<640x16xf32, #tpu.memory_space<vmem_shared>>
      tpu.wait_dma2 semaphore(%run_scoped3A : memref<!tpu.dma_semaphore, #tpu.memory_space<semaphore_mem>>) src(%dma_wait3A_30 : memref<640x16xf32, #tpu.memory_space<vmem_shared>>) dst(%dma_wait3A_28 : memref<640x16xf32, #tpu.memory_space<hbm>>)
      tpu.yield
    }) : () -> ()
    return
  }
}

#map = affine_map<(d0, d1) -> (0, 0, 0, 0)>
#map1 = affine_map<(d0, d1) -> (0, 0, 0)>
#map2 = affine_map<(d0, d1) -> (0, 0)>
module attributes {stable_mosaic.version = 14 : i64} {
  func.func @k(%arg0: i32, %arg1: i32, %arg2: memref<2x16x88x128xi32, #tpu.memory_space<hbm>>, %arg3: memref<16x88x128xi32, #tpu.memory_space<hbm>>, %arg4: memref<20480x128xf32, #tpu.memory_space<hbm>>, %arg5: memref<10240x16xf32, #tpu.memory_space<hbm>>, %arg6: memref<640x128xf32, #tpu.memory_space<hbm>>, %arg7: memref<20480x128xf32, #tpu.memory_space<hbm>>, %arg8: memref<20480x128xf32, #tpu.memory_space<hbm>>, %arg9: memref<20480x128xf32, #tpu.memory_space<hbm>>, %arg10: memref<10240x128xf32, #tpu.memory_space<vmem_shared>>, %arg11: memref<8x128xi32, #tpu.memory_space<vmem>>, %arg12: memref<8x128xi32, #tpu.memory_space<vmem>>, %arg13: memref<128x128xf32, #tpu.memory_space<vmem>>, %arg14: memref<128x128xf32, #tpu.memory_space<vmem>>, %arg15: memref<32x128xf32, #tpu.memory_space<vmem>>, %arg16: memref<32x16xf32, #tpu.memory_space<vmem>>, %arg17: memref<!tpu.dma_semaphore, #tpu.memory_space<semaphore_mem>>, %arg18: memref<!tpu.dma_semaphore, #tpu.memory_space<semaphore_mem>>, %arg19: memref<!tpu.dma_semaphore, #tpu.memory_space<semaphore_mem>>, %arg20: memref<!tpu.dma_semaphore, #tpu.memory_space<semaphore_mem>>) attributes {dimension_semantics = [#tpu.dimension_semantics<core_parallel>, #tpu.dimension_semantics<subcore_parallel>], iteration_bounds = array<i64: 2, 16>, scalar_prefetch = 0 : i64, scratch_operands = 11 : i64, tpu.core_type = #tpu.core_type<sc_vector_subcore>, window_params = [{transform_indices = #map}, {transform_indices = #map1}, {transform_indices = #map2}, {transform_indices = #map2}, {transform_indices = #map2}, {transform_indices = #map2}, {transform_indices = #map2}, {transform_indices = #map2}]} {
    %mul3A = arith.constant 640 : i32
    %mul3A_0 = arith.muli %arg1, %mul3A : i32
    "tpu.region"() ({
      %run_scoped3A = tpu.sem_alloc : memref<!tpu.dma_semaphore, #tpu.memory_space<semaphore_mem>>
      %dma_start3A = arith.constant 0 : i32
      %dma_start3A_50 = tpu.memref_slice %arg10[%mul3A_0, %dma_start3A] : memref<10240x128xf32, #tpu.memory_space<vmem_shared>> -> memref<640x128xf32, #tpu.memory_space<vmem_shared>>
      tpu.enqueue_dma source(%arg6 : memref<640x128xf32, #tpu.memory_space<hbm>>) target(%dma_start3A_50 : memref<640x128xf32, #tpu.memory_space<vmem_shared>>) target_semaphore(%run_scoped3A : memref<!tpu.dma_semaphore, #tpu.memory_space<semaphore_mem>>)
      %dma_wait3A = arith.constant 0 : i32
      %dma_wait3A_51 = tpu.memref_slice %arg10[%mul3A_0, %dma_wait3A] : memref<10240x128xf32, #tpu.memory_space<vmem_shared>> -> memref<640x128xf32, #tpu.memory_space<vmem_shared>>
      tpu.wait_dma2 semaphore(%run_scoped3A : memref<!tpu.dma_semaphore, #tpu.memory_space<semaphore_mem>>) src(%arg6 : memref<640x128xf32, #tpu.memory_space<hbm>>) dst(%dma_wait3A_51 : memref<640x128xf32, #tpu.memory_space<vmem_shared>>)
      tpu.yield
    }) : () -> ()
    %barrier3A = arith.constant 0 : index
    tpu.barrier barrier_id(%barrier3A)
    %scan3A = arith.constant 0 : i32
    %scan3A_1 = arith.constant 0 : i32
    %scan3A_2 = arith.constant 11 : i32
    %scan3A_3 = arith.addi %scan3A_1, %scan3A_2 : i32
    %scan3A_4 = arith.constant 1 : i32
    %scan3A_5 = scf.for %scan3A_50 = %scan3A_1 to %scan3A_3 step %scan3A_4 iter_args(%scan3A_51 = %scan3A) -> (i32)  : i32 {
      %mul3A_52 = arith.constant 8 : i32
      %mul3A_53 = arith.muli %scan3A_50, %mul3A_52 : i32
      "tpu.region"() ({
        %run_scoped3A = tpu.sem_alloc : memref<!tpu.dma_semaphore, #tpu.memory_space<semaphore_mem>>
        %dma_start3A_279 = arith.constant 0 : i32
        %dma_start3A_280 = tpu.memref_slice %arg2[%arg0, %arg1, %mul3A_53, %dma_start3A_279] : memref<2x16x88x128xi32, #tpu.memory_space<hbm>> -> memref<1x1x8x128xi32, #tpu.memory_space<hbm>>
        %dma_start3A_281 = tpu.memref_squeeze %dma_start3A_280 : memref<1x1x8x128xi32, #tpu.memory_space<hbm>> -> memref<8x128xi32, #tpu.memory_space<hbm>>
        %dma_start3A_282 = arith.constant 0 : i32
        %dma_start3A_283 = tpu.memref_slice %arg2[%arg0, %arg1, %mul3A_53, %dma_start3A_282] : memref<2x16x88x128xi32, #tpu.memory_space<hbm>> -> memref<1x1x8x128xi32, #tpu.memory_space<hbm>>
        %dma_start3A_284 = tpu.memref_squeeze %dma_start3A_283 : memref<1x1x8x128xi32, #tpu.memory_space<hbm>> -> memref<8x128xi32, #tpu.memory_space<hbm>>
        tpu.enqueue_dma source(%dma_start3A_284 : memref<8x128xi32, #tpu.memory_space<hbm>>) target(%arg11 : memref<8x128xi32, #tpu.memory_space<vmem>>) target_semaphore(%run_scoped3A : memref<!tpu.dma_semaphore, #tpu.memory_space<semaphore_mem>>)
        %dma_wait3A_285 = arith.constant 0 : i32
        %dma_wait3A_286 = tpu.memref_slice %arg2[%arg0, %arg1, %mul3A_53, %dma_wait3A_285] : memref<2x16x88x128xi32, #tpu.memory_space<hbm>> -> memref<1x1x8x128xi32, #tpu.memory_space<hbm>>
        %dma_wait3A_287 = tpu.memref_squeeze %dma_wait3A_286 : memref<1x1x8x128xi32, #tpu.memory_space<hbm>> -> memref<8x128xi32, #tpu.memory_space<hbm>>
        %dma_wait3A_288 = arith.constant 0 : i32
        %dma_wait3A_289 = tpu.memref_slice %arg2[%arg0, %arg1, %mul3A_53, %dma_wait3A_288] : memref<2x16x88x128xi32, #tpu.memory_space<hbm>> -> memref<1x1x8x128xi32, #tpu.memory_space<hbm>>
        %dma_wait3A_290 = tpu.memref_squeeze %dma_wait3A_289 : memref<1x1x8x128xi32, #tpu.memory_space<hbm>> -> memref<8x128xi32, #tpu.memory_space<hbm>>
        tpu.wait_dma2 semaphore(%run_scoped3A : memref<!tpu.dma_semaphore, #tpu.memory_space<semaphore_mem>>) src(%dma_wait3A_290 : memref<8x128xi32, #tpu.memory_space<hbm>>) dst(%arg11 : memref<8x128xi32, #tpu.memory_space<vmem>>)
        tpu.yield
      }) : () -> ()
      %mul3A_54 = arith.constant 8 : i32
      %mul3A_55 = arith.muli %scan3A_50, %mul3A_54 : i32
      "tpu.region"() ({
        %run_scoped3A = tpu.sem_alloc : memref<!tpu.dma_semaphore, #tpu.memory_space<semaphore_mem>>
        %dma_start3A_279 = arith.constant 0 : i32
        %dma_start3A_280 = tpu.memref_slice %arg3[%arg1, %mul3A_55, %dma_start3A_279] : memref<16x88x128xi32, #tpu.memory_space<hbm>> -> memref<1x8x128xi32, #tpu.memory_space<hbm>>
        %dma_start3A_281 = tpu.memref_squeeze %dma_start3A_280 : memref<1x8x128xi32, #tpu.memory_space<hbm>> -> memref<8x128xi32, #tpu.memory_space<hbm>>
        %dma_start3A_282 = arith.constant 0 : i32
        %dma_start3A_283 = tpu.memref_slice %arg3[%arg1, %mul3A_55, %dma_start3A_282] : memref<16x88x128xi32, #tpu.memory_space<hbm>> -> memref<1x8x128xi32, #tpu.memory_space<hbm>>
        %dma_start3A_284 = tpu.memref_squeeze %dma_start3A_283 : memref<1x8x128xi32, #tpu.memory_space<hbm>> -> memref<8x128xi32, #tpu.memory_space<hbm>>
        tpu.enqueue_dma source(%dma_start3A_284 : memref<8x128xi32, #tpu.memory_space<hbm>>) target(%arg12 : memref<8x128xi32, #tpu.memory_space<vmem>>) target_semaphore(%run_scoped3A : memref<!tpu.dma_semaphore, #tpu.memory_space<semaphore_mem>>)
        %dma_wait3A_285 = arith.constant 0 : i32
        %dma_wait3A_286 = tpu.memref_slice %arg3[%arg1, %mul3A_55, %dma_wait3A_285] : memref<16x88x128xi32, #tpu.memory_space<hbm>> -> memref<1x8x128xi32, #tpu.memory_space<hbm>>
        %dma_wait3A_287 = tpu.memref_squeeze %dma_wait3A_286 : memref<1x8x128xi32, #tpu.memory_space<hbm>> -> memref<8x128xi32, #tpu.memory_space<hbm>>
        %dma_wait3A_288 = arith.constant 0 : i32
        %dma_wait3A_289 = tpu.memref_slice %arg3[%arg1, %mul3A_55, %dma_wait3A_288] : memref<16x88x128xi32, #tpu.memory_space<hbm>> -> memref<1x8x128xi32, #tpu.memory_space<hbm>>
        %dma_wait3A_290 = tpu.memref_squeeze %dma_wait3A_289 : memref<1x8x128xi32, #tpu.memory_space<hbm>> -> memref<8x128xi32, #tpu.memory_space<hbm>>
        tpu.wait_dma2 semaphore(%run_scoped3A : memref<!tpu.dma_semaphore, #tpu.memory_space<semaphore_mem>>) src(%dma_wait3A_290 : memref<8x128xi32, #tpu.memory_space<hbm>>) dst(%arg12 : memref<8x128xi32, #tpu.memory_space<vmem>>)
        tpu.yield
      }) : () -> ()
      %dma_start3A = arith.constant 0 : i32
      %dma_start3A_56 = arith.constant 0 : i32
      %dma_start3A_57 = tpu.memref_slice %arg11[%dma_start3A, %dma_start3A_56] : memref<8x128xi32, #tpu.memory_space<vmem>> -> memref<1x128xi32, #tpu.memory_space<vmem>>
      %dma_start3A_58 = tpu.memref_squeeze %dma_start3A_57 : memref<1x128xi32, #tpu.memory_space<vmem>> -> memref<128xi32, #tpu.memory_space<vmem>>
      %dma_start3A_59 = arith.constant 0 : i32
      %dma_start3A_60 = arith.constant 0 : i32
      %dma_start3A_61 = tpu.memref_slice %arg4[%dma_start3A_59, %dma_start3A_60] : memref<20480x128xf32, #tpu.memory_space<hbm>> -> memref<20480x128xf32, #tpu.memory_space<hbm>>
      tpu.enqueue_indirect_dma source(%dma_start3A_61 : memref<20480x128xf32, #tpu.memory_space<hbm>>) target(%arg13 : memref<128x128xf32, #tpu.memory_space<vmem>>) offsets(%dma_start3A_58 : memref<128xi32, #tpu.memory_space<vmem>>) semaphore(%arg17 : memref<!tpu.dma_semaphore, #tpu.memory_space<semaphore_mem>>)
      %dma_start3A_62 = arith.constant 1 : i32
      %dma_start3A_63 = arith.constant 0 : i32
      %dma_start3A_64 = tpu.memref_slice %arg11[%dma_start3A_62, %dma_start3A_63] : memref<8x128xi32, #tpu.memory_space<vmem>> -> memref<1x128xi32, #tpu.memory_space<vmem>>
      %dma_start3A_65 = tpu.memref_squeeze %dma_start3A_64 : memref<1x128xi32, #tpu.memory_space<vmem>> -> memref<128xi32, #tpu.memory_space<vmem>>
      %dma_start3A_66 = arith.constant 0 : i32
      %dma_start3A_67 = arith.constant 0 : i32
      %dma_start3A_68 = tpu.memref_slice %arg4[%dma_start3A_66, %dma_start3A_67] : memref<20480x128xf32, #tpu.memory_space<hbm>> -> memref<20480x128xf32, #tpu.memory_space<hbm>>
      tpu.enqueue_indirect_dma source(%dma_start3A_68 : memref<20480x128xf32, #tpu.memory_space<hbm>>) target(%arg14 : memref<128x128xf32, #tpu.memory_space<vmem>>) offsets(%dma_start3A_65 : memref<128xi32, #tpu.memory_space<vmem>>) semaphore(%arg18 : memref<!tpu.dma_semaphore, #tpu.memory_space<semaphore_mem>>)
      %dma_wait3A = arith.constant 0 : i32
      %dma_wait3A_69 = arith.constant 0 : i32
      %dma_wait3A_70 = tpu.memref_slice %arg11[%dma_wait3A, %dma_wait3A_69] : memref<8x128xi32, #tpu.memory_space<vmem>> -> memref<1x128xi32, #tpu.memory_space<vmem>>
      %dma_wait3A_71 = tpu.memref_squeeze %dma_wait3A_70 : memref<1x128xi32, #tpu.memory_space<vmem>> -> memref<128xi32, #tpu.memory_space<vmem>>
      %dma_wait3A_72 = arith.constant 0 : i32
      %dma_wait3A_73 = arith.constant 0 : i32
      %dma_wait3A_74 = tpu.memref_slice %arg4[%dma_wait3A_72, %dma_wait3A_73] : memref<20480x128xf32, #tpu.memory_space<hbm>> -> memref<20480x128xf32, #tpu.memory_space<hbm>>
      tpu.wait_indirect_dma semaphore(%arg17 : memref<!tpu.dma_semaphore, #tpu.memory_space<semaphore_mem>>) src(%dma_wait3A_74 : memref<20480x128xf32, #tpu.memory_space<hbm>>) dst(%arg13 : memref<128x128xf32, #tpu.memory_space<vmem>>)
      %dma_start3A_75 = arith.constant 0 : i32
      %dma_start3A_76 = arith.constant 0 : i32
      %dma_start3A_77 = tpu.memref_slice %arg12[%dma_start3A_75, %dma_start3A_76] : memref<8x128xi32, #tpu.memory_space<vmem>> -> memref<1x128xi32, #tpu.memory_space<vmem>>
      %dma_start3A_78 = tpu.memref_squeeze %dma_start3A_77 : memref<1x128xi32, #tpu.memory_space<vmem>> -> memref<128xi32, #tpu.memory_space<vmem>>
      %dma_start3A_79 = arith.constant 0 : i32
      %dma_start3A_80 = arith.constant 0 : i32
      %dma_start3A_81 = tpu.memref_slice %arg10[%dma_start3A_79, %dma_start3A_80] : memref<10240x128xf32, #tpu.memory_space<vmem_shared>> -> memref<10240x128xf32, #tpu.memory_space<vmem_shared>>
      tpu.enqueue_indirect_dma source(%arg13 : memref<128x128xf32, #tpu.memory_space<vmem>>) target(%dma_start3A_81 : memref<10240x128xf32, #tpu.memory_space<vmem_shared>>) offsets(%dma_start3A_78 : memref<128xi32, #tpu.memory_space<vmem>>) semaphore(%arg19 : memref<!tpu.dma_semaphore, #tpu.memory_space<semaphore_mem>>) {add = true}
      %dma_wait3A_82 = arith.constant 0 : i32
      %dma_wait3A_83 = arith.constant 0 : i32
      %dma_wait3A_84 = tpu.memref_slice %arg12[%dma_wait3A_82, %dma_wait3A_83] : memref<8x128xi32, #tpu.memory_space<vmem>> -> memref<1x128xi32, #tpu.memory_space<vmem>>
      %dma_wait3A_85 = tpu.memref_squeeze %dma_wait3A_84 : memref<1x128xi32, #tpu.memory_space<vmem>> -> memref<128xi32, #tpu.memory_space<vmem>>
      %dma_wait3A_86 = arith.constant 0 : i32
      %dma_wait3A_87 = arith.constant 0 : i32
      %dma_wait3A_88 = tpu.memref_slice %arg10[%dma_wait3A_86, %dma_wait3A_87] : memref<10240x128xf32, #tpu.memory_space<vmem_shared>> -> memref<10240x128xf32, #tpu.memory_space<vmem_shared>>
      tpu.wait_indirect_dma semaphore(%arg19 : memref<!tpu.dma_semaphore, #tpu.memory_space<semaphore_mem>>) src(%arg13 : memref<128x128xf32, #tpu.memory_space<vmem>>) dst(%dma_wait3A_88 : memref<10240x128xf32, #tpu.memory_space<vmem_shared>>)
      %dma_start3A_89 = arith.constant 2 : i32
      %dma_start3A_90 = arith.constant 0 : i32
      %dma_start3A_91 = tpu.memref_slice %arg11[%dma_start3A_89, %dma_start3A_90] : memref<8x128xi32, #tpu.memory_space<vmem>> -> memref<1x128xi32, #tpu.memory_space<vmem>>
      %dma_start3A_92 = tpu.memref_squeeze %dma_start3A_91 : memref<1x128xi32, #tpu.memory_space<vmem>> -> memref<128xi32, #tpu.memory_space<vmem>>
      %dma_start3A_93 = arith.constant 0 : i32
      %dma_start3A_94 = arith.constant 0 : i32
      %dma_start3A_95 = tpu.memref_slice %arg4[%dma_start3A_93, %dma_start3A_94] : memref<20480x128xf32, #tpu.memory_space<hbm>> -> memref<20480x128xf32, #tpu.memory_space<hbm>>
      tpu.enqueue_indirect_dma source(%dma_start3A_95 : memref<20480x128xf32, #tpu.memory_space<hbm>>) target(%arg13 : memref<128x128xf32, #tpu.memory_space<vmem>>) offsets(%dma_start3A_92 : memref<128xi32, #tpu.memory_space<vmem>>) semaphore(%arg17 : memref<!tpu.dma_semaphore, #tpu.memory_space<semaphore_mem>>)
      %dma_wait3A_96 = arith.constant 1 : i32
      %dma_wait3A_97 = arith.constant 0 : i32
      %dma_wait3A_98 = tpu.memref_slice %arg11[%dma_wait3A_96, %dma_wait3A_97] : memref<8x128xi32, #tpu.memory_space<vmem>> -> memref<1x128xi32, #tpu.memory_space<vmem>>
      %dma_wait3A_99 = tpu.memref_squeeze %dma_wait3A_98 : memref<1x128xi32, #tpu.memory_space<vmem>> -> memref<128xi32, #tpu.memory_space<vmem>>
      %dma_wait3A_100 = arith.constant 0 : i32
      %dma_wait3A_101 = arith.constant 0 : i32
      %dma_wait3A_102 = tpu.memref_slice %arg4[%dma_wait3A_100, %dma_wait3A_101] : memref<20480x128xf32, #tpu.memory_space<hbm>> -> memref<20480x128xf32, #tpu.memory_space<hbm>>
      tpu.wait_indirect_dma semaphore(%arg18 : memref<!tpu.dma_semaphore, #tpu.memory_space<semaphore_mem>>) src(%dma_wait3A_102 : memref<20480x128xf32, #tpu.memory_space<hbm>>) dst(%arg14 : memref<128x128xf32, #tpu.memory_space<vmem>>)
      %dma_start3A_103 = arith.constant 1 : i32
      %dma_start3A_104 = arith.constant 0 : i32
      %dma_start3A_105 = tpu.memref_slice %arg12[%dma_start3A_103, %dma_start3A_104] : memref<8x128xi32, #tpu.memory_space<vmem>> -> memref<1x128xi32, #tpu.memory_space<vmem>>
      %dma_start3A_106 = tpu.memref_squeeze %dma_start3A_105 : memref<1x128xi32, #tpu.memory_space<vmem>> -> memref<128xi32, #tpu.memory_space<vmem>>
      %dma_start3A_107 = arith.constant 0 : i32
      %dma_start3A_108 = arith.constant 0 : i32
      %dma_start3A_109 = tpu.memref_slice %arg10[%dma_start3A_107, %dma_start3A_108] : memref<10240x128xf32, #tpu.memory_space<vmem_shared>> -> memref<10240x128xf32, #tpu.memory_space<vmem_shared>>
      tpu.enqueue_indirect_dma source(%arg14 : memref<128x128xf32, #tpu.memory_space<vmem>>) target(%dma_start3A_109 : memref<10240x128xf32, #tpu.memory_space<vmem_shared>>) offsets(%dma_start3A_106 : memref<128xi32, #tpu.memory_space<vmem>>) semaphore(%arg20 : memref<!tpu.dma_semaphore, #tpu.memory_space<semaphore_mem>>) {add = true}
      %dma_wait3A_110 = arith.constant 1 : i32
      %dma_wait3A_111 = arith.constant 0 : i32
      %dma_wait3A_112 = tpu.memref_slice %arg12[%dma_wait3A_110, %dma_wait3A_111] : memref<8x128xi32, #tpu.memory_space<vmem>> -> memref<1x128xi32, #tpu.memory_space<vmem>>
      %dma_wait3A_113 = tpu.memref_squeeze %dma_wait3A_112 : memref<1x128xi32, #tpu.memory_space<vmem>> -> memref<128xi32, #tpu.memory_space<vmem>>
      %dma_wait3A_114 = arith.constant 0 : i32
      %dma_wait3A_115 = arith.constant 0 : i32
      %dma_wait3A_116 = tpu.memref_slice %arg10[%dma_wait3A_114, %dma_wait3A_115] : memref<10240x128xf32, #tpu.memory_space<vmem_shared>> -> memref<10240x128xf32, #tpu.memory_space<vmem_shared>>
      tpu.wait_indirect_dma semaphore(%arg20 : memref<!tpu.dma_semaphore, #tpu.memory_space<semaphore_mem>>) src(%arg14 : memref<128x128xf32, #tpu.memory_space<vmem>>) dst(%dma_wait3A_116 : memref<10240x128xf32, #tpu.memory_space<vmem_shared>>)
      %dma_start3A_117 = arith.constant 3 : i32
      %dma_start3A_118 = arith.constant 0 : i32
      %dma_start3A_119 = tpu.memref_slice %arg11[%dma_start3A_117, %dma_start3A_118] : memref<8x128xi32, #tpu.memory_space<vmem>> -> memref<1x128xi32, #tpu.memory_space<vmem>>
      %dma_start3A_120 = tpu.memref_squeeze %dma_start3A_119 : memref<1x128xi32, #tpu.memory_space<vmem>> -> memref<128xi32, #tpu.memory_space<vmem>>
      %dma_start3A_121 = arith.constant 0 : i32
      %dma_start3A_122 = arith.constant 0 : i32
      %dma_start3A_123 = tpu.memref_slice %arg4[%dma_start3A_121, %dma_start3A_122] : memref<20480x128xf32, #tpu.memory_space<hbm>> -> memref<20480x128xf32, #tpu.memory_space<hbm>>
      tpu.enqueue_indirect_dma source(%dma_start3A_123 : memref<20480x128xf32, #tpu.memory_space<hbm>>) target(%arg14 : memref<128x128xf32, #tpu.memory_space<vmem>>) offsets(%dma_start3A_120 : memref<128xi32, #tpu.memory_space<vmem>>) semaphore(%arg18 : memref<!tpu.dma_semaphore, #tpu.memory_space<semaphore_mem>>)
      %dma_wait3A_124 = arith.constant 2 : i32
      %dma_wait3A_125 = arith.constant 0 : i32
      %dma_wait3A_126 = tpu.memref_slice %arg11[%dma_wait3A_124, %dma_wait3A_125] : memref<8x128xi32, #tpu.memory_space<vmem>> -> memref<1x128xi32, #tpu.memory_space<vmem>>
      %dma_wait3A_127 = tpu.memref_squeeze %dma_wait3A_126 : memref<1x128xi32, #tpu.memory_space<vmem>> -> memref<128xi32, #tpu.memory_space<vmem>>
      %dma_wait3A_128 = arith.constant 0 : i32
      %dma_wait3A_129 = arith.constant 0 : i32
      %dma_wait3A_130 = tpu.memref_slice %arg4[%dma_wait3A_128, %dma_wait3A_129] : memref<20480x128xf32, #tpu.memory_space<hbm>> -> memref<20480x128xf32, #tpu.memory_space<hbm>>
      tpu.wait_indirect_dma semaphore(%arg17 : memref<!tpu.dma_semaphore, #tpu.memory_space<semaphore_mem>>) src(%dma_wait3A_130 : memref<20480x128xf32, #tpu.memory_space<hbm>>) dst(%arg13 : memref<128x128xf32, #tpu.memory_space<vmem>>)
      %dma_start3A_131 = arith.constant 2 : i32
      %dma_start3A_132 = arith.constant 0 : i32
      %dma_start3A_133 = tpu.memref_slice %arg12[%dma_start3A_131, %dma_start3A_132] : memref<8x128xi32, #tpu.memory_space<vmem>> -> memref<1x128xi32, #tpu.memory_space<vmem>>
      %dma_start3A_134 = tpu.memref_squeeze %dma_start3A_133 : memref<1x128xi32, #tpu.memory_space<vmem>> -> memref<128xi32, #tpu.memory_space<vmem>>
      %dma_start3A_135 = arith.constant 0 : i32
      %dma_start3A_136 = arith.constant 0 : i32
      %dma_start3A_137 = tpu.memref_slice %arg10[%dma_start3A_135, %dma_start3A_136] : memref<10240x128xf32, #tpu.memory_space<vmem_shared>> -> memref<10240x128xf32, #tpu.memory_space<vmem_shared>>
      tpu.enqueue_indirect_dma source(%arg13 : memref<128x128xf32, #tpu.memory_space<vmem>>) target(%dma_start3A_137 : memref<10240x128xf32, #tpu.memory_space<vmem_shared>>) offsets(%dma_start3A_134 : memref<128xi32, #tpu.memory_space<vmem>>) semaphore(%arg19 : memref<!tpu.dma_semaphore, #tpu.memory_space<semaphore_mem>>) {add = true}
      %dma_wait3A_138 = arith.constant 2 : i32
      %dma_wait3A_139 = arith.constant 0 : i32
      %dma_wait3A_140 = tpu.memref_slice %arg12[%dma_wait3A_138, %dma_wait3A_139] : memref<8x128xi32, #tpu.memory_space<vmem>> -> memref<1x128xi32, #tpu.memory_space<vmem>>
      %dma_wait3A_141 = tpu.memref_squeeze %dma_wait3A_140 : memref<1x128xi32, #tpu.memory_space<vmem>> -> memref<128xi32, #tpu.memory_space<vmem>>
      %dma_wait3A_142 = arith.constant 0 : i32
      %dma_wait3A_143 = arith.constant 0 : i32
      %dma_wait3A_144 = tpu.memref_slice %arg10[%dma_wait3A_142, %dma_wait3A_143] : memref<10240x128xf32, #tpu.memory_space<vmem_shared>> -> memref<10240x128xf32, #tpu.memory_space<vmem_shared>>
      tpu.wait_indirect_dma semaphore(%arg19 : memref<!tpu.dma_semaphore, #tpu.memory_space<semaphore_mem>>) src(%arg13 : memref<128x128xf32, #tpu.memory_space<vmem>>) dst(%dma_wait3A_144 : memref<10240x128xf32, #tpu.memory_space<vmem_shared>>)
      %dma_start3A_145 = arith.constant 4 : i32
      %dma_start3A_146 = arith.constant 0 : i32
      %dma_start3A_147 = tpu.memref_slice %arg11[%dma_start3A_145, %dma_start3A_146] : memref<8x128xi32, #tpu.memory_space<vmem>> -> memref<1x128xi32, #tpu.memory_space<vmem>>
      %dma_start3A_148 = tpu.memref_squeeze %dma_start3A_147 : memref<1x128xi32, #tpu.memory_space<vmem>> -> memref<128xi32, #tpu.memory_space<vmem>>
      %dma_start3A_149 = arith.constant 0 : i32
      %dma_start3A_150 = arith.constant 0 : i32
      %dma_start3A_151 = tpu.memref_slice %arg4[%dma_start3A_149, %dma_start3A_150] : memref<20480x128xf32, #tpu.memory_space<hbm>> -> memref<20480x128xf32, #tpu.memory_space<hbm>>
      tpu.enqueue_indirect_dma source(%dma_start3A_151 : memref<20480x128xf32, #tpu.memory_space<hbm>>) target(%arg13 : memref<128x128xf32, #tpu.memory_space<vmem>>) offsets(%dma_start3A_148 : memref<128xi32, #tpu.memory_space<vmem>>) semaphore(%arg17 : memref<!tpu.dma_semaphore, #tpu.memory_space<semaphore_mem>>)
      %dma_wait3A_152 = arith.constant 3 : i32
      %dma_wait3A_153 = arith.constant 0 : i32
      %dma_wait3A_154 = tpu.memref_slice %arg11[%dma_wait3A_152, %dma_wait3A_153] : memref<8x128xi32, #tpu.memory_space<vmem>> -> memref<1x128xi32, #tpu.memory_space<vmem>>
      %dma_wait3A_155 = tpu.memref_squeeze %dma_wait3A_154 : memref<1x128xi32, #tpu.memory_space<vmem>> -> memref<128xi32, #tpu.memory_space<vmem>>
      %dma_wait3A_156 = arith.constant 0 : i32
      %dma_wait3A_157 = arith.constant 0 : i32
      %dma_wait3A_158 = tpu.memref_slice %arg4[%dma_wait3A_156, %dma_wait3A_157] : memref<20480x128xf32, #tpu.memory_space<hbm>> -> memref<20480x128xf32, #tpu.memory_space<hbm>>
      tpu.wait_indirect_dma semaphore(%arg18 : memref<!tpu.dma_semaphore, #tpu.memory_space<semaphore_mem>>) src(%dma_wait3A_158 : memref<20480x128xf32, #tpu.memory_space<hbm>>) dst(%arg14 : memref<128x128xf32, #tpu.memory_space<vmem>>)
      %dma_start3A_159 = arith.constant 3 : i32
      %dma_start3A_160 = arith.constant 0 : i32
      %dma_start3A_161 = tpu.memref_slice %arg12[%dma_start3A_159, %dma_start3A_160] : memref<8x128xi32, #tpu.memory_space<vmem>> -> memref<1x128xi32, #tpu.memory_space<vmem>>
      %dma_start3A_162 = tpu.memref_squeeze %dma_start3A_161 : memref<1x128xi32, #tpu.memory_space<vmem>> -> memref<128xi32, #tpu.memory_space<vmem>>
      %dma_start3A_163 = arith.constant 0 : i32
      %dma_start3A_164 = arith.constant 0 : i32
      %dma_start3A_165 = tpu.memref_slice %arg10[%dma_start3A_163, %dma_start3A_164] : memref<10240x128xf32, #tpu.memory_space<vmem_shared>> -> memref<10240x128xf32, #tpu.memory_space<vmem_shared>>
      tpu.enqueue_indirect_dma source(%arg14 : memref<128x128xf32, #tpu.memory_space<vmem>>) target(%dma_start3A_165 : memref<10240x128xf32, #tpu.memory_space<vmem_shared>>) offsets(%dma_start3A_162 : memref<128xi32, #tpu.memory_space<vmem>>) semaphore(%arg20 : memref<!tpu.dma_semaphore, #tpu.memory_space<semaphore_mem>>) {add = true}
      %dma_wait3A_166 = arith.constant 3 : i32
      %dma_wait3A_167 = arith.constant 0 : i32
      %dma_wait3A_168 = tpu.memref_slice %arg12[%dma_wait3A_166, %dma_wait3A_167] : memref<8x128xi32, #tpu.memory_space<vmem>> -> memref<1x128xi32, #tpu.memory_space<vmem>>
      %dma_wait3A_169 = tpu.memref_squeeze %dma_wait3A_168 : memref<1x128xi32, #tpu.memory_space<vmem>> -> memref<128xi32, #tpu.memory_space<vmem>>
      %dma_wait3A_170 = arith.constant 0 : i32
      %dma_wait3A_171 = arith.constant 0 : i32
      %dma_wait3A_172 = tpu.memref_slice %arg10[%dma_wait3A_170, %dma_wait3A_171] : memref<10240x128xf32, #tpu.memory_space<vmem_shared>> -> memref<10240x128xf32, #tpu.memory_space<vmem_shared>>
      tpu.wait_indirect_dma semaphore(%arg20 : memref<!tpu.dma_semaphore, #tpu.memory_space<semaphore_mem>>) src(%arg14 : memref<128x128xf32, #tpu.memory_space<vmem>>) dst(%dma_wait3A_172 : memref<10240x128xf32, #tpu.memory_space<vmem_shared>>)
      %dma_start3A_173 = arith.constant 5 : i32
      %dma_start3A_174 = arith.constant 0 : i32
      %dma_start3A_175 = tpu.memref_slice %arg11[%dma_start3A_173, %dma_start3A_174] : memref<8x128xi32, #tpu.memory_space<vmem>> -> memref<1x128xi32, #tpu.memory_space<vmem>>
      %dma_start3A_176 = tpu.memref_squeeze %dma_start3A_175 : memref<1x128xi32, #tpu.memory_space<vmem>> -> memref<128xi32, #tpu.memory_space<vmem>>
      %dma_start3A_177 = arith.constant 0 : i32
      %dma_start3A_178 = arith.constant 0 : i32
      %dma_start3A_179 = tpu.memref_slice %arg4[%dma_start3A_177, %dma_start3A_178] : memref<20480x128xf32, #tpu.memory_space<hbm>> -> memref<20480x128xf32, #tpu.memory_space<hbm>>
      tpu.enqueue_indirect_dma source(%dma_start3A_179 : memref<20480x128xf32, #tpu.memory_space<hbm>>) target(%arg14 : memref<128x128xf32, #tpu.memory_space<vmem>>) offsets(%dma_start3A_176 : memref<128xi32, #tpu.memory_space<vmem>>) semaphore(%arg18 : memref<!tpu.dma_semaphore, #tpu.memory_space<semaphore_mem>>)
      %dma_wait3A_180 = arith.constant 4 : i32
      %dma_wait3A_181 = arith.constant 0 : i32
      %dma_wait3A_182 = tpu.memref_slice %arg11[%dma_wait3A_180, %dma_wait3A_181] : memref<8x128xi32, #tpu.memory_space<vmem>> -> memref<1x128xi32, #tpu.memory_space<vmem>>
      %dma_wait3A_183 = tpu.memref_squeeze %dma_wait3A_182 : memref<1x128xi32, #tpu.memory_space<vmem>> -> memref<128xi32, #tpu.memory_space<vmem>>
      %dma_wait3A_184 = arith.constant 0 : i32
      %dma_wait3A_185 = arith.constant 0 : i32
      %dma_wait3A_186 = tpu.memref_slice %arg4[%dma_wait3A_184, %dma_wait3A_185] : memref<20480x128xf32, #tpu.memory_space<hbm>> -> memref<20480x128xf32, #tpu.memory_space<hbm>>
      tpu.wait_indirect_dma semaphore(%arg17 : memref<!tpu.dma_semaphore, #tpu.memory_space<semaphore_mem>>) src(%dma_wait3A_186 : memref<20480x128xf32, #tpu.memory_space<hbm>>) dst(%arg13 : memref<128x128xf32, #tpu.memory_space<vmem>>)
      %dma_start3A_187 = arith.constant 4 : i32
      %dma_start3A_188 = arith.constant 0 : i32
      %dma_start3A_189 = tpu.memref_slice %arg12[%dma_start3A_187, %dma_start3A_188] : memref<8x128xi32, #tpu.memory_space<vmem>> -> memref<1x128xi32, #tpu.memory_space<vmem>>
      %dma_start3A_190 = tpu.memref_squeeze %dma_start3A_189 : memref<1x128xi32, #tpu.memory_space<vmem>> -> memref<128xi32, #tpu.memory_space<vmem>>
      %dma_start3A_191 = arith.constant 0 : i32
      %dma_start3A_192 = arith.constant 0 : i32
      %dma_start3A_193 = tpu.memref_slice %arg10[%dma_start3A_191, %dma_start3A_192] : memref<10240x128xf32, #tpu.memory_space<vmem_shared>> -> memref<10240x128xf32, #tpu.memory_space<vmem_shared>>
      tpu.enqueue_indirect_dma source(%arg13 : memref<128x128xf32, #tpu.memory_space<vmem>>) target(%dma_start3A_193 : memref<10240x128xf32, #tpu.memory_space<vmem_shared>>) offsets(%dma_start3A_190 : memref<128xi32, #tpu.memory_space<vmem>>) semaphore(%arg19 : memref<!tpu.dma_semaphore, #tpu.memory_space<semaphore_mem>>) {add = true}
      %dma_wait3A_194 = arith.constant 4 : i32
      %dma_wait3A_195 = arith.constant 0 : i32
      %dma_wait3A_196 = tpu.memref_slice %arg12[%dma_wait3A_194, %dma_wait3A_195] : memref<8x128xi32, #tpu.memory_space<vmem>> -> memref<1x128xi32, #tpu.memory_space<vmem>>
      %dma_wait3A_197 = tpu.memref_squeeze %dma_wait3A_196 : memref<1x128xi32, #tpu.memory_space<vmem>> -> memref<128xi32, #tpu.memory_space<vmem>>
      %dma_wait3A_198 = arith.constant 0 : i32
      %dma_wait3A_199 = arith.constant 0 : i32
      %dma_wait3A_200 = tpu.memref_slice %arg10[%dma_wait3A_198, %dma_wait3A_199] : memref<10240x128xf32, #tpu.memory_space<vmem_shared>> -> memref<10240x128xf32, #tpu.memory_space<vmem_shared>>
      tpu.wait_indirect_dma semaphore(%arg19 : memref<!tpu.dma_semaphore, #tpu.memory_space<semaphore_mem>>) src(%arg13 : memref<128x128xf32, #tpu.memory_space<vmem>>) dst(%dma_wait3A_200 : memref<10240x128xf32, #tpu.memory_space<vmem_shared>>)
      %dma_start3A_201 = arith.constant 6 : i32
      %dma_start3A_202 = arith.constant 0 : i32
      %dma_start3A_203 = tpu.memref_slice %arg11[%dma_start3A_201, %dma_start3A_202] : memref<8x128xi32, #tpu.memory_space<vmem>> -> memref<1x128xi32, #tpu.memory_space<vmem>>
      %dma_start3A_204 = tpu.memref_squeeze %dma_start3A_203 : memref<1x128xi32, #tpu.memory_space<vmem>> -> memref<128xi32, #tpu.memory_space<vmem>>
      %dma_start3A_205 = arith.constant 0 : i32
      %dma_start3A_206 = arith.constant 0 : i32
      %dma_start3A_207 = tpu.memref_slice %arg4[%dma_start3A_205, %dma_start3A_206] : memref<20480x128xf32, #tpu.memory_space<hbm>> -> memref<20480x128xf32, #tpu.memory_space<hbm>>
      tpu.enqueue_indirect_dma source(%dma_start3A_207 : memref<20480x128xf32, #tpu.memory_space<hbm>>) target(%arg13 : memref<128x128xf32, #tpu.memory_space<vmem>>) offsets(%dma_start3A_204 : memref<128xi32, #tpu.memory_space<vmem>>) semaphore(%arg17 : memref<!tpu.dma_semaphore, #tpu.memory_space<semaphore_mem>>)
      %dma_wait3A_208 = arith.constant 5 : i32
      %dma_wait3A_209 = arith.constant 0 : i32
      %dma_wait3A_210 = tpu.memref_slice %arg11[%dma_wait3A_208, %dma_wait3A_209] : memref<8x128xi32, #tpu.memory_space<vmem>> -> memref<1x128xi32, #tpu.memory_space<vmem>>
      %dma_wait3A_211 = tpu.memref_squeeze %dma_wait3A_210 : memref<1x128xi32, #tpu.memory_space<vmem>> -> memref<128xi32, #tpu.memory_space<vmem>>
      %dma_wait3A_212 = arith.constant 0 : i32
      %dma_wait3A_213 = arith.constant 0 : i32
      %dma_wait3A_214 = tpu.memref_slice %arg4[%dma_wait3A_212, %dma_wait3A_213] : memref<20480x128xf32, #tpu.memory_space<hbm>> -> memref<20480x128xf32, #tpu.memory_space<hbm>>
      tpu.wait_indirect_dma semaphore(%arg18 : memref<!tpu.dma_semaphore, #tpu.memory_space<semaphore_mem>>) src(%dma_wait3A_214 : memref<20480x128xf32, #tpu.memory_space<hbm>>) dst(%arg14 : memref<128x128xf32, #tpu.memory_space<vmem>>)
      %dma_start3A_215 = arith.constant 5 : i32
      %dma_start3A_216 = arith.constant 0 : i32
      %dma_start3A_217 = tpu.memref_slice %arg12[%dma_start3A_215, %dma_start3A_216] : memref<8x128xi32, #tpu.memory_space<vmem>> -> memref<1x128xi32, #tpu.memory_space<vmem>>
      %dma_start3A_218 = tpu.memref_squeeze %dma_start3A_217 : memref<1x128xi32, #tpu.memory_space<vmem>> -> memref<128xi32, #tpu.memory_space<vmem>>
      %dma_start3A_219 = arith.constant 0 : i32
      %dma_start3A_220 = arith.constant 0 : i32
      %dma_start3A_221 = tpu.memref_slice %arg10[%dma_start3A_219, %dma_start3A_220] : memref<10240x128xf32, #tpu.memory_space<vmem_shared>> -> memref<10240x128xf32, #tpu.memory_space<vmem_shared>>
      tpu.enqueue_indirect_dma source(%arg14 : memref<128x128xf32, #tpu.memory_space<vmem>>) target(%dma_start3A_221 : memref<10240x128xf32, #tpu.memory_space<vmem_shared>>) offsets(%dma_start3A_218 : memref<128xi32, #tpu.memory_space<vmem>>) semaphore(%arg20 : memref<!tpu.dma_semaphore, #tpu.memory_space<semaphore_mem>>) {add = true}
      %dma_wait3A_222 = arith.constant 5 : i32
      %dma_wait3A_223 = arith.constant 0 : i32
      %dma_wait3A_224 = tpu.memref_slice %arg12[%dma_wait3A_222, %dma_wait3A_223] : memref<8x128xi32, #tpu.memory_space<vmem>> -> memref<1x128xi32, #tpu.memory_space<vmem>>
      %dma_wait3A_225 = tpu.memref_squeeze %dma_wait3A_224 : memref<1x128xi32, #tpu.memory_space<vmem>> -> memref<128xi32, #tpu.memory_space<vmem>>
      %dma_wait3A_226 = arith.constant 0 : i32
      %dma_wait3A_227 = arith.constant 0 : i32
      %dma_wait3A_228 = tpu.memref_slice %arg10[%dma_wait3A_226, %dma_wait3A_227] : memref<10240x128xf32, #tpu.memory_space<vmem_shared>> -> memref<10240x128xf32, #tpu.memory_space<vmem_shared>>
      tpu.wait_indirect_dma semaphore(%arg20 : memref<!tpu.dma_semaphore, #tpu.memory_space<semaphore_mem>>) src(%arg14 : memref<128x128xf32, #tpu.memory_space<vmem>>) dst(%dma_wait3A_228 : memref<10240x128xf32, #tpu.memory_space<vmem_shared>>)
      %dma_start3A_229 = arith.constant 7 : i32
      %dma_start3A_230 = arith.constant 0 : i32
      %dma_start3A_231 = tpu.memref_slice %arg11[%dma_start3A_229, %dma_start3A_230] : memref<8x128xi32, #tpu.memory_space<vmem>> -> memref<1x128xi32, #tpu.memory_space<vmem>>
      %dma_start3A_232 = tpu.memref_squeeze %dma_start3A_231 : memref<1x128xi32, #tpu.memory_space<vmem>> -> memref<128xi32, #tpu.memory_space<vmem>>
      %dma_start3A_233 = arith.constant 0 : i32
      %dma_start3A_234 = arith.constant 0 : i32
      %dma_start3A_235 = tpu.memref_slice %arg4[%dma_start3A_233, %dma_start3A_234] : memref<20480x128xf32, #tpu.memory_space<hbm>> -> memref<20480x128xf32, #tpu.memory_space<hbm>>
      tpu.enqueue_indirect_dma source(%dma_start3A_235 : memref<20480x128xf32, #tpu.memory_space<hbm>>) target(%arg14 : memref<128x128xf32, #tpu.memory_space<vmem>>) offsets(%dma_start3A_232 : memref<128xi32, #tpu.memory_space<vmem>>) semaphore(%arg18 : memref<!tpu.dma_semaphore, #tpu.memory_space<semaphore_mem>>)
      %dma_wait3A_236 = arith.constant 6 : i32
      %dma_wait3A_237 = arith.constant 0 : i32
      %dma_wait3A_238 = tpu.memref_slice %arg11[%dma_wait3A_236, %dma_wait3A_237] : memref<8x128xi32, #tpu.memory_space<vmem>> -> memref<1x128xi32, #tpu.memory_space<vmem>>
      %dma_wait3A_239 = tpu.memref_squeeze %dma_wait3A_238 : memref<1x128xi32, #tpu.memory_space<vmem>> -> memref<128xi32, #tpu.memory_space<vmem>>
      %dma_wait3A_240 = arith.constant 0 : i32
      %dma_wait3A_241 = arith.constant 0 : i32
      %dma_wait3A_242 = tpu.memref_slice %arg4[%dma_wait3A_240, %dma_wait3A_241] : memref<20480x128xf32, #tpu.memory_space<hbm>> -> memref<20480x128xf32, #tpu.memory_space<hbm>>
      tpu.wait_indirect_dma semaphore(%arg17 : memref<!tpu.dma_semaphore, #tpu.memory_space<semaphore_mem>>) src(%dma_wait3A_242 : memref<20480x128xf32, #tpu.memory_space<hbm>>) dst(%arg13 : memref<128x128xf32, #tpu.memory_space<vmem>>)
      %dma_start3A_243 = arith.constant 6 : i32
      %dma_start3A_244 = arith.constant 0 : i32
      %dma_start3A_245 = tpu.memref_slice %arg12[%dma_start3A_243, %dma_start3A_244] : memref<8x128xi32, #tpu.memory_space<vmem>> -> memref<1x128xi32, #tpu.memory_space<vmem>>
      %dma_start3A_246 = tpu.memref_squeeze %dma_start3A_245 : memref<1x128xi32, #tpu.memory_space<vmem>> -> memref<128xi32, #tpu.memory_space<vmem>>
      %dma_start3A_247 = arith.constant 0 : i32
      %dma_start3A_248 = arith.constant 0 : i32
      %dma_start3A_249 = tpu.memref_slice %arg10[%dma_start3A_247, %dma_start3A_248] : memref<10240x128xf32, #tpu.memory_space<vmem_shared>> -> memref<10240x128xf32, #tpu.memory_space<vmem_shared>>
      tpu.enqueue_indirect_dma source(%arg13 : memref<128x128xf32, #tpu.memory_space<vmem>>) target(%dma_start3A_249 : memref<10240x128xf32, #tpu.memory_space<vmem_shared>>) offsets(%dma_start3A_246 : memref<128xi32, #tpu.memory_space<vmem>>) semaphore(%arg19 : memref<!tpu.dma_semaphore, #tpu.memory_space<semaphore_mem>>) {add = true}
      %dma_wait3A_250 = arith.constant 7 : i32
      %dma_wait3A_251 = arith.constant 0 : i32
      %dma_wait3A_252 = tpu.memref_slice %arg11[%dma_wait3A_250, %dma_wait3A_251] : memref<8x128xi32, #tpu.memory_space<vmem>> -> memref<1x128xi32, #tpu.memory_space<vmem>>
      %dma_wait3A_253 = tpu.memref_squeeze %dma_wait3A_252 : memref<1x128xi32, #tpu.memory_space<vmem>> -> memref<128xi32, #tpu.memory_space<vmem>>
      %dma_wait3A_254 = arith.constant 0 : i32
      %dma_wait3A_255 = arith.constant 0 : i32
      %dma_wait3A_256 = tpu.memref_slice %arg4[%dma_wait3A_254, %dma_wait3A_255] : memref<20480x128xf32, #tpu.memory_space<hbm>> -> memref<20480x128xf32, #tpu.memory_space<hbm>>
      tpu.wait_indirect_dma semaphore(%arg18 : memref<!tpu.dma_semaphore, #tpu.memory_space<semaphore_mem>>) src(%dma_wait3A_256 : memref<20480x128xf32, #tpu.memory_space<hbm>>) dst(%arg14 : memref<128x128xf32, #tpu.memory_space<vmem>>)
      %dma_start3A_257 = arith.constant 7 : i32
      %dma_start3A_258 = arith.constant 0 : i32
      %dma_start3A_259 = tpu.memref_slice %arg12[%dma_start3A_257, %dma_start3A_258] : memref<8x128xi32, #tpu.memory_space<vmem>> -> memref<1x128xi32, #tpu.memory_space<vmem>>
      %dma_start3A_260 = tpu.memref_squeeze %dma_start3A_259 : memref<1x128xi32, #tpu.memory_space<vmem>> -> memref<128xi32, #tpu.memory_space<vmem>>
      %dma_start3A_261 = arith.constant 0 : i32
      %dma_start3A_262 = arith.constant 0 : i32
      %dma_start3A_263 = tpu.memref_slice %arg10[%dma_start3A_261, %dma_start3A_262] : memref<10240x128xf32, #tpu.memory_space<vmem_shared>> -> memref<10240x128xf32, #tpu.memory_space<vmem_shared>>
      tpu.enqueue_indirect_dma source(%arg14 : memref<128x128xf32, #tpu.memory_space<vmem>>) target(%dma_start3A_263 : memref<10240x128xf32, #tpu.memory_space<vmem_shared>>) offsets(%dma_start3A_260 : memref<128xi32, #tpu.memory_space<vmem>>) semaphore(%arg20 : memref<!tpu.dma_semaphore, #tpu.memory_space<semaphore_mem>>) {add = true}
      %dma_wait3A_264 = arith.constant 6 : i32
      %dma_wait3A_265 = arith.constant 0 : i32
      %dma_wait3A_266 = tpu.memref_slice %arg12[%dma_wait3A_264, %dma_wait3A_265] : memref<8x128xi32, #tpu.memory_space<vmem>> -> memref<1x128xi32, #tpu.memory_space<vmem>>
      %dma_wait3A_267 = tpu.memref_squeeze %dma_wait3A_266 : memref<1x128xi32, #tpu.memory_space<vmem>> -> memref<128xi32, #tpu.memory_space<vmem>>
      %dma_wait3A_268 = arith.constant 0 : i32
      %dma_wait3A_269 = arith.constant 0 : i32
      %dma_wait3A_270 = tpu.memref_slice %arg10[%dma_wait3A_268, %dma_wait3A_269] : memref<10240x128xf32, #tpu.memory_space<vmem_shared>> -> memref<10240x128xf32, #tpu.memory_space<vmem_shared>>
      tpu.wait_indirect_dma semaphore(%arg19 : memref<!tpu.dma_semaphore, #tpu.memory_space<semaphore_mem>>) src(%arg13 : memref<128x128xf32, #tpu.memory_space<vmem>>) dst(%dma_wait3A_270 : memref<10240x128xf32, #tpu.memory_space<vmem_shared>>)
      %dma_wait3A_271 = arith.constant 7 : i32
      %dma_wait3A_272 = arith.constant 0 : i32
      %dma_wait3A_273 = tpu.memref_slice %arg12[%dma_wait3A_271, %dma_wait3A_272] : memref<8x128xi32, #tpu.memory_space<vmem>> -> memref<1x128xi32, #tpu.memory_space<vmem>>
      %dma_wait3A_274 = tpu.memref_squeeze %dma_wait3A_273 : memref<1x128xi32, #tpu.memory_space<vmem>> -> memref<128xi32, #tpu.memory_space<vmem>>
      %dma_wait3A_275 = arith.constant 0 : i32
      %dma_wait3A_276 = arith.constant 0 : i32
      %dma_wait3A_277 = tpu.memref_slice %arg10[%dma_wait3A_275, %dma_wait3A_276] : memref<10240x128xf32, #tpu.memory_space<vmem_shared>> -> memref<10240x128xf32, #tpu.memory_space<vmem_shared>>
      tpu.wait_indirect_dma semaphore(%arg20 : memref<!tpu.dma_semaphore, #tpu.memory_space<semaphore_mem>>) src(%arg14 : memref<128x128xf32, #tpu.memory_space<vmem>>) dst(%dma_wait3A_277 : memref<10240x128xf32, #tpu.memory_space<vmem_shared>>)
      %scan3A_278 = arith.constant 0 : i32
      scf.yield %scan3A_278 : i32
    }
    %scan3A_6 = arith.constant 11 : i32
    %barrier3A_7 = arith.constant 0 : index
    tpu.barrier barrier_id(%barrier3A_7)
    %scan3A_8 = arith.constant 0 : i32
    %scan3A_9 = arith.constant 0 : i32
    %scan3A_10 = arith.constant 20 : i32
    %scan3A_11 = arith.addi %scan3A_9, %scan3A_10 : i32
    %scan3A_12 = arith.constant 1 : i32
    %scan3A_13 = scf.for %scan3A_50 = %scan3A_9 to %scan3A_11 step %scan3A_12 iter_args(%scan3A_51 = %scan3A_8) -> (i32)  : i32 {
      %mul3A_52 = arith.constant 32 : i32
      %mul3A_53 = arith.muli %scan3A_50, %mul3A_52 : i32
      %add3A = arith.addi %mul3A_0, %mul3A_53 : i32
      "tpu.region"() ({
        %run_scoped3A = tpu.sem_alloc : memref<!tpu.dma_semaphore, #tpu.memory_space<semaphore_mem>>
        %dma_start3A = arith.constant 0 : i32
        %dma_start3A_65 = tpu.memref_slice %arg10[%add3A, %dma_start3A] : memref<10240x128xf32, #tpu.memory_space<vmem_shared>> -> memref<32x128xf32, #tpu.memory_space<vmem_shared>>
        %dma_start3A_66 = arith.constant 0 : i32
        %dma_start3A_67 = tpu.memref_slice %arg10[%add3A, %dma_start3A_66] : memref<10240x128xf32, #tpu.memory_space<vmem_shared>> -> memref<32x128xf32, #tpu.memory_space<vmem_shared>>
        tpu.enqueue_dma source(%dma_start3A_67 : memref<32x128xf32, #tpu.memory_space<vmem_shared>>) target(%arg15 : memref<32x128xf32, #tpu.memory_space<vmem>>) target_semaphore(%run_scoped3A : memref<!tpu.dma_semaphore, #tpu.memory_space<semaphore_mem>>)
        %dma_wait3A = arith.constant 0 : i32
        %dma_wait3A_68 = tpu.memref_slice %arg10[%add3A, %dma_wait3A] : memref<10240x128xf32, #tpu.memory_space<vmem_shared>> -> memref<32x128xf32, #tpu.memory_space<vmem_shared>>
        %dma_wait3A_69 = arith.constant 0 : i32
        %dma_wait3A_70 = tpu.memref_slice %arg10[%add3A, %dma_wait3A_69] : memref<10240x128xf32, #tpu.memory_space<vmem_shared>> -> memref<32x128xf32, #tpu.memory_space<vmem_shared>>
        tpu.wait_dma2 semaphore(%run_scoped3A : memref<!tpu.dma_semaphore, #tpu.memory_space<semaphore_mem>>) src(%dma_wait3A_70 : memref<32x128xf32, #tpu.memory_space<vmem_shared>>) dst(%arg15 : memref<32x128xf32, #tpu.memory_space<vmem>>)
        tpu.yield
      }) : () -> ()
      "tpu.region"() ({
        %run_scoped3A = tpu.sem_alloc : memref<!tpu.dma_semaphore, #tpu.memory_space<semaphore_mem>>
        %dma_start3A = arith.constant 0 : i32
        %dma_start3A_65 = tpu.memref_slice %arg5[%add3A, %dma_start3A] : memref<10240x16xf32, #tpu.memory_space<hbm>> -> memref<32x16xf32, #tpu.memory_space<hbm>>
        %dma_start3A_66 = arith.constant 0 : i32
        %dma_start3A_67 = tpu.memref_slice %arg5[%add3A, %dma_start3A_66] : memref<10240x16xf32, #tpu.memory_space<hbm>> -> memref<32x16xf32, #tpu.memory_space<hbm>>
        tpu.enqueue_dma source(%dma_start3A_67 : memref<32x16xf32, #tpu.memory_space<hbm>>) target(%arg16 : memref<32x16xf32, #tpu.memory_space<vmem>>) target_semaphore(%run_scoped3A : memref<!tpu.dma_semaphore, #tpu.memory_space<semaphore_mem>>)
        %dma_wait3A = arith.constant 0 : i32
        %dma_wait3A_68 = tpu.memref_slice %arg5[%add3A, %dma_wait3A] : memref<10240x16xf32, #tpu.memory_space<hbm>> -> memref<32x16xf32, #tpu.memory_space<hbm>>
        %dma_wait3A_69 = arith.constant 0 : i32
        %dma_wait3A_70 = tpu.memref_slice %arg5[%add3A, %dma_wait3A_69] : memref<10240x16xf32, #tpu.memory_space<hbm>> -> memref<32x16xf32, #tpu.memory_space<hbm>>
        tpu.wait_dma2 semaphore(%run_scoped3A : memref<!tpu.dma_semaphore, #tpu.memory_space<semaphore_mem>>) src(%dma_wait3A_70 : memref<32x16xf32, #tpu.memory_space<hbm>>) dst(%arg16 : memref<32x16xf32, #tpu.memory_space<vmem>>)
        tpu.yield
      }) : () -> ()
      %scan3A_54 = arith.constant 0 : i32
      %scan3A_55 = arith.constant 0 : i32
      %scan3A_56 = arith.constant 32 : i32
      %scan3A_57 = arith.addi %scan3A_55, %scan3A_56 : i32
      %scan3A_58 = arith.constant 1 : i32
      %scan3A_59 = scf.for %scan3A_65 = %scan3A_55 to %scan3A_57 step %scan3A_58 iter_args(%scan3A_66 = %scan3A_54) -> (i32)  : i32 {
        %get3A = arith.index_cast %scan3A_65 : i32 to index
        %get3A_67 = arith.constant 0 : index
        %get3A_68 = tpu.vector_load %arg15[%get3A, %get3A_67] {strides = array<i32>} : memref<32x128xf32, #tpu.memory_space<vmem>>, vector<1x16xf32>,
        %get3A_69 = vector.shape_cast %get3A_68 : vector<1x16xf32> to vector<16xf32>
        %get3A_70 = arith.index_cast %scan3A_65 : i32 to index
        %get3A_71 = arith.constant 0 : index
        %get3A_72 = tpu.vector_load %arg16[%get3A_70, %get3A_71] {strides = array<i32>} : memref<32x16xf32, #tpu.memory_space<vmem>>, vector<1x16xf32>,
        %get3A_73 = vector.shape_cast %get3A_72 : vector<1x16xf32> to vector<16xf32>
        %mul3A_74 = arith.mulf %get3A_69, %get3A_73 : vector<16xf32>
        %swap3A = arith.index_cast %scan3A_65 : i32 to index
        %swap3A_75 = arith.constant 0 : index
        %swap3A_76 = tpu.vector_load %arg15[%swap3A, %swap3A_75] {strides = array<i32>} : memref<32x128xf32, #tpu.memory_space<vmem>>, vector<1x16xf32>,
        %swap3A_77 = vector.shape_cast %swap3A_76 : vector<1x16xf32> to vector<16xf32>
        %swap3A_78 = vector.shape_cast %mul3A_74 : vector<16xf32> to vector<1x16xf32>
        tpu.vector_store %arg15[%swap3A, %swap3A_75], %swap3A_78 {strides = array<i32>} : memref<32x128xf32, #tpu.memory_space<vmem>>, vector<1x16xf32>,
        %get3A_79 = arith.index_cast %scan3A_65 : i32 to index
        %get3A_80 = arith.constant 16 : index
        %get3A_81 = tpu.vector_load %arg15[%get3A_79, %get3A_80] {strides = array<i32>} : memref<32x128xf32, #tpu.memory_space<vmem>>, vector<1x16xf32>,
        %get3A_82 = vector.shape_cast %get3A_81 : vector<1x16xf32> to vector<16xf32>
        %get3A_83 = arith.index_cast %scan3A_65 : i32 to index
        %get3A_84 = arith.constant 0 : index
        %get3A_85 = tpu.vector_load %arg16[%get3A_83, %get3A_84] {strides = array<i32>} : memref<32x16xf32, #tpu.memory_space<vmem>>, vector<1x16xf32>,
        %get3A_86 = vector.shape_cast %get3A_85 : vector<1x16xf32> to vector<16xf32>
        %mul3A_87 = arith.mulf %get3A_82, %get3A_86 : vector<16xf32>
        %swap3A_88 = arith.index_cast %scan3A_65 : i32 to index
        %swap3A_89 = arith.constant 16 : index
        %swap3A_90 = tpu.vector_load %arg15[%swap3A_88, %swap3A_89] {strides = array<i32>} : memref<32x128xf32, #tpu.memory_space<vmem>>, vector<1x16xf32>,
        %swap3A_91 = vector.shape_cast %swap3A_90 : vector<1x16xf32> to vector<16xf32>
        %swap3A_92 = vector.shape_cast %mul3A_87 : vector<16xf32> to vector<1x16xf32>
        tpu.vector_store %arg15[%swap3A_88, %swap3A_89], %swap3A_92 {strides = array<i32>} : memref<32x128xf32, #tpu.memory_space<vmem>>, vector<1x16xf32>,
        %get3A_93 = arith.index_cast %scan3A_65 : i32 to index
        %get3A_94 = arith.constant 32 : index
        %get3A_95 = tpu.vector_load %arg15[%get3A_93, %get3A_94] {strides = array<i32>} : memref<32x128xf32, #tpu.memory_space<vmem>>, vector<1x16xf32>,
        %get3A_96 = vector.shape_cast %get3A_95 : vector<1x16xf32> to vector<16xf32>
        %get3A_97 = arith.index_cast %scan3A_65 : i32 to index
        %get3A_98 = arith.constant 0 : index
        %get3A_99 = tpu.vector_load %arg16[%get3A_97, %get3A_98] {strides = array<i32>} : memref<32x16xf32, #tpu.memory_space<vmem>>, vector<1x16xf32>,
        %get3A_100 = vector.shape_cast %get3A_99 : vector<1x16xf32> to vector<16xf32>
        %mul3A_101 = arith.mulf %get3A_96, %get3A_100 : vector<16xf32>
        %swap3A_102 = arith.index_cast %scan3A_65 : i32 to index
        %swap3A_103 = arith.constant 32 : index
        %swap3A_104 = tpu.vector_load %arg15[%swap3A_102, %swap3A_103] {strides = array<i32>} : memref<32x128xf32, #tpu.memory_space<vmem>>, vector<1x16xf32>,
        %swap3A_105 = vector.shape_cast %swap3A_104 : vector<1x16xf32> to vector<16xf32>
        %swap3A_106 = vector.shape_cast %mul3A_101 : vector<16xf32> to vector<1x16xf32>
        tpu.vector_store %arg15[%swap3A_102, %swap3A_103], %swap3A_106 {strides = array<i32>} : memref<32x128xf32, #tpu.memory_space<vmem>>, vector<1x16xf32>,
        %get3A_107 = arith.index_cast %scan3A_65 : i32 to index
        %get3A_108 = arith.constant 48 : index
        %get3A_109 = tpu.vector_load %arg15[%get3A_107, %get3A_108] {strides = array<i32>} : memref<32x128xf32, #tpu.memory_space<vmem>>, vector<1x16xf32>,
        %get3A_110 = vector.shape_cast %get3A_109 : vector<1x16xf32> to vector<16xf32>
        %get3A_111 = arith.index_cast %scan3A_65 : i32 to index
        %get3A_112 = arith.constant 0 : index
        %get3A_113 = tpu.vector_load %arg16[%get3A_111, %get3A_112] {strides = array<i32>} : memref<32x16xf32, #tpu.memory_space<vmem>>, vector<1x16xf32>,
        %get3A_114 = vector.shape_cast %get3A_113 : vector<1x16xf32> to vector<16xf32>
        %mul3A_115 = arith.mulf %get3A_110, %get3A_114 : vector<16xf32>
        %swap3A_116 = arith.index_cast %scan3A_65 : i32 to index
        %swap3A_117 = arith.constant 48 : index
        %swap3A_118 = tpu.vector_load %arg15[%swap3A_116, %swap3A_117] {strides = array<i32>} : memref<32x128xf32, #tpu.memory_space<vmem>>, vector<1x16xf32>,
        %swap3A_119 = vector.shape_cast %swap3A_118 : vector<1x16xf32> to vector<16xf32>
        %swap3A_120 = vector.shape_cast %mul3A_115 : vector<16xf32> to vector<1x16xf32>
        tpu.vector_store %arg15[%swap3A_116, %swap3A_117], %swap3A_120 {strides = array<i32>} : memref<32x128xf32, #tpu.memory_space<vmem>>, vector<1x16xf32>,
        %get3A_121 = arith.index_cast %scan3A_65 : i32 to index
        %get3A_122 = arith.constant 64 : index
        %get3A_123 = tpu.vector_load %arg15[%get3A_121, %get3A_122] {strides = array<i32>} : memref<32x128xf32, #tpu.memory_space<vmem>>, vector<1x16xf32>,
        %get3A_124 = vector.shape_cast %get3A_123 : vector<1x16xf32> to vector<16xf32>
        %get3A_125 = arith.index_cast %scan3A_65 : i32 to index
        %get3A_126 = arith.constant 0 : index
        %get3A_127 = tpu.vector_load %arg16[%get3A_125, %get3A_126] {strides = array<i32>} : memref<32x16xf32, #tpu.memory_space<vmem>>, vector<1x16xf32>,
        %get3A_128 = vector.shape_cast %get3A_127 : vector<1x16xf32> to vector<16xf32>
        %mul3A_129 = arith.mulf %get3A_124, %get3A_128 : vector<16xf32>
        %swap3A_130 = arith.index_cast %scan3A_65 : i32 to index
        %swap3A_131 = arith.constant 64 : index
        %swap3A_132 = tpu.vector_load %arg15[%swap3A_130, %swap3A_131] {strides = array<i32>} : memref<32x128xf32, #tpu.memory_space<vmem>>, vector<1x16xf32>,
        %swap3A_133 = vector.shape_cast %swap3A_132 : vector<1x16xf32> to vector<16xf32>
        %swap3A_134 = vector.shape_cast %mul3A_129 : vector<16xf32> to vector<1x16xf32>
        tpu.vector_store %arg15[%swap3A_130, %swap3A_131], %swap3A_134 {strides = array<i32>} : memref<32x128xf32, #tpu.memory_space<vmem>>, vector<1x16xf32>,
        %get3A_135 = arith.index_cast %scan3A_65 : i32 to index
        %get3A_136 = arith.constant 80 : index
        %get3A_137 = tpu.vector_load %arg15[%get3A_135, %get3A_136] {strides = array<i32>} : memref<32x128xf32, #tpu.memory_space<vmem>>, vector<1x16xf32>,
        %get3A_138 = vector.shape_cast %get3A_137 : vector<1x16xf32> to vector<16xf32>
        %get3A_139 = arith.index_cast %scan3A_65 : i32 to index
        %get3A_140 = arith.constant 0 : index
        %get3A_141 = tpu.vector_load %arg16[%get3A_139, %get3A_140] {strides = array<i32>} : memref<32x16xf32, #tpu.memory_space<vmem>>, vector<1x16xf32>,
        %get3A_142 = vector.shape_cast %get3A_141 : vector<1x16xf32> to vector<16xf32>
        %mul3A_143 = arith.mulf %get3A_138, %get3A_142 : vector<16xf32>
        %swap3A_144 = arith.index_cast %scan3A_65 : i32 to index
        %swap3A_145 = arith.constant 80 : index
        %swap3A_146 = tpu.vector_load %arg15[%swap3A_144, %swap3A_145] {strides = array<i32>} : memref<32x128xf32, #tpu.memory_space<vmem>>, vector<1x16xf32>,
        %swap3A_147 = vector.shape_cast %swap3A_146 : vector<1x16xf32> to vector<16xf32>
        %swap3A_148 = vector.shape_cast %mul3A_143 : vector<16xf32> to vector<1x16xf32>
        tpu.vector_store %arg15[%swap3A_144, %swap3A_145], %swap3A_148 {strides = array<i32>} : memref<32x128xf32, #tpu.memory_space<vmem>>, vector<1x16xf32>,
        %get3A_149 = arith.index_cast %scan3A_65 : i32 to index
        %get3A_150 = arith.constant 96 : index
        %get3A_151 = tpu.vector_load %arg15[%get3A_149, %get3A_150] {strides = array<i32>} : memref<32x128xf32, #tpu.memory_space<vmem>>, vector<1x16xf32>,
        %get3A_152 = vector.shape_cast %get3A_151 : vector<1x16xf32> to vector<16xf32>
        %get3A_153 = arith.index_cast %scan3A_65 : i32 to index
        %get3A_154 = arith.constant 0 : index
        %get3A_155 = tpu.vector_load %arg16[%get3A_153, %get3A_154] {strides = array<i32>} : memref<32x16xf32, #tpu.memory_space<vmem>>, vector<1x16xf32>,
        %get3A_156 = vector.shape_cast %get3A_155 : vector<1x16xf32> to vector<16xf32>
        %mul3A_157 = arith.mulf %get3A_152, %get3A_156 : vector<16xf32>
        %swap3A_158 = arith.index_cast %scan3A_65 : i32 to index
        %swap3A_159 = arith.constant 96 : index
        %swap3A_160 = tpu.vector_load %arg15[%swap3A_158, %swap3A_159] {strides = array<i32>} : memref<32x128xf32, #tpu.memory_space<vmem>>, vector<1x16xf32>,
        %swap3A_161 = vector.shape_cast %swap3A_160 : vector<1x16xf32> to vector<16xf32>
        %swap3A_162 = vector.shape_cast %mul3A_157 : vector<16xf32> to vector<1x16xf32>
        tpu.vector_store %arg15[%swap3A_158, %swap3A_159], %swap3A_162 {strides = array<i32>} : memref<32x128xf32, #tpu.memory_space<vmem>>, vector<1x16xf32>,
        %get3A_163 = arith.index_cast %scan3A_65 : i32 to index
        %get3A_164 = arith.constant 112 : index
        %get3A_165 = tpu.vector_load %arg15[%get3A_163, %get3A_164] {strides = array<i32>} : memref<32x128xf32, #tpu.memory_space<vmem>>, vector<1x16xf32>,
        %get3A_166 = vector.shape_cast %get3A_165 : vector<1x16xf32> to vector<16xf32>
        %get3A_167 = arith.index_cast %scan3A_65 : i32 to index
        %get3A_168 = arith.constant 0 : index
        %get3A_169 = tpu.vector_load %arg16[%get3A_167, %get3A_168] {strides = array<i32>} : memref<32x16xf32, #tpu.memory_space<vmem>>, vector<1x16xf32>,
        %get3A_170 = vector.shape_cast %get3A_169 : vector<1x16xf32> to vector<16xf32>
        %mul3A_171 = arith.mulf %get3A_166, %get3A_170 : vector<16xf32>
        %swap3A_172 = arith.index_cast %scan3A_65 : i32 to index
        %swap3A_173 = arith.constant 112 : index
        %swap3A_174 = tpu.vector_load %arg15[%swap3A_172, %swap3A_173] {strides = array<i32>} : memref<32x128xf32, #tpu.memory_space<vmem>>, vector<1x16xf32>,
        %swap3A_175 = vector.shape_cast %swap3A_174 : vector<1x16xf32> to vector<16xf32>
        %swap3A_176 = vector.shape_cast %mul3A_171 : vector<16xf32> to vector<1x16xf32>
        tpu.vector_store %arg15[%swap3A_172, %swap3A_173], %swap3A_176 {strides = array<i32>} : memref<32x128xf32, #tpu.memory_space<vmem>>, vector<1x16xf32>,
        %scan3A_177 = arith.constant 0 : i32
        scf.yield %scan3A_177 : i32
      }
      %scan3A_60 = arith.constant 32 : i32
      %mul3A_61 = arith.constant 10240 : i32
      %mul3A_62 = arith.muli %arg0, %mul3A_61 : i32
      %add3A_63 = arith.addi %mul3A_62, %add3A : i32
      "tpu.region"() ({
        %run_scoped3A = tpu.sem_alloc : memref<!tpu.dma_semaphore, #tpu.memory_space<semaphore_mem>>
        %dma_start3A = arith.constant 0 : i32
        %dma_start3A_65 = tpu.memref_slice %arg7[%add3A_63, %dma_start3A] : memref<20480x128xf32, #tpu.memory_space<hbm>> -> memref<32x128xf32, #tpu.memory_space<hbm>>
        %dma_start3A_66 = arith.constant 0 : i32
        %dma_start3A_67 = tpu.memref_slice %arg7[%add3A_63, %dma_start3A_66] : memref<20480x128xf32, #tpu.memory_space<hbm>> -> memref<32x128xf32, #tpu.memory_space<hbm>>
        tpu.enqueue_dma source(%arg15 : memref<32x128xf32, #tpu.memory_space<vmem>>) target(%dma_start3A_67 : memref<32x128xf32, #tpu.memory_space<hbm>>) target_semaphore(%run_scoped3A : memref<!tpu.dma_semaphore, #tpu.memory_space<semaphore_mem>>)
        %dma_wait3A = arith.constant 0 : i32
        %dma_wait3A_68 = tpu.memref_slice %arg7[%add3A_63, %dma_wait3A] : memref<20480x128xf32, #tpu.memory_space<hbm>> -> memref<32x128xf32, #tpu.memory_space<hbm>>
        %dma_wait3A_69 = arith.constant 0 : i32
        %dma_wait3A_70 = tpu.memref_slice %arg7[%add3A_63, %dma_wait3A_69] : memref<20480x128xf32, #tpu.memory_space<hbm>> -> memref<32x128xf32, #tpu.memory_space<hbm>>
        tpu.wait_dma2 semaphore(%run_scoped3A : memref<!tpu.dma_semaphore, #tpu.memory_space<semaphore_mem>>) src(%arg15 : memref<32x128xf32, #tpu.memory_space<vmem>>) dst(%dma_wait3A_70 : memref<32x128xf32, #tpu.memory_space<hbm>>)
        tpu.yield
      }) : () -> ()
      %scan3A_64 = arith.constant 0 : i32
      scf.yield %scan3A_64 : i32
    }
    %scan3A_14 = arith.constant 20 : i32
    %barrier3A_15 = arith.constant 0 : index
    tpu.barrier barrier_id(%barrier3A_15)
    "tpu.region"() ({
      %run_scoped3A = tpu.sem_alloc : memref<!tpu.dma_semaphore, #tpu.memory_space<semaphore_mem>>
      %dma_start3A = arith.constant 0 : i32
      %dma_start3A_50 = tpu.memref_slice %arg10[%mul3A_0, %dma_start3A] : memref<10240x128xf32, #tpu.memory_space<vmem_shared>> -> memref<640x128xf32, #tpu.memory_space<vmem_shared>>
      tpu.enqueue_dma source(%arg6 : memref<640x128xf32, #tpu.memory_space<hbm>>) target(%dma_start3A_50 : memref<640x128xf32, #tpu.memory_space<vmem_shared>>) target_semaphore(%run_scoped3A : memref<!tpu.dma_semaphore, #tpu.memory_space<semaphore_mem>>)
      %dma_wait3A = arith.constant 0 : i32
      %dma_wait3A_51 = tpu.memref_slice %arg10[%mul3A_0, %dma_wait3A] : memref<10240x128xf32, #tpu.memory_space<vmem_shared>> -> memref<640x128xf32, #tpu.memory_space<vmem_shared>>
      tpu.wait_dma2 semaphore(%run_scoped3A : memref<!tpu.dma_semaphore, #tpu.memory_space<semaphore_mem>>) src(%arg6 : memref<640x128xf32, #tpu.memory_space<hbm>>) dst(%dma_wait3A_51 : memref<640x128xf32, #tpu.memory_space<vmem_shared>>)
      tpu.yield
    }) : () -> ()
    %barrier3A_16 = arith.constant 0 : index
    tpu.barrier barrier_id(%barrier3A_16)
    %scan3A_17 = arith.constant 0 : i32
    %scan3A_18 = arith.constant 0 : i32
    %scan3A_19 = arith.constant 11 : i32
    %scan3A_20 = arith.addi %scan3A_18, %scan3A_19 : i32
    %scan3A_21 = arith.constant 1 : i32
    %scan3A_22 = scf.for %scan3A_50 = %scan3A_18 to %scan3A_20 step %scan3A_21 iter_args(%scan3A_51 = %scan3A_17) -> (i32)  : i32 {
      %mul3A_52 = arith.constant 8 : i32
      %mul3A_53 = arith.muli %scan3A_50, %mul3A_52 : i32
      "tpu.region"() ({
        %run_scoped3A = tpu.sem_alloc : memref<!tpu.dma_semaphore, #tpu.memory_space<semaphore_mem>>
        %dma_start3A_279 = arith.constant 0 : i32
        %dma_start3A_280 = tpu.memref_slice %arg2[%arg0, %arg1, %mul3A_53, %dma_start3A_279] : memref<2x16x88x128xi32, #tpu.memory_space<hbm>> -> memref<1x1x8x128xi32, #tpu.memory_space<hbm>>
        %dma_start3A_281 = tpu.memref_squeeze %dma_start3A_280 : memref<1x1x8x128xi32, #tpu.memory_space<hbm>> -> memref<8x128xi32, #tpu.memory_space<hbm>>
        %dma_start3A_282 = arith.constant 0 : i32
        %dma_start3A_283 = tpu.memref_slice %arg2[%arg0, %arg1, %mul3A_53, %dma_start3A_282] : memref<2x16x88x128xi32, #tpu.memory_space<hbm>> -> memref<1x1x8x128xi32, #tpu.memory_space<hbm>>
        %dma_start3A_284 = tpu.memref_squeeze %dma_start3A_283 : memref<1x1x8x128xi32, #tpu.memory_space<hbm>> -> memref<8x128xi32, #tpu.memory_space<hbm>>
        tpu.enqueue_dma source(%dma_start3A_284 : memref<8x128xi32, #tpu.memory_space<hbm>>) target(%arg11 : memref<8x128xi32, #tpu.memory_space<vmem>>) target_semaphore(%run_scoped3A : memref<!tpu.dma_semaphore, #tpu.memory_space<semaphore_mem>>)
        %dma_wait3A_285 = arith.constant 0 : i32
        %dma_wait3A_286 = tpu.memref_slice %arg2[%arg0, %arg1, %mul3A_53, %dma_wait3A_285] : memref<2x16x88x128xi32, #tpu.memory_space<hbm>> -> memref<1x1x8x128xi32, #tpu.memory_space<hbm>>
        %dma_wait3A_287 = tpu.memref_squeeze %dma_wait3A_286 : memref<1x1x8x128xi32, #tpu.memory_space<hbm>> -> memref<8x128xi32, #tpu.memory_space<hbm>>
        %dma_wait3A_288 = arith.constant 0 : i32
        %dma_wait3A_289 = tpu.memref_slice %arg2[%arg0, %arg1, %mul3A_53, %dma_wait3A_288] : memref<2x16x88x128xi32, #tpu.memory_space<hbm>> -> memref<1x1x8x128xi32, #tpu.memory_space<hbm>>
        %dma_wait3A_290 = tpu.memref_squeeze %dma_wait3A_289 : memref<1x1x8x128xi32, #tpu.memory_space<hbm>> -> memref<8x128xi32, #tpu.memory_space<hbm>>
        tpu.wait_dma2 semaphore(%run_scoped3A : memref<!tpu.dma_semaphore, #tpu.memory_space<semaphore_mem>>) src(%dma_wait3A_290 : memref<8x128xi32, #tpu.memory_space<hbm>>) dst(%arg11 : memref<8x128xi32, #tpu.memory_space<vmem>>)
        tpu.yield
      }) : () -> ()
      %mul3A_54 = arith.constant 8 : i32
      %mul3A_55 = arith.muli %scan3A_50, %mul3A_54 : i32
      "tpu.region"() ({
        %run_scoped3A = tpu.sem_alloc : memref<!tpu.dma_semaphore, #tpu.memory_space<semaphore_mem>>
        %dma_start3A_279 = arith.constant 0 : i32
        %dma_start3A_280 = tpu.memref_slice %arg3[%arg1, %mul3A_55, %dma_start3A_279] : memref<16x88x128xi32, #tpu.memory_space<hbm>> -> memref<1x8x128xi32, #tpu.memory_space<hbm>>
        %dma_start3A_281 = tpu.memref_squeeze %dma_start3A_280 : memref<1x8x128xi32, #tpu.memory_space<hbm>> -> memref<8x128xi32, #tpu.memory_space<hbm>>
        %dma_start3A_282 = arith.constant 0 : i32
        %dma_start3A_283 = tpu.memref_slice %arg3[%arg1, %mul3A_55, %dma_start3A_282] : memref<16x88x128xi32, #tpu.memory_space<hbm>> -> memref<1x8x128xi32, #tpu.memory_space<hbm>>
        %dma_start3A_284 = tpu.memref_squeeze %dma_start3A_283 : memref<1x8x128xi32, #tpu.memory_space<hbm>> -> memref<8x128xi32, #tpu.memory_space<hbm>>
        tpu.enqueue_dma source(%dma_start3A_284 : memref<8x128xi32, #tpu.memory_space<hbm>>) target(%arg12 : memref<8x128xi32, #tpu.memory_space<vmem>>) target_semaphore(%run_scoped3A : memref<!tpu.dma_semaphore, #tpu.memory_space<semaphore_mem>>)
        %dma_wait3A_285 = arith.constant 0 : i32
        %dma_wait3A_286 = tpu.memref_slice %arg3[%arg1, %mul3A_55, %dma_wait3A_285] : memref<16x88x128xi32, #tpu.memory_space<hbm>> -> memref<1x8x128xi32, #tpu.memory_space<hbm>>
        %dma_wait3A_287 = tpu.memref_squeeze %dma_wait3A_286 : memref<1x8x128xi32, #tpu.memory_space<hbm>> -> memref<8x128xi32, #tpu.memory_space<hbm>>
        %dma_wait3A_288 = arith.constant 0 : i32
        %dma_wait3A_289 = tpu.memref_slice %arg3[%arg1, %mul3A_55, %dma_wait3A_288] : memref<16x88x128xi32, #tpu.memory_space<hbm>> -> memref<1x8x128xi32, #tpu.memory_space<hbm>>
        %dma_wait3A_290 = tpu.memref_squeeze %dma_wait3A_289 : memref<1x8x128xi32, #tpu.memory_space<hbm>> -> memref<8x128xi32, #tpu.memory_space<hbm>>
        tpu.wait_dma2 semaphore(%run_scoped3A : memref<!tpu.dma_semaphore, #tpu.memory_space<semaphore_mem>>) src(%dma_wait3A_290 : memref<8x128xi32, #tpu.memory_space<hbm>>) dst(%arg12 : memref<8x128xi32, #tpu.memory_space<vmem>>)
        tpu.yield
      }) : () -> ()
      %dma_start3A = arith.constant 0 : i32
      %dma_start3A_56 = arith.constant 0 : i32
      %dma_start3A_57 = tpu.memref_slice %arg11[%dma_start3A, %dma_start3A_56] : memref<8x128xi32, #tpu.memory_space<vmem>> -> memref<1x128xi32, #tpu.memory_space<vmem>>
      %dma_start3A_58 = tpu.memref_squeeze %dma_start3A_57 : memref<1x128xi32, #tpu.memory_space<vmem>> -> memref<128xi32, #tpu.memory_space<vmem>>
      %dma_start3A_59 = arith.constant 0 : i32
      %dma_start3A_60 = arith.constant 0 : i32
      %dma_start3A_61 = tpu.memref_slice %arg7[%dma_start3A_59, %dma_start3A_60] : memref<20480x128xf32, #tpu.memory_space<hbm>> -> memref<20480x128xf32, #tpu.memory_space<hbm>>
      tpu.enqueue_indirect_dma source(%dma_start3A_61 : memref<20480x128xf32, #tpu.memory_space<hbm>>) target(%arg13 : memref<128x128xf32, #tpu.memory_space<vmem>>) offsets(%dma_start3A_58 : memref<128xi32, #tpu.memory_space<vmem>>) semaphore(%arg17 : memref<!tpu.dma_semaphore, #tpu.memory_space<semaphore_mem>>)
      %dma_start3A_62 = arith.constant 1 : i32
      %dma_start3A_63 = arith.constant 0 : i32
      %dma_start3A_64 = tpu.memref_slice %arg11[%dma_start3A_62, %dma_start3A_63] : memref<8x128xi32, #tpu.memory_space<vmem>> -> memref<1x128xi32, #tpu.memory_space<vmem>>
      %dma_start3A_65 = tpu.memref_squeeze %dma_start3A_64 : memref<1x128xi32, #tpu.memory_space<vmem>> -> memref<128xi32, #tpu.memory_space<vmem>>
      %dma_start3A_66 = arith.constant 0 : i32
      %dma_start3A_67 = arith.constant 0 : i32
      %dma_start3A_68 = tpu.memref_slice %arg7[%dma_start3A_66, %dma_start3A_67] : memref<20480x128xf32, #tpu.memory_space<hbm>> -> memref<20480x128xf32, #tpu.memory_space<hbm>>
      tpu.enqueue_indirect_dma source(%dma_start3A_68 : memref<20480x128xf32, #tpu.memory_space<hbm>>) target(%arg14 : memref<128x128xf32, #tpu.memory_space<vmem>>) offsets(%dma_start3A_65 : memref<128xi32, #tpu.memory_space<vmem>>) semaphore(%arg18 : memref<!tpu.dma_semaphore, #tpu.memory_space<semaphore_mem>>)
      %dma_wait3A = arith.constant 0 : i32
      %dma_wait3A_69 = arith.constant 0 : i32
      %dma_wait3A_70 = tpu.memref_slice %arg11[%dma_wait3A, %dma_wait3A_69] : memref<8x128xi32, #tpu.memory_space<vmem>> -> memref<1x128xi32, #tpu.memory_space<vmem>>
      %dma_wait3A_71 = tpu.memref_squeeze %dma_wait3A_70 : memref<1x128xi32, #tpu.memory_space<vmem>> -> memref<128xi32, #tpu.memory_space<vmem>>
      %dma_wait3A_72 = arith.constant 0 : i32
      %dma_wait3A_73 = arith.constant 0 : i32
      %dma_wait3A_74 = tpu.memref_slice %arg7[%dma_wait3A_72, %dma_wait3A_73] : memref<20480x128xf32, #tpu.memory_space<hbm>> -> memref<20480x128xf32, #tpu.memory_space<hbm>>
      tpu.wait_indirect_dma semaphore(%arg17 : memref<!tpu.dma_semaphore, #tpu.memory_space<semaphore_mem>>) src(%dma_wait3A_74 : memref<20480x128xf32, #tpu.memory_space<hbm>>) dst(%arg13 : memref<128x128xf32, #tpu.memory_space<vmem>>)
      %dma_start3A_75 = arith.constant 0 : i32
      %dma_start3A_76 = arith.constant 0 : i32
      %dma_start3A_77 = tpu.memref_slice %arg12[%dma_start3A_75, %dma_start3A_76] : memref<8x128xi32, #tpu.memory_space<vmem>> -> memref<1x128xi32, #tpu.memory_space<vmem>>
      %dma_start3A_78 = tpu.memref_squeeze %dma_start3A_77 : memref<1x128xi32, #tpu.memory_space<vmem>> -> memref<128xi32, #tpu.memory_space<vmem>>
      %dma_start3A_79 = arith.constant 0 : i32
      %dma_start3A_80 = arith.constant 0 : i32
      %dma_start3A_81 = tpu.memref_slice %arg10[%dma_start3A_79, %dma_start3A_80] : memref<10240x128xf32, #tpu.memory_space<vmem_shared>> -> memref<10240x128xf32, #tpu.memory_space<vmem_shared>>
      tpu.enqueue_indirect_dma source(%arg13 : memref<128x128xf32, #tpu.memory_space<vmem>>) target(%dma_start3A_81 : memref<10240x128xf32, #tpu.memory_space<vmem_shared>>) offsets(%dma_start3A_78 : memref<128xi32, #tpu.memory_space<vmem>>) semaphore(%arg19 : memref<!tpu.dma_semaphore, #tpu.memory_space<semaphore_mem>>) {add = true}
      %dma_wait3A_82 = arith.constant 0 : i32
      %dma_wait3A_83 = arith.constant 0 : i32
      %dma_wait3A_84 = tpu.memref_slice %arg12[%dma_wait3A_82, %dma_wait3A_83] : memref<8x128xi32, #tpu.memory_space<vmem>> -> memref<1x128xi32, #tpu.memory_space<vmem>>
      %dma_wait3A_85 = tpu.memref_squeeze %dma_wait3A_84 : memref<1x128xi32, #tpu.memory_space<vmem>> -> memref<128xi32, #tpu.memory_space<vmem>>
      %dma_wait3A_86 = arith.constant 0 : i32
      %dma_wait3A_87 = arith.constant 0 : i32
      %dma_wait3A_88 = tpu.memref_slice %arg10[%dma_wait3A_86, %dma_wait3A_87] : memref<10240x128xf32, #tpu.memory_space<vmem_shared>> -> memref<10240x128xf32, #tpu.memory_space<vmem_shared>>
      tpu.wait_indirect_dma semaphore(%arg19 : memref<!tpu.dma_semaphore, #tpu.memory_space<semaphore_mem>>) src(%arg13 : memref<128x128xf32, #tpu.memory_space<vmem>>) dst(%dma_wait3A_88 : memref<10240x128xf32, #tpu.memory_space<vmem_shared>>)
      %dma_start3A_89 = arith.constant 2 : i32
      %dma_start3A_90 = arith.constant 0 : i32
      %dma_start3A_91 = tpu.memref_slice %arg11[%dma_start3A_89, %dma_start3A_90] : memref<8x128xi32, #tpu.memory_space<vmem>> -> memref<1x128xi32, #tpu.memory_space<vmem>>
      %dma_start3A_92 = tpu.memref_squeeze %dma_start3A_91 : memref<1x128xi32, #tpu.memory_space<vmem>> -> memref<128xi32, #tpu.memory_space<vmem>>
      %dma_start3A_93 = arith.constant 0 : i32
      %dma_start3A_94 = arith.constant 0 : i32
      %dma_start3A_95 = tpu.memref_slice %arg7[%dma_start3A_93, %dma_start3A_94] : memref<20480x128xf32, #tpu.memory_space<hbm>> -> memref<20480x128xf32, #tpu.memory_space<hbm>>
      tpu.enqueue_indirect_dma source(%dma_start3A_95 : memref<20480x128xf32, #tpu.memory_space<hbm>>) target(%arg13 : memref<128x128xf32, #tpu.memory_space<vmem>>) offsets(%dma_start3A_92 : memref<128xi32, #tpu.memory_space<vmem>>) semaphore(%arg17 : memref<!tpu.dma_semaphore, #tpu.memory_space<semaphore_mem>>)
      %dma_wait3A_96 = arith.constant 1 : i32
      %dma_wait3A_97 = arith.constant 0 : i32
      %dma_wait3A_98 = tpu.memref_slice %arg11[%dma_wait3A_96, %dma_wait3A_97] : memref<8x128xi32, #tpu.memory_space<vmem>> -> memref<1x128xi32, #tpu.memory_space<vmem>>
      %dma_wait3A_99 = tpu.memref_squeeze %dma_wait3A_98 : memref<1x128xi32, #tpu.memory_space<vmem>> -> memref<128xi32, #tpu.memory_space<vmem>>
      %dma_wait3A_100 = arith.constant 0 : i32
      %dma_wait3A_101 = arith.constant 0 : i32
      %dma_wait3A_102 = tpu.memref_slice %arg7[%dma_wait3A_100, %dma_wait3A_101] : memref<20480x128xf32, #tpu.memory_space<hbm>> -> memref<20480x128xf32, #tpu.memory_space<hbm>>
      tpu.wait_indirect_dma semaphore(%arg18 : memref<!tpu.dma_semaphore, #tpu.memory_space<semaphore_mem>>) src(%dma_wait3A_102 : memref<20480x128xf32, #tpu.memory_space<hbm>>) dst(%arg14 : memref<128x128xf32, #tpu.memory_space<vmem>>)
      %dma_start3A_103 = arith.constant 1 : i32
      %dma_start3A_104 = arith.constant 0 : i32
      %dma_start3A_105 = tpu.memref_slice %arg12[%dma_start3A_103, %dma_start3A_104] : memref<8x128xi32, #tpu.memory_space<vmem>> -> memref<1x128xi32, #tpu.memory_space<vmem>>
      %dma_start3A_106 = tpu.memref_squeeze %dma_start3A_105 : memref<1x128xi32, #tpu.memory_space<vmem>> -> memref<128xi32, #tpu.memory_space<vmem>>
      %dma_start3A_107 = arith.constant 0 : i32
      %dma_start3A_108 = arith.constant 0 : i32
      %dma_start3A_109 = tpu.memref_slice %arg10[%dma_start3A_107, %dma_start3A_108] : memref<10240x128xf32, #tpu.memory_space<vmem_shared>> -> memref<10240x128xf32, #tpu.memory_space<vmem_shared>>
      tpu.enqueue_indirect_dma source(%arg14 : memref<128x128xf32, #tpu.memory_space<vmem>>) target(%dma_start3A_109 : memref<10240x128xf32, #tpu.memory_space<vmem_shared>>) offsets(%dma_start3A_106 : memref<128xi32, #tpu.memory_space<vmem>>) semaphore(%arg20 : memref<!tpu.dma_semaphore, #tpu.memory_space<semaphore_mem>>) {add = true}
      %dma_wait3A_110 = arith.constant 1 : i32
      %dma_wait3A_111 = arith.constant 0 : i32
      %dma_wait3A_112 = tpu.memref_slice %arg12[%dma_wait3A_110, %dma_wait3A_111] : memref<8x128xi32, #tpu.memory_space<vmem>> -> memref<1x128xi32, #tpu.memory_space<vmem>>
      %dma_wait3A_113 = tpu.memref_squeeze %dma_wait3A_112 : memref<1x128xi32, #tpu.memory_space<vmem>> -> memref<128xi32, #tpu.memory_space<vmem>>
      %dma_wait3A_114 = arith.constant 0 : i32
      %dma_wait3A_115 = arith.constant 0 : i32
      %dma_wait3A_116 = tpu.memref_slice %arg10[%dma_wait3A_114, %dma_wait3A_115] : memref<10240x128xf32, #tpu.memory_space<vmem_shared>> -> memref<10240x128xf32, #tpu.memory_space<vmem_shared>>
      tpu.wait_indirect_dma semaphore(%arg20 : memref<!tpu.dma_semaphore, #tpu.memory_space<semaphore_mem>>) src(%arg14 : memref<128x128xf32, #tpu.memory_space<vmem>>) dst(%dma_wait3A_116 : memref<10240x128xf32, #tpu.memory_space<vmem_shared>>)
      %dma_start3A_117 = arith.constant 3 : i32
      %dma_start3A_118 = arith.constant 0 : i32
      %dma_start3A_119 = tpu.memref_slice %arg11[%dma_start3A_117, %dma_start3A_118] : memref<8x128xi32, #tpu.memory_space<vmem>> -> memref<1x128xi32, #tpu.memory_space<vmem>>
      %dma_start3A_120 = tpu.memref_squeeze %dma_start3A_119 : memref<1x128xi32, #tpu.memory_space<vmem>> -> memref<128xi32, #tpu.memory_space<vmem>>
      %dma_start3A_121 = arith.constant 0 : i32
      %dma_start3A_122 = arith.constant 0 : i32
      %dma_start3A_123 = tpu.memref_slice %arg7[%dma_start3A_121, %dma_start3A_122] : memref<20480x128xf32, #tpu.memory_space<hbm>> -> memref<20480x128xf32, #tpu.memory_space<hbm>>
      tpu.enqueue_indirect_dma source(%dma_start3A_123 : memref<20480x128xf32, #tpu.memory_space<hbm>>) target(%arg14 : memref<128x128xf32, #tpu.memory_space<vmem>>) offsets(%dma_start3A_120 : memref<128xi32, #tpu.memory_space<vmem>>) semaphore(%arg18 : memref<!tpu.dma_semaphore, #tpu.memory_space<semaphore_mem>>)
      %dma_wait3A_124 = arith.constant 2 : i32
      %dma_wait3A_125 = arith.constant 0 : i32
      %dma_wait3A_126 = tpu.memref_slice %arg11[%dma_wait3A_124, %dma_wait3A_125] : memref<8x128xi32, #tpu.memory_space<vmem>> -> memref<1x128xi32, #tpu.memory_space<vmem>>
      %dma_wait3A_127 = tpu.memref_squeeze %dma_wait3A_126 : memref<1x128xi32, #tpu.memory_space<vmem>> -> memref<128xi32, #tpu.memory_space<vmem>>
      %dma_wait3A_128 = arith.constant 0 : i32
      %dma_wait3A_129 = arith.constant 0 : i32
      %dma_wait3A_130 = tpu.memref_slice %arg7[%dma_wait3A_128, %dma_wait3A_129] : memref<20480x128xf32, #tpu.memory_space<hbm>> -> memref<20480x128xf32, #tpu.memory_space<hbm>>
      tpu.wait_indirect_dma semaphore(%arg17 : memref<!tpu.dma_semaphore, #tpu.memory_space<semaphore_mem>>) src(%dma_wait3A_130 : memref<20480x128xf32, #tpu.memory_space<hbm>>) dst(%arg13 : memref<128x128xf32, #tpu.memory_space<vmem>>)
      %dma_start3A_131 = arith.constant 2 : i32
      %dma_start3A_132 = arith.constant 0 : i32
      %dma_start3A_133 = tpu.memref_slice %arg12[%dma_start3A_131, %dma_start3A_132] : memref<8x128xi32, #tpu.memory_space<vmem>> -> memref<1x128xi32, #tpu.memory_space<vmem>>
      %dma_start3A_134 = tpu.memref_squeeze %dma_start3A_133 : memref<1x128xi32, #tpu.memory_space<vmem>> -> memref<128xi32, #tpu.memory_space<vmem>>
      %dma_start3A_135 = arith.constant 0 : i32
      %dma_start3A_136 = arith.constant 0 : i32
      %dma_start3A_137 = tpu.memref_slice %arg10[%dma_start3A_135, %dma_start3A_136] : memref<10240x128xf32, #tpu.memory_space<vmem_shared>> -> memref<10240x128xf32, #tpu.memory_space<vmem_shared>>
      tpu.enqueue_indirect_dma source(%arg13 : memref<128x128xf32, #tpu.memory_space<vmem>>) target(%dma_start3A_137 : memref<10240x128xf32, #tpu.memory_space<vmem_shared>>) offsets(%dma_start3A_134 : memref<128xi32, #tpu.memory_space<vmem>>) semaphore(%arg19 : memref<!tpu.dma_semaphore, #tpu.memory_space<semaphore_mem>>) {add = true}
      %dma_wait3A_138 = arith.constant 2 : i32
      %dma_wait3A_139 = arith.constant 0 : i32
      %dma_wait3A_140 = tpu.memref_slice %arg12[%dma_wait3A_138, %dma_wait3A_139] : memref<8x128xi32, #tpu.memory_space<vmem>> -> memref<1x128xi32, #tpu.memory_space<vmem>>
      %dma_wait3A_141 = tpu.memref_squeeze %dma_wait3A_140 : memref<1x128xi32, #tpu.memory_space<vmem>> -> memref<128xi32, #tpu.memory_space<vmem>>
      %dma_wait3A_142 = arith.constant 0 : i32
      %dma_wait3A_143 = arith.constant 0 : i32
      %dma_wait3A_144 = tpu.memref_slice %arg10[%dma_wait3A_142, %dma_wait3A_143] : memref<10240x128xf32, #tpu.memory_space<vmem_shared>> -> memref<10240x128xf32, #tpu.memory_space<vmem_shared>>
      tpu.wait_indirect_dma semaphore(%arg19 : memref<!tpu.dma_semaphore, #tpu.memory_space<semaphore_mem>>) src(%arg13 : memref<128x128xf32, #tpu.memory_space<vmem>>) dst(%dma_wait3A_144 : memref<10240x128xf32, #tpu.memory_space<vmem_shared>>)
      %dma_start3A_145 = arith.constant 4 : i32
      %dma_start3A_146 = arith.constant 0 : i32
      %dma_start3A_147 = tpu.memref_slice %arg11[%dma_start3A_145, %dma_start3A_146] : memref<8x128xi32, #tpu.memory_space<vmem>> -> memref<1x128xi32, #tpu.memory_space<vmem>>
      %dma_start3A_148 = tpu.memref_squeeze %dma_start3A_147 : memref<1x128xi32, #tpu.memory_space<vmem>> -> memref<128xi32, #tpu.memory_space<vmem>>
      %dma_start3A_149 = arith.constant 0 : i32
      %dma_start3A_150 = arith.constant 0 : i32
      %dma_start3A_151 = tpu.memref_slice %arg7[%dma_start3A_149, %dma_start3A_150] : memref<20480x128xf32, #tpu.memory_space<hbm>> -> memref<20480x128xf32, #tpu.memory_space<hbm>>
      tpu.enqueue_indirect_dma source(%dma_start3A_151 : memref<20480x128xf32, #tpu.memory_space<hbm>>) target(%arg13 : memref<128x128xf32, #tpu.memory_space<vmem>>) offsets(%dma_start3A_148 : memref<128xi32, #tpu.memory_space<vmem>>) semaphore(%arg17 : memref<!tpu.dma_semaphore, #tpu.memory_space<semaphore_mem>>)
      %dma_wait3A_152 = arith.constant 3 : i32
      %dma_wait3A_153 = arith.constant 0 : i32
      %dma_wait3A_154 = tpu.memref_slice %arg11[%dma_wait3A_152, %dma_wait3A_153] : memref<8x128xi32, #tpu.memory_space<vmem>> -> memref<1x128xi32, #tpu.memory_space<vmem>>
      %dma_wait3A_155 = tpu.memref_squeeze %dma_wait3A_154 : memref<1x128xi32, #tpu.memory_space<vmem>> -> memref<128xi32, #tpu.memory_space<vmem>>
      %dma_wait3A_156 = arith.constant 0 : i32
      %dma_wait3A_157 = arith.constant 0 : i32
      %dma_wait3A_158 = tpu.memref_slice %arg7[%dma_wait3A_156, %dma_wait3A_157] : memref<20480x128xf32, #tpu.memory_space<hbm>> -> memref<20480x128xf32, #tpu.memory_space<hbm>>
      tpu.wait_indirect_dma semaphore(%arg18 : memref<!tpu.dma_semaphore, #tpu.memory_space<semaphore_mem>>) src(%dma_wait3A_158 : memref<20480x128xf32, #tpu.memory_space<hbm>>) dst(%arg14 : memref<128x128xf32, #tpu.memory_space<vmem>>)
      %dma_start3A_159 = arith.constant 3 : i32
      %dma_start3A_160 = arith.constant 0 : i32
      %dma_start3A_161 = tpu.memref_slice %arg12[%dma_start3A_159, %dma_start3A_160] : memref<8x128xi32, #tpu.memory_space<vmem>> -> memref<1x128xi32, #tpu.memory_space<vmem>>
      %dma_start3A_162 = tpu.memref_squeeze %dma_start3A_161 : memref<1x128xi32, #tpu.memory_space<vmem>> -> memref<128xi32, #tpu.memory_space<vmem>>
      %dma_start3A_163 = arith.constant 0 : i32
      %dma_start3A_164 = arith.constant 0 : i32
      %dma_start3A_165 = tpu.memref_slice %arg10[%dma_start3A_163, %dma_start3A_164] : memref<10240x128xf32, #tpu.memory_space<vmem_shared>> -> memref<10240x128xf32, #tpu.memory_space<vmem_shared>>
      tpu.enqueue_indirect_dma source(%arg14 : memref<128x128xf32, #tpu.memory_space<vmem>>) target(%dma_start3A_165 : memref<10240x128xf32, #tpu.memory_space<vmem_shared>>) offsets(%dma_start3A_162 : memref<128xi32, #tpu.memory_space<vmem>>) semaphore(%arg20 : memref<!tpu.dma_semaphore, #tpu.memory_space<semaphore_mem>>) {add = true}
      %dma_wait3A_166 = arith.constant 3 : i32
      %dma_wait3A_167 = arith.constant 0 : i32
      %dma_wait3A_168 = tpu.memref_slice %arg12[%dma_wait3A_166, %dma_wait3A_167] : memref<8x128xi32, #tpu.memory_space<vmem>> -> memref<1x128xi32, #tpu.memory_space<vmem>>
      %dma_wait3A_169 = tpu.memref_squeeze %dma_wait3A_168 : memref<1x128xi32, #tpu.memory_space<vmem>> -> memref<128xi32, #tpu.memory_space<vmem>>
      %dma_wait3A_170 = arith.constant 0 : i32
      %dma_wait3A_171 = arith.constant 0 : i32
      %dma_wait3A_172 = tpu.memref_slice %arg10[%dma_wait3A_170, %dma_wait3A_171] : memref<10240x128xf32, #tpu.memory_space<vmem_shared>> -> memref<10240x128xf32, #tpu.memory_space<vmem_shared>>
      tpu.wait_indirect_dma semaphore(%arg20 : memref<!tpu.dma_semaphore, #tpu.memory_space<semaphore_mem>>) src(%arg14 : memref<128x128xf32, #tpu.memory_space<vmem>>) dst(%dma_wait3A_172 : memref<10240x128xf32, #tpu.memory_space<vmem_shared>>)
      %dma_start3A_173 = arith.constant 5 : i32
      %dma_start3A_174 = arith.constant 0 : i32
      %dma_start3A_175 = tpu.memref_slice %arg11[%dma_start3A_173, %dma_start3A_174] : memref<8x128xi32, #tpu.memory_space<vmem>> -> memref<1x128xi32, #tpu.memory_space<vmem>>
      %dma_start3A_176 = tpu.memref_squeeze %dma_start3A_175 : memref<1x128xi32, #tpu.memory_space<vmem>> -> memref<128xi32, #tpu.memory_space<vmem>>
      %dma_start3A_177 = arith.constant 0 : i32
      %dma_start3A_178 = arith.constant 0 : i32
      %dma_start3A_179 = tpu.memref_slice %arg7[%dma_start3A_177, %dma_start3A_178] : memref<20480x128xf32, #tpu.memory_space<hbm>> -> memref<20480x128xf32, #tpu.memory_space<hbm>>
      tpu.enqueue_indirect_dma source(%dma_start3A_179 : memref<20480x128xf32, #tpu.memory_space<hbm>>) target(%arg14 : memref<128x128xf32, #tpu.memory_space<vmem>>) offsets(%dma_start3A_176 : memref<128xi32, #tpu.memory_space<vmem>>) semaphore(%arg18 : memref<!tpu.dma_semaphore, #tpu.memory_space<semaphore_mem>>)
      %dma_wait3A_180 = arith.constant 4 : i32
      %dma_wait3A_181 = arith.constant 0 : i32
      %dma_wait3A_182 = tpu.memref_slice %arg11[%dma_wait3A_180, %dma_wait3A_181] : memref<8x128xi32, #tpu.memory_space<vmem>> -> memref<1x128xi32, #tpu.memory_space<vmem>>
      %dma_wait3A_183 = tpu.memref_squeeze %dma_wait3A_182 : memref<1x128xi32, #tpu.memory_space<vmem>> -> memref<128xi32, #tpu.memory_space<vmem>>
      %dma_wait3A_184 = arith.constant 0 : i32
      %dma_wait3A_185 = arith.constant 0 : i32
      %dma_wait3A_186 = tpu.memref_slice %arg7[%dma_wait3A_184, %dma_wait3A_185] : memref<20480x128xf32, #tpu.memory_space<hbm>> -> memref<20480x128xf32, #tpu.memory_space<hbm>>
      tpu.wait_indirect_dma semaphore(%arg17 : memref<!tpu.dma_semaphore, #tpu.memory_space<semaphore_mem>>) src(%dma_wait3A_186 : memref<20480x128xf32, #tpu.memory_space<hbm>>) dst(%arg13 : memref<128x128xf32, #tpu.memory_space<vmem>>)
      %dma_start3A_187 = arith.constant 4 : i32
      %dma_start3A_188 = arith.constant 0 : i32
      %dma_start3A_189 = tpu.memref_slice %arg12[%dma_start3A_187, %dma_start3A_188] : memref<8x128xi32, #tpu.memory_space<vmem>> -> memref<1x128xi32, #tpu.memory_space<vmem>>
      %dma_start3A_190 = tpu.memref_squeeze %dma_start3A_189 : memref<1x128xi32, #tpu.memory_space<vmem>> -> memref<128xi32, #tpu.memory_space<vmem>>
      %dma_start3A_191 = arith.constant 0 : i32
      %dma_start3A_192 = arith.constant 0 : i32
      %dma_start3A_193 = tpu.memref_slice %arg10[%dma_start3A_191, %dma_start3A_192] : memref<10240x128xf32, #tpu.memory_space<vmem_shared>> -> memref<10240x128xf32, #tpu.memory_space<vmem_shared>>
      tpu.enqueue_indirect_dma source(%arg13 : memref<128x128xf32, #tpu.memory_space<vmem>>) target(%dma_start3A_193 : memref<10240x128xf32, #tpu.memory_space<vmem_shared>>) offsets(%dma_start3A_190 : memref<128xi32, #tpu.memory_space<vmem>>) semaphore(%arg19 : memref<!tpu.dma_semaphore, #tpu.memory_space<semaphore_mem>>) {add = true}
      %dma_wait3A_194 = arith.constant 4 : i32
      %dma_wait3A_195 = arith.constant 0 : i32
      %dma_wait3A_196 = tpu.memref_slice %arg12[%dma_wait3A_194, %dma_wait3A_195] : memref<8x128xi32, #tpu.memory_space<vmem>> -> memref<1x128xi32, #tpu.memory_space<vmem>>
      %dma_wait3A_197 = tpu.memref_squeeze %dma_wait3A_196 : memref<1x128xi32, #tpu.memory_space<vmem>> -> memref<128xi32, #tpu.memory_space<vmem>>
      %dma_wait3A_198 = arith.constant 0 : i32
      %dma_wait3A_199 = arith.constant 0 : i32
      %dma_wait3A_200 = tpu.memref_slice %arg10[%dma_wait3A_198, %dma_wait3A_199] : memref<10240x128xf32, #tpu.memory_space<vmem_shared>> -> memref<10240x128xf32, #tpu.memory_space<vmem_shared>>
      tpu.wait_indirect_dma semaphore(%arg19 : memref<!tpu.dma_semaphore, #tpu.memory_space<semaphore_mem>>) src(%arg13 : memref<128x128xf32, #tpu.memory_space<vmem>>) dst(%dma_wait3A_200 : memref<10240x128xf32, #tpu.memory_space<vmem_shared>>)
      %dma_start3A_201 = arith.constant 6 : i32
      %dma_start3A_202 = arith.constant 0 : i32
      %dma_start3A_203 = tpu.memref_slice %arg11[%dma_start3A_201, %dma_start3A_202] : memref<8x128xi32, #tpu.memory_space<vmem>> -> memref<1x128xi32, #tpu.memory_space<vmem>>
      %dma_start3A_204 = tpu.memref_squeeze %dma_start3A_203 : memref<1x128xi32, #tpu.memory_space<vmem>> -> memref<128xi32, #tpu.memory_space<vmem>>
      %dma_start3A_205 = arith.constant 0 : i32
      %dma_start3A_206 = arith.constant 0 : i32
      %dma_start3A_207 = tpu.memref_slice %arg7[%dma_start3A_205, %dma_start3A_206] : memref<20480x128xf32, #tpu.memory_space<hbm>> -> memref<20480x128xf32, #tpu.memory_space<hbm>>
      tpu.enqueue_indirect_dma source(%dma_start3A_207 : memref<20480x128xf32, #tpu.memory_space<hbm>>) target(%arg13 : memref<128x128xf32, #tpu.memory_space<vmem>>) offsets(%dma_start3A_204 : memref<128xi32, #tpu.memory_space<vmem>>) semaphore(%arg17 : memref<!tpu.dma_semaphore, #tpu.memory_space<semaphore_mem>>)
      %dma_wait3A_208 = arith.constant 5 : i32
      %dma_wait3A_209 = arith.constant 0 : i32
      %dma_wait3A_210 = tpu.memref_slice %arg11[%dma_wait3A_208, %dma_wait3A_209] : memref<8x128xi32, #tpu.memory_space<vmem>> -> memref<1x128xi32, #tpu.memory_space<vmem>>
      %dma_wait3A_211 = tpu.memref_squeeze %dma_wait3A_210 : memref<1x128xi32, #tpu.memory_space<vmem>> -> memref<128xi32, #tpu.memory_space<vmem>>
      %dma_wait3A_212 = arith.constant 0 : i32
      %dma_wait3A_213 = arith.constant 0 : i32
      %dma_wait3A_214 = tpu.memref_slice %arg7[%dma_wait3A_212, %dma_wait3A_213] : memref<20480x128xf32, #tpu.memory_space<hbm>> -> memref<20480x128xf32, #tpu.memory_space<hbm>>
      tpu.wait_indirect_dma semaphore(%arg18 : memref<!tpu.dma_semaphore, #tpu.memory_space<semaphore_mem>>) src(%dma_wait3A_214 : memref<20480x128xf32, #tpu.memory_space<hbm>>) dst(%arg14 : memref<128x128xf32, #tpu.memory_space<vmem>>)
      %dma_start3A_215 = arith.constant 5 : i32
      %dma_start3A_216 = arith.constant 0 : i32
      %dma_start3A_217 = tpu.memref_slice %arg12[%dma_start3A_215, %dma_start3A_216] : memref<8x128xi32, #tpu.memory_space<vmem>> -> memref<1x128xi32, #tpu.memory_space<vmem>>
      %dma_start3A_218 = tpu.memref_squeeze %dma_start3A_217 : memref<1x128xi32, #tpu.memory_space<vmem>> -> memref<128xi32, #tpu.memory_space<vmem>>
      %dma_start3A_219 = arith.constant 0 : i32
      %dma_start3A_220 = arith.constant 0 : i32
      %dma_start3A_221 = tpu.memref_slice %arg10[%dma_start3A_219, %dma_start3A_220] : memref<10240x128xf32, #tpu.memory_space<vmem_shared>> -> memref<10240x128xf32, #tpu.memory_space<vmem_shared>>
      tpu.enqueue_indirect_dma source(%arg14 : memref<128x128xf32, #tpu.memory_space<vmem>>) target(%dma_start3A_221 : memref<10240x128xf32, #tpu.memory_space<vmem_shared>>) offsets(%dma_start3A_218 : memref<128xi32, #tpu.memory_space<vmem>>) semaphore(%arg20 : memref<!tpu.dma_semaphore, #tpu.memory_space<semaphore_mem>>) {add = true}
      %dma_wait3A_222 = arith.constant 5 : i32
      %dma_wait3A_223 = arith.constant 0 : i32
      %dma_wait3A_224 = tpu.memref_slice %arg12[%dma_wait3A_222, %dma_wait3A_223] : memref<8x128xi32, #tpu.memory_space<vmem>> -> memref<1x128xi32, #tpu.memory_space<vmem>>
      %dma_wait3A_225 = tpu.memref_squeeze %dma_wait3A_224 : memref<1x128xi32, #tpu.memory_space<vmem>> -> memref<128xi32, #tpu.memory_space<vmem>>
      %dma_wait3A_226 = arith.constant 0 : i32
      %dma_wait3A_227 = arith.constant 0 : i32
      %dma_wait3A_228 = tpu.memref_slice %arg10[%dma_wait3A_226, %dma_wait3A_227] : memref<10240x128xf32, #tpu.memory_space<vmem_shared>> -> memref<10240x128xf32, #tpu.memory_space<vmem_shared>>
      tpu.wait_indirect_dma semaphore(%arg20 : memref<!tpu.dma_semaphore, #tpu.memory_space<semaphore_mem>>) src(%arg14 : memref<128x128xf32, #tpu.memory_space<vmem>>) dst(%dma_wait3A_228 : memref<10240x128xf32, #tpu.memory_space<vmem_shared>>)
      %dma_start3A_229 = arith.constant 7 : i32
      %dma_start3A_230 = arith.constant 0 : i32
      %dma_start3A_231 = tpu.memref_slice %arg11[%dma_start3A_229, %dma_start3A_230] : memref<8x128xi32, #tpu.memory_space<vmem>> -> memref<1x128xi32, #tpu.memory_space<vmem>>
      %dma_start3A_232 = tpu.memref_squeeze %dma_start3A_231 : memref<1x128xi32, #tpu.memory_space<vmem>> -> memref<128xi32, #tpu.memory_space<vmem>>
      %dma_start3A_233 = arith.constant 0 : i32
      %dma_start3A_234 = arith.constant 0 : i32
      %dma_start3A_235 = tpu.memref_slice %arg7[%dma_start3A_233, %dma_start3A_234] : memref<20480x128xf32, #tpu.memory_space<hbm>> -> memref<20480x128xf32, #tpu.memory_space<hbm>>
      tpu.enqueue_indirect_dma source(%dma_start3A_235 : memref<20480x128xf32, #tpu.memory_space<hbm>>) target(%arg14 : memref<128x128xf32, #tpu.memory_space<vmem>>) offsets(%dma_start3A_232 : memref<128xi32, #tpu.memory_space<vmem>>) semaphore(%arg18 : memref<!tpu.dma_semaphore, #tpu.memory_space<semaphore_mem>>)
      %dma_wait3A_236 = arith.constant 6 : i32
      %dma_wait3A_237 = arith.constant 0 : i32
      %dma_wait3A_238 = tpu.memref_slice %arg11[%dma_wait3A_236, %dma_wait3A_237] : memref<8x128xi32, #tpu.memory_space<vmem>> -> memref<1x128xi32, #tpu.memory_space<vmem>>
      %dma_wait3A_239 = tpu.memref_squeeze %dma_wait3A_238 : memref<1x128xi32, #tpu.memory_space<vmem>> -> memref<128xi32, #tpu.memory_space<vmem>>
      %dma_wait3A_240 = arith.constant 0 : i32
      %dma_wait3A_241 = arith.constant 0 : i32
      %dma_wait3A_242 = tpu.memref_slice %arg7[%dma_wait3A_240, %dma_wait3A_241] : memref<20480x128xf32, #tpu.memory_space<hbm>> -> memref<20480x128xf32, #tpu.memory_space<hbm>>
      tpu.wait_indirect_dma semaphore(%arg17 : memref<!tpu.dma_semaphore, #tpu.memory_space<semaphore_mem>>) src(%dma_wait3A_242 : memref<20480x128xf32, #tpu.memory_space<hbm>>) dst(%arg13 : memref<128x128xf32, #tpu.memory_space<vmem>>)
      %dma_start3A_243 = arith.constant 6 : i32
      %dma_start3A_244 = arith.constant 0 : i32
      %dma_start3A_245 = tpu.memref_slice %arg12[%dma_start3A_243, %dma_start3A_244] : memref<8x128xi32, #tpu.memory_space<vmem>> -> memref<1x128xi32, #tpu.memory_space<vmem>>
      %dma_start3A_246 = tpu.memref_squeeze %dma_start3A_245 : memref<1x128xi32, #tpu.memory_space<vmem>> -> memref<128xi32, #tpu.memory_space<vmem>>
      %dma_start3A_247 = arith.constant 0 : i32
      %dma_start3A_248 = arith.constant 0 : i32
      %dma_start3A_249 = tpu.memref_slice %arg10[%dma_start3A_247, %dma_start3A_248] : memref<10240x128xf32, #tpu.memory_space<vmem_shared>> -> memref<10240x128xf32, #tpu.memory_space<vmem_shared>>
      tpu.enqueue_indirect_dma source(%arg13 : memref<128x128xf32, #tpu.memory_space<vmem>>) target(%dma_start3A_249 : memref<10240x128xf32, #tpu.memory_space<vmem_shared>>) offsets(%dma_start3A_246 : memref<128xi32, #tpu.memory_space<vmem>>) semaphore(%arg19 : memref<!tpu.dma_semaphore, #tpu.memory_space<semaphore_mem>>) {add = true}
      %dma_wait3A_250 = arith.constant 7 : i32
      %dma_wait3A_251 = arith.constant 0 : i32
      %dma_wait3A_252 = tpu.memref_slice %arg11[%dma_wait3A_250, %dma_wait3A_251] : memref<8x128xi32, #tpu.memory_space<vmem>> -> memref<1x128xi32, #tpu.memory_space<vmem>>
      %dma_wait3A_253 = tpu.memref_squeeze %dma_wait3A_252 : memref<1x128xi32, #tpu.memory_space<vmem>> -> memref<128xi32, #tpu.memory_space<vmem>>
      %dma_wait3A_254 = arith.constant 0 : i32
      %dma_wait3A_255 = arith.constant 0 : i32
      %dma_wait3A_256 = tpu.memref_slice %arg7[%dma_wait3A_254, %dma_wait3A_255] : memref<20480x128xf32, #tpu.memory_space<hbm>> -> memref<20480x128xf32, #tpu.memory_space<hbm>>
      tpu.wait_indirect_dma semaphore(%arg18 : memref<!tpu.dma_semaphore, #tpu.memory_space<semaphore_mem>>) src(%dma_wait3A_256 : memref<20480x128xf32, #tpu.memory_space<hbm>>) dst(%arg14 : memref<128x128xf32, #tpu.memory_space<vmem>>)
      %dma_start3A_257 = arith.constant 7 : i32
      %dma_start3A_258 = arith.constant 0 : i32
      %dma_start3A_259 = tpu.memref_slice %arg12[%dma_start3A_257, %dma_start3A_258] : memref<8x128xi32, #tpu.memory_space<vmem>> -> memref<1x128xi32, #tpu.memory_space<vmem>>
      %dma_start3A_260 = tpu.memref_squeeze %dma_start3A_259 : memref<1x128xi32, #tpu.memory_space<vmem>> -> memref<128xi32, #tpu.memory_space<vmem>>
      %dma_start3A_261 = arith.constant 0 : i32
      %dma_start3A_262 = arith.constant 0 : i32
      %dma_start3A_263 = tpu.memref_slice %arg10[%dma_start3A_261, %dma_start3A_262] : memref<10240x128xf32, #tpu.memory_space<vmem_shared>> -> memref<10240x128xf32, #tpu.memory_space<vmem_shared>>
      tpu.enqueue_indirect_dma source(%arg14 : memref<128x128xf32, #tpu.memory_space<vmem>>) target(%dma_start3A_263 : memref<10240x128xf32, #tpu.memory_space<vmem_shared>>) offsets(%dma_start3A_260 : memref<128xi32, #tpu.memory_space<vmem>>) semaphore(%arg20 : memref<!tpu.dma_semaphore, #tpu.memory_space<semaphore_mem>>) {add = true}
      %dma_wait3A_264 = arith.constant 6 : i32
      %dma_wait3A_265 = arith.constant 0 : i32
      %dma_wait3A_266 = tpu.memref_slice %arg12[%dma_wait3A_264, %dma_wait3A_265] : memref<8x128xi32, #tpu.memory_space<vmem>> -> memref<1x128xi32, #tpu.memory_space<vmem>>
      %dma_wait3A_267 = tpu.memref_squeeze %dma_wait3A_266 : memref<1x128xi32, #tpu.memory_space<vmem>> -> memref<128xi32, #tpu.memory_space<vmem>>
      %dma_wait3A_268 = arith.constant 0 : i32
      %dma_wait3A_269 = arith.constant 0 : i32
      %dma_wait3A_270 = tpu.memref_slice %arg10[%dma_wait3A_268, %dma_wait3A_269] : memref<10240x128xf32, #tpu.memory_space<vmem_shared>> -> memref<10240x128xf32, #tpu.memory_space<vmem_shared>>
      tpu.wait_indirect_dma semaphore(%arg19 : memref<!tpu.dma_semaphore, #tpu.memory_space<semaphore_mem>>) src(%arg13 : memref<128x128xf32, #tpu.memory_space<vmem>>) dst(%dma_wait3A_270 : memref<10240x128xf32, #tpu.memory_space<vmem_shared>>)
      %dma_wait3A_271 = arith.constant 7 : i32
      %dma_wait3A_272 = arith.constant 0 : i32
      %dma_wait3A_273 = tpu.memref_slice %arg12[%dma_wait3A_271, %dma_wait3A_272] : memref<8x128xi32, #tpu.memory_space<vmem>> -> memref<1x128xi32, #tpu.memory_space<vmem>>
      %dma_wait3A_274 = tpu.memref_squeeze %dma_wait3A_273 : memref<1x128xi32, #tpu.memory_space<vmem>> -> memref<128xi32, #tpu.memory_space<vmem>>
      %dma_wait3A_275 = arith.constant 0 : i32
      %dma_wait3A_276 = arith.constant 0 : i32
      %dma_wait3A_277 = tpu.memref_slice %arg10[%dma_wait3A_275, %dma_wait3A_276] : memref<10240x128xf32, #tpu.memory_space<vmem_shared>> -> memref<10240x128xf32, #tpu.memory_space<vmem_shared>>
      tpu.wait_indirect_dma semaphore(%arg20 : memref<!tpu.dma_semaphore, #tpu.memory_space<semaphore_mem>>) src(%arg14 : memref<128x128xf32, #tpu.memory_space<vmem>>) dst(%dma_wait3A_277 : memref<10240x128xf32, #tpu.memory_space<vmem_shared>>)
      %scan3A_278 = arith.constant 0 : i32
      scf.yield %scan3A_278 : i32
    }
    %scan3A_23 = arith.constant 11 : i32
    %barrier3A_24 = arith.constant 0 : index
    tpu.barrier barrier_id(%barrier3A_24)
    %scan3A_25 = arith.constant 0 : i32
    %scan3A_26 = arith.constant 0 : i32
    %scan3A_27 = arith.constant 20 : i32
    %scan3A_28 = arith.addi %scan3A_26, %scan3A_27 : i32
    %scan3A_29 = arith.constant 1 : i32
    %scan3A_30 = scf.for %scan3A_50 = %scan3A_26 to %scan3A_28 step %scan3A_29 iter_args(%scan3A_51 = %scan3A_25) -> (i32)  : i32 {
      %mul3A_52 = arith.constant 32 : i32
      %mul3A_53 = arith.muli %scan3A_50, %mul3A_52 : i32
      %add3A = arith.addi %mul3A_0, %mul3A_53 : i32
      "tpu.region"() ({
        %run_scoped3A = tpu.sem_alloc : memref<!tpu.dma_semaphore, #tpu.memory_space<semaphore_mem>>
        %dma_start3A = arith.constant 0 : i32
        %dma_start3A_65 = tpu.memref_slice %arg10[%add3A, %dma_start3A] : memref<10240x128xf32, #tpu.memory_space<vmem_shared>> -> memref<32x128xf32, #tpu.memory_space<vmem_shared>>
        %dma_start3A_66 = arith.constant 0 : i32
        %dma_start3A_67 = tpu.memref_slice %arg10[%add3A, %dma_start3A_66] : memref<10240x128xf32, #tpu.memory_space<vmem_shared>> -> memref<32x128xf32, #tpu.memory_space<vmem_shared>>
        tpu.enqueue_dma source(%dma_start3A_67 : memref<32x128xf32, #tpu.memory_space<vmem_shared>>) target(%arg15 : memref<32x128xf32, #tpu.memory_space<vmem>>) target_semaphore(%run_scoped3A : memref<!tpu.dma_semaphore, #tpu.memory_space<semaphore_mem>>)
        %dma_wait3A = arith.constant 0 : i32
        %dma_wait3A_68 = tpu.memref_slice %arg10[%add3A, %dma_wait3A] : memref<10240x128xf32, #tpu.memory_space<vmem_shared>> -> memref<32x128xf32, #tpu.memory_space<vmem_shared>>
        %dma_wait3A_69 = arith.constant 0 : i32
        %dma_wait3A_70 = tpu.memref_slice %arg10[%add3A, %dma_wait3A_69] : memref<10240x128xf32, #tpu.memory_space<vmem_shared>> -> memref<32x128xf32, #tpu.memory_space<vmem_shared>>
        tpu.wait_dma2 semaphore(%run_scoped3A : memref<!tpu.dma_semaphore, #tpu.memory_space<semaphore_mem>>) src(%dma_wait3A_70 : memref<32x128xf32, #tpu.memory_space<vmem_shared>>) dst(%arg15 : memref<32x128xf32, #tpu.memory_space<vmem>>)
        tpu.yield
      }) : () -> ()
      "tpu.region"() ({
        %run_scoped3A = tpu.sem_alloc : memref<!tpu.dma_semaphore, #tpu.memory_space<semaphore_mem>>
        %dma_start3A = arith.constant 0 : i32
        %dma_start3A_65 = tpu.memref_slice %arg5[%add3A, %dma_start3A] : memref<10240x16xf32, #tpu.memory_space<hbm>> -> memref<32x16xf32, #tpu.memory_space<hbm>>
        %dma_start3A_66 = arith.constant 0 : i32
        %dma_start3A_67 = tpu.memref_slice %arg5[%add3A, %dma_start3A_66] : memref<10240x16xf32, #tpu.memory_space<hbm>> -> memref<32x16xf32, #tpu.memory_space<hbm>>
        tpu.enqueue_dma source(%dma_start3A_67 : memref<32x16xf32, #tpu.memory_space<hbm>>) target(%arg16 : memref<32x16xf32, #tpu.memory_space<vmem>>) target_semaphore(%run_scoped3A : memref<!tpu.dma_semaphore, #tpu.memory_space<semaphore_mem>>)
        %dma_wait3A = arith.constant 0 : i32
        %dma_wait3A_68 = tpu.memref_slice %arg5[%add3A, %dma_wait3A] : memref<10240x16xf32, #tpu.memory_space<hbm>> -> memref<32x16xf32, #tpu.memory_space<hbm>>
        %dma_wait3A_69 = arith.constant 0 : i32
        %dma_wait3A_70 = tpu.memref_slice %arg5[%add3A, %dma_wait3A_69] : memref<10240x16xf32, #tpu.memory_space<hbm>> -> memref<32x16xf32, #tpu.memory_space<hbm>>
        tpu.wait_dma2 semaphore(%run_scoped3A : memref<!tpu.dma_semaphore, #tpu.memory_space<semaphore_mem>>) src(%dma_wait3A_70 : memref<32x16xf32, #tpu.memory_space<hbm>>) dst(%arg16 : memref<32x16xf32, #tpu.memory_space<vmem>>)
        tpu.yield
      }) : () -> ()
      %scan3A_54 = arith.constant 0 : i32
      %scan3A_55 = arith.constant 0 : i32
      %scan3A_56 = arith.constant 32 : i32
      %scan3A_57 = arith.addi %scan3A_55, %scan3A_56 : i32
      %scan3A_58 = arith.constant 1 : i32
      %scan3A_59 = scf.for %scan3A_65 = %scan3A_55 to %scan3A_57 step %scan3A_58 iter_args(%scan3A_66 = %scan3A_54) -> (i32)  : i32 {
        %get3A = arith.index_cast %scan3A_65 : i32 to index
        %get3A_67 = arith.constant 0 : index
        %get3A_68 = tpu.vector_load %arg15[%get3A, %get3A_67] {strides = array<i32>} : memref<32x128xf32, #tpu.memory_space<vmem>>, vector<1x16xf32>,
        %get3A_69 = vector.shape_cast %get3A_68 : vector<1x16xf32> to vector<16xf32>
        %get3A_70 = arith.index_cast %scan3A_65 : i32 to index
        %get3A_71 = arith.constant 0 : index
        %get3A_72 = tpu.vector_load %arg16[%get3A_70, %get3A_71] {strides = array<i32>} : memref<32x16xf32, #tpu.memory_space<vmem>>, vector<1x16xf32>,
        %get3A_73 = vector.shape_cast %get3A_72 : vector<1x16xf32> to vector<16xf32>
        %mul3A_74 = arith.mulf %get3A_69, %get3A_73 : vector<16xf32>
        %swap3A = arith.index_cast %scan3A_65 : i32 to index
        %swap3A_75 = arith.constant 0 : index
        %swap3A_76 = tpu.vector_load %arg15[%swap3A, %swap3A_75] {strides = array<i32>} : memref<32x128xf32, #tpu.memory_space<vmem>>, vector<1x16xf32>,
        %swap3A_77 = vector.shape_cast %swap3A_76 : vector<1x16xf32> to vector<16xf32>
        %swap3A_78 = vector.shape_cast %mul3A_74 : vector<16xf32> to vector<1x16xf32>
        tpu.vector_store %arg15[%swap3A, %swap3A_75], %swap3A_78 {strides = array<i32>} : memref<32x128xf32, #tpu.memory_space<vmem>>, vector<1x16xf32>,
        %get3A_79 = arith.index_cast %scan3A_65 : i32 to index
        %get3A_80 = arith.constant 16 : index
        %get3A_81 = tpu.vector_load %arg15[%get3A_79, %get3A_80] {strides = array<i32>} : memref<32x128xf32, #tpu.memory_space<vmem>>, vector<1x16xf32>,
        %get3A_82 = vector.shape_cast %get3A_81 : vector<1x16xf32> to vector<16xf32>
        %get3A_83 = arith.index_cast %scan3A_65 : i32 to index
        %get3A_84 = arith.constant 0 : index
        %get3A_85 = tpu.vector_load %arg16[%get3A_83, %get3A_84] {strides = array<i32>} : memref<32x16xf32, #tpu.memory_space<vmem>>, vector<1x16xf32>,
        %get3A_86 = vector.shape_cast %get3A_85 : vector<1x16xf32> to vector<16xf32>
        %mul3A_87 = arith.mulf %get3A_82, %get3A_86 : vector<16xf32>
        %swap3A_88 = arith.index_cast %scan3A_65 : i32 to index
        %swap3A_89 = arith.constant 16 : index
        %swap3A_90 = tpu.vector_load %arg15[%swap3A_88, %swap3A_89] {strides = array<i32>} : memref<32x128xf32, #tpu.memory_space<vmem>>, vector<1x16xf32>,
        %swap3A_91 = vector.shape_cast %swap3A_90 : vector<1x16xf32> to vector<16xf32>
        %swap3A_92 = vector.shape_cast %mul3A_87 : vector<16xf32> to vector<1x16xf32>
        tpu.vector_store %arg15[%swap3A_88, %swap3A_89], %swap3A_92 {strides = array<i32>} : memref<32x128xf32, #tpu.memory_space<vmem>>, vector<1x16xf32>,
        %get3A_93 = arith.index_cast %scan3A_65 : i32 to index
        %get3A_94 = arith.constant 32 : index
        %get3A_95 = tpu.vector_load %arg15[%get3A_93, %get3A_94] {strides = array<i32>} : memref<32x128xf32, #tpu.memory_space<vmem>>, vector<1x16xf32>,
        %get3A_96 = vector.shape_cast %get3A_95 : vector<1x16xf32> to vector<16xf32>
        %get3A_97 = arith.index_cast %scan3A_65 : i32 to index
        %get3A_98 = arith.constant 0 : index
        %get3A_99 = tpu.vector_load %arg16[%get3A_97, %get3A_98] {strides = array<i32>} : memref<32x16xf32, #tpu.memory_space<vmem>>, vector<1x16xf32>,
        %get3A_100 = vector.shape_cast %get3A_99 : vector<1x16xf32> to vector<16xf32>
        %mul3A_101 = arith.mulf %get3A_96, %get3A_100 : vector<16xf32>
        %swap3A_102 = arith.index_cast %scan3A_65 : i32 to index
        %swap3A_103 = arith.constant 32 : index
        %swap3A_104 = tpu.vector_load %arg15[%swap3A_102, %swap3A_103] {strides = array<i32>} : memref<32x128xf32, #tpu.memory_space<vmem>>, vector<1x16xf32>,
        %swap3A_105 = vector.shape_cast %swap3A_104 : vector<1x16xf32> to vector<16xf32>
        %swap3A_106 = vector.shape_cast %mul3A_101 : vector<16xf32> to vector<1x16xf32>
        tpu.vector_store %arg15[%swap3A_102, %swap3A_103], %swap3A_106 {strides = array<i32>} : memref<32x128xf32, #tpu.memory_space<vmem>>, vector<1x16xf32>,
        %get3A_107 = arith.index_cast %scan3A_65 : i32 to index
        %get3A_108 = arith.constant 48 : index
        %get3A_109 = tpu.vector_load %arg15[%get3A_107, %get3A_108] {strides = array<i32>} : memref<32x128xf32, #tpu.memory_space<vmem>>, vector<1x16xf32>,
        %get3A_110 = vector.shape_cast %get3A_109 : vector<1x16xf32> to vector<16xf32>
        %get3A_111 = arith.index_cast %scan3A_65 : i32 to index
        %get3A_112 = arith.constant 0 : index
        %get3A_113 = tpu.vector_load %arg16[%get3A_111, %get3A_112] {strides = array<i32>} : memref<32x16xf32, #tpu.memory_space<vmem>>, vector<1x16xf32>,
        %get3A_114 = vector.shape_cast %get3A_113 : vector<1x16xf32> to vector<16xf32>
        %mul3A_115 = arith.mulf %get3A_110, %get3A_114 : vector<16xf32>
        %swap3A_116 = arith.index_cast %scan3A_65 : i32 to index
        %swap3A_117 = arith.constant 48 : index
        %swap3A_118 = tpu.vector_load %arg15[%swap3A_116, %swap3A_117] {strides = array<i32>} : memref<32x128xf32, #tpu.memory_space<vmem>>, vector<1x16xf32>,
        %swap3A_119 = vector.shape_cast %swap3A_118 : vector<1x16xf32> to vector<16xf32>
        %swap3A_120 = vector.shape_cast %mul3A_115 : vector<16xf32> to vector<1x16xf32>
        tpu.vector_store %arg15[%swap3A_116, %swap3A_117], %swap3A_120 {strides = array<i32>} : memref<32x128xf32, #tpu.memory_space<vmem>>, vector<1x16xf32>,
        %get3A_121 = arith.index_cast %scan3A_65 : i32 to index
        %get3A_122 = arith.constant 64 : index
        %get3A_123 = tpu.vector_load %arg15[%get3A_121, %get3A_122] {strides = array<i32>} : memref<32x128xf32, #tpu.memory_space<vmem>>, vector<1x16xf32>,
        %get3A_124 = vector.shape_cast %get3A_123 : vector<1x16xf32> to vector<16xf32>
        %get3A_125 = arith.index_cast %scan3A_65 : i32 to index
        %get3A_126 = arith.constant 0 : index
        %get3A_127 = tpu.vector_load %arg16[%get3A_125, %get3A_126] {strides = array<i32>} : memref<32x16xf32, #tpu.memory_space<vmem>>, vector<1x16xf32>,
        %get3A_128 = vector.shape_cast %get3A_127 : vector<1x16xf32> to vector<16xf32>
        %mul3A_129 = arith.mulf %get3A_124, %get3A_128 : vector<16xf32>
        %swap3A_130 = arith.index_cast %scan3A_65 : i32 to index
        %swap3A_131 = arith.constant 64 : index
        %swap3A_132 = tpu.vector_load %arg15[%swap3A_130, %swap3A_131] {strides = array<i32>} : memref<32x128xf32, #tpu.memory_space<vmem>>, vector<1x16xf32>,
        %swap3A_133 = vector.shape_cast %swap3A_132 : vector<1x16xf32> to vector<16xf32>
        %swap3A_134 = vector.shape_cast %mul3A_129 : vector<16xf32> to vector<1x16xf32>
        tpu.vector_store %arg15[%swap3A_130, %swap3A_131], %swap3A_134 {strides = array<i32>} : memref<32x128xf32, #tpu.memory_space<vmem>>, vector<1x16xf32>,
        %get3A_135 = arith.index_cast %scan3A_65 : i32 to index
        %get3A_136 = arith.constant 80 : index
        %get3A_137 = tpu.vector_load %arg15[%get3A_135, %get3A_136] {strides = array<i32>} : memref<32x128xf32, #tpu.memory_space<vmem>>, vector<1x16xf32>,
        %get3A_138 = vector.shape_cast %get3A_137 : vector<1x16xf32> to vector<16xf32>
        %get3A_139 = arith.index_cast %scan3A_65 : i32 to index
        %get3A_140 = arith.constant 0 : index
        %get3A_141 = tpu.vector_load %arg16[%get3A_139, %get3A_140] {strides = array<i32>} : memref<32x16xf32, #tpu.memory_space<vmem>>, vector<1x16xf32>,
        %get3A_142 = vector.shape_cast %get3A_141 : vector<1x16xf32> to vector<16xf32>
        %mul3A_143 = arith.mulf %get3A_138, %get3A_142 : vector<16xf32>
        %swap3A_144 = arith.index_cast %scan3A_65 : i32 to index
        %swap3A_145 = arith.constant 80 : index
        %swap3A_146 = tpu.vector_load %arg15[%swap3A_144, %swap3A_145] {strides = array<i32>} : memref<32x128xf32, #tpu.memory_space<vmem>>, vector<1x16xf32>,
        %swap3A_147 = vector.shape_cast %swap3A_146 : vector<1x16xf32> to vector<16xf32>
        %swap3A_148 = vector.shape_cast %mul3A_143 : vector<16xf32> to vector<1x16xf32>
        tpu.vector_store %arg15[%swap3A_144, %swap3A_145], %swap3A_148 {strides = array<i32>} : memref<32x128xf32, #tpu.memory_space<vmem>>, vector<1x16xf32>,
        %get3A_149 = arith.index_cast %scan3A_65 : i32 to index
        %get3A_150 = arith.constant 96 : index
        %get3A_151 = tpu.vector_load %arg15[%get3A_149, %get3A_150] {strides = array<i32>} : memref<32x128xf32, #tpu.memory_space<vmem>>, vector<1x16xf32>,
        %get3A_152 = vector.shape_cast %get3A_151 : vector<1x16xf32> to vector<16xf32>
        %get3A_153 = arith.index_cast %scan3A_65 : i32 to index
        %get3A_154 = arith.constant 0 : index
        %get3A_155 = tpu.vector_load %arg16[%get3A_153, %get3A_154] {strides = array<i32>} : memref<32x16xf32, #tpu.memory_space<vmem>>, vector<1x16xf32>,
        %get3A_156 = vector.shape_cast %get3A_155 : vector<1x16xf32> to vector<16xf32>
        %mul3A_157 = arith.mulf %get3A_152, %get3A_156 : vector<16xf32>
        %swap3A_158 = arith.index_cast %scan3A_65 : i32 to index
        %swap3A_159 = arith.constant 96 : index
        %swap3A_160 = tpu.vector_load %arg15[%swap3A_158, %swap3A_159] {strides = array<i32>} : memref<32x128xf32, #tpu.memory_space<vmem>>, vector<1x16xf32>,
        %swap3A_161 = vector.shape_cast %swap3A_160 : vector<1x16xf32> to vector<16xf32>
        %swap3A_162 = vector.shape_cast %mul3A_157 : vector<16xf32> to vector<1x16xf32>
        tpu.vector_store %arg15[%swap3A_158, %swap3A_159], %swap3A_162 {strides = array<i32>} : memref<32x128xf32, #tpu.memory_space<vmem>>, vector<1x16xf32>,
        %get3A_163 = arith.index_cast %scan3A_65 : i32 to index
        %get3A_164 = arith.constant 112 : index
        %get3A_165 = tpu.vector_load %arg15[%get3A_163, %get3A_164] {strides = array<i32>} : memref<32x128xf32, #tpu.memory_space<vmem>>, vector<1x16xf32>,
        %get3A_166 = vector.shape_cast %get3A_165 : vector<1x16xf32> to vector<16xf32>
        %get3A_167 = arith.index_cast %scan3A_65 : i32 to index
        %get3A_168 = arith.constant 0 : index
        %get3A_169 = tpu.vector_load %arg16[%get3A_167, %get3A_168] {strides = array<i32>} : memref<32x16xf32, #tpu.memory_space<vmem>>, vector<1x16xf32>,
        %get3A_170 = vector.shape_cast %get3A_169 : vector<1x16xf32> to vector<16xf32>
        %mul3A_171 = arith.mulf %get3A_166, %get3A_170 : vector<16xf32>
        %swap3A_172 = arith.index_cast %scan3A_65 : i32 to index
        %swap3A_173 = arith.constant 112 : index
        %swap3A_174 = tpu.vector_load %arg15[%swap3A_172, %swap3A_173] {strides = array<i32>} : memref<32x128xf32, #tpu.memory_space<vmem>>, vector<1x16xf32>,
        %swap3A_175 = vector.shape_cast %swap3A_174 : vector<1x16xf32> to vector<16xf32>
        %swap3A_176 = vector.shape_cast %mul3A_171 : vector<16xf32> to vector<1x16xf32>
        tpu.vector_store %arg15[%swap3A_172, %swap3A_173], %swap3A_176 {strides = array<i32>} : memref<32x128xf32, #tpu.memory_space<vmem>>, vector<1x16xf32>,
        %scan3A_177 = arith.constant 0 : i32
        scf.yield %scan3A_177 : i32
      }
      %scan3A_60 = arith.constant 32 : i32
      %mul3A_61 = arith.constant 10240 : i32
      %mul3A_62 = arith.muli %arg0, %mul3A_61 : i32
      %add3A_63 = arith.addi %mul3A_62, %add3A : i32
      "tpu.region"() ({
        %run_scoped3A = tpu.sem_alloc : memref<!tpu.dma_semaphore, #tpu.memory_space<semaphore_mem>>
        %dma_start3A = arith.constant 0 : i32
        %dma_start3A_65 = tpu.memref_slice %arg8[%add3A_63, %dma_start3A] : memref<20480x128xf32, #tpu.memory_space<hbm>> -> memref<32x128xf32, #tpu.memory_space<hbm>>
        %dma_start3A_66 = arith.constant 0 : i32
        %dma_start3A_67 = tpu.memref_slice %arg8[%add3A_63, %dma_start3A_66] : memref<20480x128xf32, #tpu.memory_space<hbm>> -> memref<32x128xf32, #tpu.memory_space<hbm>>
        tpu.enqueue_dma source(%arg15 : memref<32x128xf32, #tpu.memory_space<vmem>>) target(%dma_start3A_67 : memref<32x128xf32, #tpu.memory_space<hbm>>) target_semaphore(%run_scoped3A : memref<!tpu.dma_semaphore, #tpu.memory_space<semaphore_mem>>)
        %dma_wait3A = arith.constant 0 : i32
        %dma_wait3A_68 = tpu.memref_slice %arg8[%add3A_63, %dma_wait3A] : memref<20480x128xf32, #tpu.memory_space<hbm>> -> memref<32x128xf32, #tpu.memory_space<hbm>>
        %dma_wait3A_69 = arith.constant 0 : i32
        %dma_wait3A_70 = tpu.memref_slice %arg8[%add3A_63, %dma_wait3A_69] : memref<20480x128xf32, #tpu.memory_space<hbm>> -> memref<32x128xf32, #tpu.memory_space<hbm>>
        tpu.wait_dma2 semaphore(%run_scoped3A : memref<!tpu.dma_semaphore, #tpu.memory_space<semaphore_mem>>) src(%arg15 : memref<32x128xf32, #tpu.memory_space<vmem>>) dst(%dma_wait3A_70 : memref<32x128xf32, #tpu.memory_space<hbm>>)
        tpu.yield
      }) : () -> ()
      %scan3A_64 = arith.constant 0 : i32
      scf.yield %scan3A_64 : i32
    }
    %scan3A_31 = arith.constant 20 : i32
    %barrier3A_32 = arith.constant 0 : index
    tpu.barrier barrier_id(%barrier3A_32)
    "tpu.region"() ({
      %run_scoped3A = tpu.sem_alloc : memref<!tpu.dma_semaphore, #tpu.memory_space<semaphore_mem>>
      %dma_start3A = arith.constant 0 : i32
      %dma_start3A_50 = tpu.memref_slice %arg10[%mul3A_0, %dma_start3A] : memref<10240x128xf32, #tpu.memory_space<vmem_shared>> -> memref<640x128xf32, #tpu.memory_space<vmem_shared>>
      tpu.enqueue_dma source(%arg6 : memref<640x128xf32, #tpu.memory_space<hbm>>) target(%dma_start3A_50 : memref<640x128xf32, #tpu.memory_space<vmem_shared>>) target_semaphore(%run_scoped3A : memref<!tpu.dma_semaphore, #tpu.memory_space<semaphore_mem>>)
      %dma_wait3A = arith.constant 0 : i32
      %dma_wait3A_51 = tpu.memref_slice %arg10[%mul3A_0, %dma_wait3A] : memref<10240x128xf32, #tpu.memory_space<vmem_shared>> -> memref<640x128xf32, #tpu.memory_space<vmem_shared>>
      tpu.wait_dma2 semaphore(%run_scoped3A : memref<!tpu.dma_semaphore, #tpu.memory_space<semaphore_mem>>) src(%arg6 : memref<640x128xf32, #tpu.memory_space<hbm>>) dst(%dma_wait3A_51 : memref<640x128xf32, #tpu.memory_space<vmem_shared>>)
      tpu.yield
    }) : () -> ()
    %barrier3A_33 = arith.constant 0 : index
    tpu.barrier barrier_id(%barrier3A_33)
    %scan3A_34 = arith.constant 0 : i32
    %scan3A_35 = arith.constant 0 : i32
    %scan3A_36 = arith.constant 11 : i32
    %scan3A_37 = arith.addi %scan3A_35, %scan3A_36 : i32
    %scan3A_38 = arith.constant 1 : i32
    %scan3A_39 = scf.for %scan3A_50 = %scan3A_35 to %scan3A_37 step %scan3A_38 iter_args(%scan3A_51 = %scan3A_34) -> (i32)  : i32 {
      %mul3A_52 = arith.constant 8 : i32
      %mul3A_53 = arith.muli %scan3A_50, %mul3A_52 : i32
      "tpu.region"() ({
        %run_scoped3A = tpu.sem_alloc : memref<!tpu.dma_semaphore, #tpu.memory_space<semaphore_mem>>
        %dma_start3A_279 = arith.constant 0 : i32
        %dma_start3A_280 = tpu.memref_slice %arg2[%arg0, %arg1, %mul3A_53, %dma_start3A_279] : memref<2x16x88x128xi32, #tpu.memory_space<hbm>> -> memref<1x1x8x128xi32, #tpu.memory_space<hbm>>
        %dma_start3A_281 = tpu.memref_squeeze %dma_start3A_280 : memref<1x1x8x128xi32, #tpu.memory_space<hbm>> -> memref<8x128xi32, #tpu.memory_space<hbm>>
        %dma_start3A_282 = arith.constant 0 : i32
        %dma_start3A_283 = tpu.memref_slice %arg2[%arg0, %arg1, %mul3A_53, %dma_start3A_282] : memref<2x16x88x128xi32, #tpu.memory_space<hbm>> -> memref<1x1x8x128xi32, #tpu.memory_space<hbm>>
        %dma_start3A_284 = tpu.memref_squeeze %dma_start3A_283 : memref<1x1x8x128xi32, #tpu.memory_space<hbm>> -> memref<8x128xi32, #tpu.memory_space<hbm>>
        tpu.enqueue_dma source(%dma_start3A_284 : memref<8x128xi32, #tpu.memory_space<hbm>>) target(%arg11 : memref<8x128xi32, #tpu.memory_space<vmem>>) target_semaphore(%run_scoped3A : memref<!tpu.dma_semaphore, #tpu.memory_space<semaphore_mem>>)
        %dma_wait3A_285 = arith.constant 0 : i32
        %dma_wait3A_286 = tpu.memref_slice %arg2[%arg0, %arg1, %mul3A_53, %dma_wait3A_285] : memref<2x16x88x128xi32, #tpu.memory_space<hbm>> -> memref<1x1x8x128xi32, #tpu.memory_space<hbm>>
        %dma_wait3A_287 = tpu.memref_squeeze %dma_wait3A_286 : memref<1x1x8x128xi32, #tpu.memory_space<hbm>> -> memref<8x128xi32, #tpu.memory_space<hbm>>
        %dma_wait3A_288 = arith.constant 0 : i32
        %dma_wait3A_289 = tpu.memref_slice %arg2[%arg0, %arg1, %mul3A_53, %dma_wait3A_288] : memref<2x16x88x128xi32, #tpu.memory_space<hbm>> -> memref<1x1x8x128xi32, #tpu.memory_space<hbm>>
        %dma_wait3A_290 = tpu.memref_squeeze %dma_wait3A_289 : memref<1x1x8x128xi32, #tpu.memory_space<hbm>> -> memref<8x128xi32, #tpu.memory_space<hbm>>
        tpu.wait_dma2 semaphore(%run_scoped3A : memref<!tpu.dma_semaphore, #tpu.memory_space<semaphore_mem>>) src(%dma_wait3A_290 : memref<8x128xi32, #tpu.memory_space<hbm>>) dst(%arg11 : memref<8x128xi32, #tpu.memory_space<vmem>>)
        tpu.yield
      }) : () -> ()
      %mul3A_54 = arith.constant 8 : i32
      %mul3A_55 = arith.muli %scan3A_50, %mul3A_54 : i32
      "tpu.region"() ({
        %run_scoped3A = tpu.sem_alloc : memref<!tpu.dma_semaphore, #tpu.memory_space<semaphore_mem>>
        %dma_start3A_279 = arith.constant 0 : i32
        %dma_start3A_280 = tpu.memref_slice %arg3[%arg1, %mul3A_55, %dma_start3A_279] : memref<16x88x128xi32, #tpu.memory_space<hbm>> -> memref<1x8x128xi32, #tpu.memory_space<hbm>>
        %dma_start3A_281 = tpu.memref_squeeze %dma_start3A_280 : memref<1x8x128xi32, #tpu.memory_space<hbm>> -> memref<8x128xi32, #tpu.memory_space<hbm>>
        %dma_start3A_282 = arith.constant 0 : i32
        %dma_start3A_283 = tpu.memref_slice %arg3[%arg1, %mul3A_55, %dma_start3A_282] : memref<16x88x128xi32, #tpu.memory_space<hbm>> -> memref<1x8x128xi32, #tpu.memory_space<hbm>>
        %dma_start3A_284 = tpu.memref_squeeze %dma_start3A_283 : memref<1x8x128xi32, #tpu.memory_space<hbm>> -> memref<8x128xi32, #tpu.memory_space<hbm>>
        tpu.enqueue_dma source(%dma_start3A_284 : memref<8x128xi32, #tpu.memory_space<hbm>>) target(%arg12 : memref<8x128xi32, #tpu.memory_space<vmem>>) target_semaphore(%run_scoped3A : memref<!tpu.dma_semaphore, #tpu.memory_space<semaphore_mem>>)
        %dma_wait3A_285 = arith.constant 0 : i32
        %dma_wait3A_286 = tpu.memref_slice %arg3[%arg1, %mul3A_55, %dma_wait3A_285] : memref<16x88x128xi32, #tpu.memory_space<hbm>> -> memref<1x8x128xi32, #tpu.memory_space<hbm>>
        %dma_wait3A_287 = tpu.memref_squeeze %dma_wait3A_286 : memref<1x8x128xi32, #tpu.memory_space<hbm>> -> memref<8x128xi32, #tpu.memory_space<hbm>>
        %dma_wait3A_288 = arith.constant 0 : i32
        %dma_wait3A_289 = tpu.memref_slice %arg3[%arg1, %mul3A_55, %dma_wait3A_288] : memref<16x88x128xi32, #tpu.memory_space<hbm>> -> memref<1x8x128xi32, #tpu.memory_space<hbm>>
        %dma_wait3A_290 = tpu.memref_squeeze %dma_wait3A_289 : memref<1x8x128xi32, #tpu.memory_space<hbm>> -> memref<8x128xi32, #tpu.memory_space<hbm>>
        tpu.wait_dma2 semaphore(%run_scoped3A : memref<!tpu.dma_semaphore, #tpu.memory_space<semaphore_mem>>) src(%dma_wait3A_290 : memref<8x128xi32, #tpu.memory_space<hbm>>) dst(%arg12 : memref<8x128xi32, #tpu.memory_space<vmem>>)
        tpu.yield
      }) : () -> ()
      %dma_start3A = arith.constant 0 : i32
      %dma_start3A_56 = arith.constant 0 : i32
      %dma_start3A_57 = tpu.memref_slice %arg11[%dma_start3A, %dma_start3A_56] : memref<8x128xi32, #tpu.memory_space<vmem>> -> memref<1x128xi32, #tpu.memory_space<vmem>>
      %dma_start3A_58 = tpu.memref_squeeze %dma_start3A_57 : memref<1x128xi32, #tpu.memory_space<vmem>> -> memref<128xi32, #tpu.memory_space<vmem>>
      %dma_start3A_59 = arith.constant 0 : i32
      %dma_start3A_60 = arith.constant 0 : i32
      %dma_start3A_61 = tpu.memref_slice %arg8[%dma_start3A_59, %dma_start3A_60] : memref<20480x128xf32, #tpu.memory_space<hbm>> -> memref<20480x128xf32, #tpu.memory_space<hbm>>
      tpu.enqueue_indirect_dma source(%dma_start3A_61 : memref<20480x128xf32, #tpu.memory_space<hbm>>) target(%arg13 : memref<128x128xf32, #tpu.memory_space<vmem>>) offsets(%dma_start3A_58 : memref<128xi32, #tpu.memory_space<vmem>>) semaphore(%arg17 : memref<!tpu.dma_semaphore, #tpu.memory_space<semaphore_mem>>)
      %dma_start3A_62 = arith.constant 1 : i32
      %dma_start3A_63 = arith.constant 0 : i32
      %dma_start3A_64 = tpu.memref_slice %arg11[%dma_start3A_62, %dma_start3A_63] : memref<8x128xi32, #tpu.memory_space<vmem>> -> memref<1x128xi32, #tpu.memory_space<vmem>>
      %dma_start3A_65 = tpu.memref_squeeze %dma_start3A_64 : memref<1x128xi32, #tpu.memory_space<vmem>> -> memref<128xi32, #tpu.memory_space<vmem>>
      %dma_start3A_66 = arith.constant 0 : i32
      %dma_start3A_67 = arith.constant 0 : i32
      %dma_start3A_68 = tpu.memref_slice %arg8[%dma_start3A_66, %dma_start3A_67] : memref<20480x128xf32, #tpu.memory_space<hbm>> -> memref<20480x128xf32, #tpu.memory_space<hbm>>
      tpu.enqueue_indirect_dma source(%dma_start3A_68 : memref<20480x128xf32, #tpu.memory_space<hbm>>) target(%arg14 : memref<128x128xf32, #tpu.memory_space<vmem>>) offsets(%dma_start3A_65 : memref<128xi32, #tpu.memory_space<vmem>>) semaphore(%arg18 : memref<!tpu.dma_semaphore, #tpu.memory_space<semaphore_mem>>)
      %dma_wait3A = arith.constant 0 : i32
      %dma_wait3A_69 = arith.constant 0 : i32
      %dma_wait3A_70 = tpu.memref_slice %arg11[%dma_wait3A, %dma_wait3A_69] : memref<8x128xi32, #tpu.memory_space<vmem>> -> memref<1x128xi32, #tpu.memory_space<vmem>>
      %dma_wait3A_71 = tpu.memref_squeeze %dma_wait3A_70 : memref<1x128xi32, #tpu.memory_space<vmem>> -> memref<128xi32, #tpu.memory_space<vmem>>
      %dma_wait3A_72 = arith.constant 0 : i32
      %dma_wait3A_73 = arith.constant 0 : i32
      %dma_wait3A_74 = tpu.memref_slice %arg8[%dma_wait3A_72, %dma_wait3A_73] : memref<20480x128xf32, #tpu.memory_space<hbm>> -> memref<20480x128xf32, #tpu.memory_space<hbm>>
      tpu.wait_indirect_dma semaphore(%arg17 : memref<!tpu.dma_semaphore, #tpu.memory_space<semaphore_mem>>) src(%dma_wait3A_74 : memref<20480x128xf32, #tpu.memory_space<hbm>>) dst(%arg13 : memref<128x128xf32, #tpu.memory_space<vmem>>)
      %dma_start3A_75 = arith.constant 0 : i32
      %dma_start3A_76 = arith.constant 0 : i32
      %dma_start3A_77 = tpu.memref_slice %arg12[%dma_start3A_75, %dma_start3A_76] : memref<8x128xi32, #tpu.memory_space<vmem>> -> memref<1x128xi32, #tpu.memory_space<vmem>>
      %dma_start3A_78 = tpu.memref_squeeze %dma_start3A_77 : memref<1x128xi32, #tpu.memory_space<vmem>> -> memref<128xi32, #tpu.memory_space<vmem>>
      %dma_start3A_79 = arith.constant 0 : i32
      %dma_start3A_80 = arith.constant 0 : i32
      %dma_start3A_81 = tpu.memref_slice %arg10[%dma_start3A_79, %dma_start3A_80] : memref<10240x128xf32, #tpu.memory_space<vmem_shared>> -> memref<10240x128xf32, #tpu.memory_space<vmem_shared>>
      tpu.enqueue_indirect_dma source(%arg13 : memref<128x128xf32, #tpu.memory_space<vmem>>) target(%dma_start3A_81 : memref<10240x128xf32, #tpu.memory_space<vmem_shared>>) offsets(%dma_start3A_78 : memref<128xi32, #tpu.memory_space<vmem>>) semaphore(%arg19 : memref<!tpu.dma_semaphore, #tpu.memory_space<semaphore_mem>>) {add = true}
      %dma_wait3A_82 = arith.constant 0 : i32
      %dma_wait3A_83 = arith.constant 0 : i32
      %dma_wait3A_84 = tpu.memref_slice %arg12[%dma_wait3A_82, %dma_wait3A_83] : memref<8x128xi32, #tpu.memory_space<vmem>> -> memref<1x128xi32, #tpu.memory_space<vmem>>
      %dma_wait3A_85 = tpu.memref_squeeze %dma_wait3A_84 : memref<1x128xi32, #tpu.memory_space<vmem>> -> memref<128xi32, #tpu.memory_space<vmem>>
      %dma_wait3A_86 = arith.constant 0 : i32
      %dma_wait3A_87 = arith.constant 0 : i32
      %dma_wait3A_88 = tpu.memref_slice %arg10[%dma_wait3A_86, %dma_wait3A_87] : memref<10240x128xf32, #tpu.memory_space<vmem_shared>> -> memref<10240x128xf32, #tpu.memory_space<vmem_shared>>
      tpu.wait_indirect_dma semaphore(%arg19 : memref<!tpu.dma_semaphore, #tpu.memory_space<semaphore_mem>>) src(%arg13 : memref<128x128xf32, #tpu.memory_space<vmem>>) dst(%dma_wait3A_88 : memref<10240x128xf32, #tpu.memory_space<vmem_shared>>)
      %dma_start3A_89 = arith.constant 2 : i32
      %dma_start3A_90 = arith.constant 0 : i32
      %dma_start3A_91 = tpu.memref_slice %arg11[%dma_start3A_89, %dma_start3A_90] : memref<8x128xi32, #tpu.memory_space<vmem>> -> memref<1x128xi32, #tpu.memory_space<vmem>>
      %dma_start3A_92 = tpu.memref_squeeze %dma_start3A_91 : memref<1x128xi32, #tpu.memory_space<vmem>> -> memref<128xi32, #tpu.memory_space<vmem>>
      %dma_start3A_93 = arith.constant 0 : i32
      %dma_start3A_94 = arith.constant 0 : i32
      %dma_start3A_95 = tpu.memref_slice %arg8[%dma_start3A_93, %dma_start3A_94] : memref<20480x128xf32, #tpu.memory_space<hbm>> -> memref<20480x128xf32, #tpu.memory_space<hbm>>
      tpu.enqueue_indirect_dma source(%dma_start3A_95 : memref<20480x128xf32, #tpu.memory_space<hbm>>) target(%arg13 : memref<128x128xf32, #tpu.memory_space<vmem>>) offsets(%dma_start3A_92 : memref<128xi32, #tpu.memory_space<vmem>>) semaphore(%arg17 : memref<!tpu.dma_semaphore, #tpu.memory_space<semaphore_mem>>)
      %dma_wait3A_96 = arith.constant 1 : i32
      %dma_wait3A_97 = arith.constant 0 : i32
      %dma_wait3A_98 = tpu.memref_slice %arg11[%dma_wait3A_96, %dma_wait3A_97] : memref<8x128xi32, #tpu.memory_space<vmem>> -> memref<1x128xi32, #tpu.memory_space<vmem>>
      %dma_wait3A_99 = tpu.memref_squeeze %dma_wait3A_98 : memref<1x128xi32, #tpu.memory_space<vmem>> -> memref<128xi32, #tpu.memory_space<vmem>>
      %dma_wait3A_100 = arith.constant 0 : i32
      %dma_wait3A_101 = arith.constant 0 : i32
      %dma_wait3A_102 = tpu.memref_slice %arg8[%dma_wait3A_100, %dma_wait3A_101] : memref<20480x128xf32, #tpu.memory_space<hbm>> -> memref<20480x128xf32, #tpu.memory_space<hbm>>
      tpu.wait_indirect_dma semaphore(%arg18 : memref<!tpu.dma_semaphore, #tpu.memory_space<semaphore_mem>>) src(%dma_wait3A_102 : memref<20480x128xf32, #tpu.memory_space<hbm>>) dst(%arg14 : memref<128x128xf32, #tpu.memory_space<vmem>>)
      %dma_start3A_103 = arith.constant 1 : i32
      %dma_start3A_104 = arith.constant 0 : i32
      %dma_start3A_105 = tpu.memref_slice %arg12[%dma_start3A_103, %dma_start3A_104] : memref<8x128xi32, #tpu.memory_space<vmem>> -> memref<1x128xi32, #tpu.memory_space<vmem>>
      %dma_start3A_106 = tpu.memref_squeeze %dma_start3A_105 : memref<1x128xi32, #tpu.memory_space<vmem>> -> memref<128xi32, #tpu.memory_space<vmem>>
      %dma_start3A_107 = arith.constant 0 : i32
      %dma_start3A_108 = arith.constant 0 : i32
      %dma_start3A_109 = tpu.memref_slice %arg10[%dma_start3A_107, %dma_start3A_108] : memref<10240x128xf32, #tpu.memory_space<vmem_shared>> -> memref<10240x128xf32, #tpu.memory_space<vmem_shared>>
      tpu.enqueue_indirect_dma source(%arg14 : memref<128x128xf32, #tpu.memory_space<vmem>>) target(%dma_start3A_109 : memref<10240x128xf32, #tpu.memory_space<vmem_shared>>) offsets(%dma_start3A_106 : memref<128xi32, #tpu.memory_space<vmem>>) semaphore(%arg20 : memref<!tpu.dma_semaphore, #tpu.memory_space<semaphore_mem>>) {add = true}
      %dma_wait3A_110 = arith.constant 1 : i32
      %dma_wait3A_111 = arith.constant 0 : i32
      %dma_wait3A_112 = tpu.memref_slice %arg12[%dma_wait3A_110, %dma_wait3A_111] : memref<8x128xi32, #tpu.memory_space<vmem>> -> memref<1x128xi32, #tpu.memory_space<vmem>>
      %dma_wait3A_113 = tpu.memref_squeeze %dma_wait3A_112 : memref<1x128xi32, #tpu.memory_space<vmem>> -> memref<128xi32, #tpu.memory_space<vmem>>
      %dma_wait3A_114 = arith.constant 0 : i32
      %dma_wait3A_115 = arith.constant 0 : i32
      %dma_wait3A_116 = tpu.memref_slice %arg10[%dma_wait3A_114, %dma_wait3A_115] : memref<10240x128xf32, #tpu.memory_space<vmem_shared>> -> memref<10240x128xf32, #tpu.memory_space<vmem_shared>>
      tpu.wait_indirect_dma semaphore(%arg20 : memref<!tpu.dma_semaphore, #tpu.memory_space<semaphore_mem>>) src(%arg14 : memref<128x128xf32, #tpu.memory_space<vmem>>) dst(%dma_wait3A_116 : memref<10240x128xf32, #tpu.memory_space<vmem_shared>>)
      %dma_start3A_117 = arith.constant 3 : i32
      %dma_start3A_118 = arith.constant 0 : i32
      %dma_start3A_119 = tpu.memref_slice %arg11[%dma_start3A_117, %dma_start3A_118] : memref<8x128xi32, #tpu.memory_space<vmem>> -> memref<1x128xi32, #tpu.memory_space<vmem>>
      %dma_start3A_120 = tpu.memref_squeeze %dma_start3A_119 : memref<1x128xi32, #tpu.memory_space<vmem>> -> memref<128xi32, #tpu.memory_space<vmem>>
      %dma_start3A_121 = arith.constant 0 : i32
      %dma_start3A_122 = arith.constant 0 : i32
      %dma_start3A_123 = tpu.memref_slice %arg8[%dma_start3A_121, %dma_start3A_122] : memref<20480x128xf32, #tpu.memory_space<hbm>> -> memref<20480x128xf32, #tpu.memory_space<hbm>>
      tpu.enqueue_indirect_dma source(%dma_start3A_123 : memref<20480x128xf32, #tpu.memory_space<hbm>>) target(%arg14 : memref<128x128xf32, #tpu.memory_space<vmem>>) offsets(%dma_start3A_120 : memref<128xi32, #tpu.memory_space<vmem>>) semaphore(%arg18 : memref<!tpu.dma_semaphore, #tpu.memory_space<semaphore_mem>>)
      %dma_wait3A_124 = arith.constant 2 : i32
      %dma_wait3A_125 = arith.constant 0 : i32
      %dma_wait3A_126 = tpu.memref_slice %arg11[%dma_wait3A_124, %dma_wait3A_125] : memref<8x128xi32, #tpu.memory_space<vmem>> -> memref<1x128xi32, #tpu.memory_space<vmem>>
      %dma_wait3A_127 = tpu.memref_squeeze %dma_wait3A_126 : memref<1x128xi32, #tpu.memory_space<vmem>> -> memref<128xi32, #tpu.memory_space<vmem>>
      %dma_wait3A_128 = arith.constant 0 : i32
      %dma_wait3A_129 = arith.constant 0 : i32
      %dma_wait3A_130 = tpu.memref_slice %arg8[%dma_wait3A_128, %dma_wait3A_129] : memref<20480x128xf32, #tpu.memory_space<hbm>> -> memref<20480x128xf32, #tpu.memory_space<hbm>>
      tpu.wait_indirect_dma semaphore(%arg17 : memref<!tpu.dma_semaphore, #tpu.memory_space<semaphore_mem>>) src(%dma_wait3A_130 : memref<20480x128xf32, #tpu.memory_space<hbm>>) dst(%arg13 : memref<128x128xf32, #tpu.memory_space<vmem>>)
      %dma_start3A_131 = arith.constant 2 : i32
      %dma_start3A_132 = arith.constant 0 : i32
      %dma_start3A_133 = tpu.memref_slice %arg12[%dma_start3A_131, %dma_start3A_132] : memref<8x128xi32, #tpu.memory_space<vmem>> -> memref<1x128xi32, #tpu.memory_space<vmem>>
      %dma_start3A_134 = tpu.memref_squeeze %dma_start3A_133 : memref<1x128xi32, #tpu.memory_space<vmem>> -> memref<128xi32, #tpu.memory_space<vmem>>
      %dma_start3A_135 = arith.constant 0 : i32
      %dma_start3A_136 = arith.constant 0 : i32
      %dma_start3A_137 = tpu.memref_slice %arg10[%dma_start3A_135, %dma_start3A_136] : memref<10240x128xf32, #tpu.memory_space<vmem_shared>> -> memref<10240x128xf32, #tpu.memory_space<vmem_shared>>
      tpu.enqueue_indirect_dma source(%arg13 : memref<128x128xf32, #tpu.memory_space<vmem>>) target(%dma_start3A_137 : memref<10240x128xf32, #tpu.memory_space<vmem_shared>>) offsets(%dma_start3A_134 : memref<128xi32, #tpu.memory_space<vmem>>) semaphore(%arg19 : memref<!tpu.dma_semaphore, #tpu.memory_space<semaphore_mem>>) {add = true}
      %dma_wait3A_138 = arith.constant 2 : i32
      %dma_wait3A_139 = arith.constant 0 : i32
      %dma_wait3A_140 = tpu.memref_slice %arg12[%dma_wait3A_138, %dma_wait3A_139] : memref<8x128xi32, #tpu.memory_space<vmem>> -> memref<1x128xi32, #tpu.memory_space<vmem>>
      %dma_wait3A_141 = tpu.memref_squeeze %dma_wait3A_140 : memref<1x128xi32, #tpu.memory_space<vmem>> -> memref<128xi32, #tpu.memory_space<vmem>>
      %dma_wait3A_142 = arith.constant 0 : i32
      %dma_wait3A_143 = arith.constant 0 : i32
      %dma_wait3A_144 = tpu.memref_slice %arg10[%dma_wait3A_142, %dma_wait3A_143] : memref<10240x128xf32, #tpu.memory_space<vmem_shared>> -> memref<10240x128xf32, #tpu.memory_space<vmem_shared>>
      tpu.wait_indirect_dma semaphore(%arg19 : memref<!tpu.dma_semaphore, #tpu.memory_space<semaphore_mem>>) src(%arg13 : memref<128x128xf32, #tpu.memory_space<vmem>>) dst(%dma_wait3A_144 : memref<10240x128xf32, #tpu.memory_space<vmem_shared>>)
      %dma_start3A_145 = arith.constant 4 : i32
      %dma_start3A_146 = arith.constant 0 : i32
      %dma_start3A_147 = tpu.memref_slice %arg11[%dma_start3A_145, %dma_start3A_146] : memref<8x128xi32, #tpu.memory_space<vmem>> -> memref<1x128xi32, #tpu.memory_space<vmem>>
      %dma_start3A_148 = tpu.memref_squeeze %dma_start3A_147 : memref<1x128xi32, #tpu.memory_space<vmem>> -> memref<128xi32, #tpu.memory_space<vmem>>
      %dma_start3A_149 = arith.constant 0 : i32
      %dma_start3A_150 = arith.constant 0 : i32
      %dma_start3A_151 = tpu.memref_slice %arg8[%dma_start3A_149, %dma_start3A_150] : memref<20480x128xf32, #tpu.memory_space<hbm>> -> memref<20480x128xf32, #tpu.memory_space<hbm>>
      tpu.enqueue_indirect_dma source(%dma_start3A_151 : memref<20480x128xf32, #tpu.memory_space<hbm>>) target(%arg13 : memref<128x128xf32, #tpu.memory_space<vmem>>) offsets(%dma_start3A_148 : memref<128xi32, #tpu.memory_space<vmem>>) semaphore(%arg17 : memref<!tpu.dma_semaphore, #tpu.memory_space<semaphore_mem>>)
      %dma_wait3A_152 = arith.constant 3 : i32
      %dma_wait3A_153 = arith.constant 0 : i32
      %dma_wait3A_154 = tpu.memref_slice %arg11[%dma_wait3A_152, %dma_wait3A_153] : memref<8x128xi32, #tpu.memory_space<vmem>> -> memref<1x128xi32, #tpu.memory_space<vmem>>
      %dma_wait3A_155 = tpu.memref_squeeze %dma_wait3A_154 : memref<1x128xi32, #tpu.memory_space<vmem>> -> memref<128xi32, #tpu.memory_space<vmem>>
      %dma_wait3A_156 = arith.constant 0 : i32
      %dma_wait3A_157 = arith.constant 0 : i32
      %dma_wait3A_158 = tpu.memref_slice %arg8[%dma_wait3A_156, %dma_wait3A_157] : memref<20480x128xf32, #tpu.memory_space<hbm>> -> memref<20480x128xf32, #tpu.memory_space<hbm>>
      tpu.wait_indirect_dma semaphore(%arg18 : memref<!tpu.dma_semaphore, #tpu.memory_space<semaphore_mem>>) src(%dma_wait3A_158 : memref<20480x128xf32, #tpu.memory_space<hbm>>) dst(%arg14 : memref<128x128xf32, #tpu.memory_space<vmem>>)
      %dma_start3A_159 = arith.constant 3 : i32
      %dma_start3A_160 = arith.constant 0 : i32
      %dma_start3A_161 = tpu.memref_slice %arg12[%dma_start3A_159, %dma_start3A_160] : memref<8x128xi32, #tpu.memory_space<vmem>> -> memref<1x128xi32, #tpu.memory_space<vmem>>
      %dma_start3A_162 = tpu.memref_squeeze %dma_start3A_161 : memref<1x128xi32, #tpu.memory_space<vmem>> -> memref<128xi32, #tpu.memory_space<vmem>>
      %dma_start3A_163 = arith.constant 0 : i32
      %dma_start3A_164 = arith.constant 0 : i32
      %dma_start3A_165 = tpu.memref_slice %arg10[%dma_start3A_163, %dma_start3A_164] : memref<10240x128xf32, #tpu.memory_space<vmem_shared>> -> memref<10240x128xf32, #tpu.memory_space<vmem_shared>>
      tpu.enqueue_indirect_dma source(%arg14 : memref<128x128xf32, #tpu.memory_space<vmem>>) target(%dma_start3A_165 : memref<10240x128xf32, #tpu.memory_space<vmem_shared>>) offsets(%dma_start3A_162 : memref<128xi32, #tpu.memory_space<vmem>>) semaphore(%arg20 : memref<!tpu.dma_semaphore, #tpu.memory_space<semaphore_mem>>) {add = true}
      %dma_wait3A_166 = arith.constant 3 : i32
      %dma_wait3A_167 = arith.constant 0 : i32
      %dma_wait3A_168 = tpu.memref_slice %arg12[%dma_wait3A_166, %dma_wait3A_167] : memref<8x128xi32, #tpu.memory_space<vmem>> -> memref<1x128xi32, #tpu.memory_space<vmem>>
      %dma_wait3A_169 = tpu.memref_squeeze %dma_wait3A_168 : memref<1x128xi32, #tpu.memory_space<vmem>> -> memref<128xi32, #tpu.memory_space<vmem>>
      %dma_wait3A_170 = arith.constant 0 : i32
      %dma_wait3A_171 = arith.constant 0 : i32
      %dma_wait3A_172 = tpu.memref_slice %arg10[%dma_wait3A_170, %dma_wait3A_171] : memref<10240x128xf32, #tpu.memory_space<vmem_shared>> -> memref<10240x128xf32, #tpu.memory_space<vmem_shared>>
      tpu.wait_indirect_dma semaphore(%arg20 : memref<!tpu.dma_semaphore, #tpu.memory_space<semaphore_mem>>) src(%arg14 : memref<128x128xf32, #tpu.memory_space<vmem>>) dst(%dma_wait3A_172 : memref<10240x128xf32, #tpu.memory_space<vmem_shared>>)
      %dma_start3A_173 = arith.constant 5 : i32
      %dma_start3A_174 = arith.constant 0 : i32
      %dma_start3A_175 = tpu.memref_slice %arg11[%dma_start3A_173, %dma_start3A_174] : memref<8x128xi32, #tpu.memory_space<vmem>> -> memref<1x128xi32, #tpu.memory_space<vmem>>
      %dma_start3A_176 = tpu.memref_squeeze %dma_start3A_175 : memref<1x128xi32, #tpu.memory_space<vmem>> -> memref<128xi32, #tpu.memory_space<vmem>>
      %dma_start3A_177 = arith.constant 0 : i32
      %dma_start3A_178 = arith.constant 0 : i32
      %dma_start3A_179 = tpu.memref_slice %arg8[%dma_start3A_177, %dma_start3A_178] : memref<20480x128xf32, #tpu.memory_space<hbm>> -> memref<20480x128xf32, #tpu.memory_space<hbm>>
      tpu.enqueue_indirect_dma source(%dma_start3A_179 : memref<20480x128xf32, #tpu.memory_space<hbm>>) target(%arg14 : memref<128x128xf32, #tpu.memory_space<vmem>>) offsets(%dma_start3A_176 : memref<128xi32, #tpu.memory_space<vmem>>) semaphore(%arg18 : memref<!tpu.dma_semaphore, #tpu.memory_space<semaphore_mem>>)
      %dma_wait3A_180 = arith.constant 4 : i32
      %dma_wait3A_181 = arith.constant 0 : i32
      %dma_wait3A_182 = tpu.memref_slice %arg11[%dma_wait3A_180, %dma_wait3A_181] : memref<8x128xi32, #tpu.memory_space<vmem>> -> memref<1x128xi32, #tpu.memory_space<vmem>>
      %dma_wait3A_183 = tpu.memref_squeeze %dma_wait3A_182 : memref<1x128xi32, #tpu.memory_space<vmem>> -> memref<128xi32, #tpu.memory_space<vmem>>
      %dma_wait3A_184 = arith.constant 0 : i32
      %dma_wait3A_185 = arith.constant 0 : i32
      %dma_wait3A_186 = tpu.memref_slice %arg8[%dma_wait3A_184, %dma_wait3A_185] : memref<20480x128xf32, #tpu.memory_space<hbm>> -> memref<20480x128xf32, #tpu.memory_space<hbm>>
      tpu.wait_indirect_dma semaphore(%arg17 : memref<!tpu.dma_semaphore, #tpu.memory_space<semaphore_mem>>) src(%dma_wait3A_186 : memref<20480x128xf32, #tpu.memory_space<hbm>>) dst(%arg13 : memref<128x128xf32, #tpu.memory_space<vmem>>)
      %dma_start3A_187 = arith.constant 4 : i32
      %dma_start3A_188 = arith.constant 0 : i32
      %dma_start3A_189 = tpu.memref_slice %arg12[%dma_start3A_187, %dma_start3A_188] : memref<8x128xi32, #tpu.memory_space<vmem>> -> memref<1x128xi32, #tpu.memory_space<vmem>>
      %dma_start3A_190 = tpu.memref_squeeze %dma_start3A_189 : memref<1x128xi32, #tpu.memory_space<vmem>> -> memref<128xi32, #tpu.memory_space<vmem>>
      %dma_start3A_191 = arith.constant 0 : i32
      %dma_start3A_192 = arith.constant 0 : i32
      %dma_start3A_193 = tpu.memref_slice %arg10[%dma_start3A_191, %dma_start3A_192] : memref<10240x128xf32, #tpu.memory_space<vmem_shared>> -> memref<10240x128xf32, #tpu.memory_space<vmem_shared>>
      tpu.enqueue_indirect_dma source(%arg13 : memref<128x128xf32, #tpu.memory_space<vmem>>) target(%dma_start3A_193 : memref<10240x128xf32, #tpu.memory_space<vmem_shared>>) offsets(%dma_start3A_190 : memref<128xi32, #tpu.memory_space<vmem>>) semaphore(%arg19 : memref<!tpu.dma_semaphore, #tpu.memory_space<semaphore_mem>>) {add = true}
      %dma_wait3A_194 = arith.constant 4 : i32
      %dma_wait3A_195 = arith.constant 0 : i32
      %dma_wait3A_196 = tpu.memref_slice %arg12[%dma_wait3A_194, %dma_wait3A_195] : memref<8x128xi32, #tpu.memory_space<vmem>> -> memref<1x128xi32, #tpu.memory_space<vmem>>
      %dma_wait3A_197 = tpu.memref_squeeze %dma_wait3A_196 : memref<1x128xi32, #tpu.memory_space<vmem>> -> memref<128xi32, #tpu.memory_space<vmem>>
      %dma_wait3A_198 = arith.constant 0 : i32
      %dma_wait3A_199 = arith.constant 0 : i32
      %dma_wait3A_200 = tpu.memref_slice %arg10[%dma_wait3A_198, %dma_wait3A_199] : memref<10240x128xf32, #tpu.memory_space<vmem_shared>> -> memref<10240x128xf32, #tpu.memory_space<vmem_shared>>
      tpu.wait_indirect_dma semaphore(%arg19 : memref<!tpu.dma_semaphore, #tpu.memory_space<semaphore_mem>>) src(%arg13 : memref<128x128xf32, #tpu.memory_space<vmem>>) dst(%dma_wait3A_200 : memref<10240x128xf32, #tpu.memory_space<vmem_shared>>)
      %dma_start3A_201 = arith.constant 6 : i32
      %dma_start3A_202 = arith.constant 0 : i32
      %dma_start3A_203 = tpu.memref_slice %arg11[%dma_start3A_201, %dma_start3A_202] : memref<8x128xi32, #tpu.memory_space<vmem>> -> memref<1x128xi32, #tpu.memory_space<vmem>>
      %dma_start3A_204 = tpu.memref_squeeze %dma_start3A_203 : memref<1x128xi32, #tpu.memory_space<vmem>> -> memref<128xi32, #tpu.memory_space<vmem>>
      %dma_start3A_205 = arith.constant 0 : i32
      %dma_start3A_206 = arith.constant 0 : i32
      %dma_start3A_207 = tpu.memref_slice %arg8[%dma_start3A_205, %dma_start3A_206] : memref<20480x128xf32, #tpu.memory_space<hbm>> -> memref<20480x128xf32, #tpu.memory_space<hbm>>
      tpu.enqueue_indirect_dma source(%dma_start3A_207 : memref<20480x128xf32, #tpu.memory_space<hbm>>) target(%arg13 : memref<128x128xf32, #tpu.memory_space<vmem>>) offsets(%dma_start3A_204 : memref<128xi32, #tpu.memory_space<vmem>>) semaphore(%arg17 : memref<!tpu.dma_semaphore, #tpu.memory_space<semaphore_mem>>)
      %dma_wait3A_208 = arith.constant 5 : i32
      %dma_wait3A_209 = arith.constant 0 : i32
      %dma_wait3A_210 = tpu.memref_slice %arg11[%dma_wait3A_208, %dma_wait3A_209] : memref<8x128xi32, #tpu.memory_space<vmem>> -> memref<1x128xi32, #tpu.memory_space<vmem>>
      %dma_wait3A_211 = tpu.memref_squeeze %dma_wait3A_210 : memref<1x128xi32, #tpu.memory_space<vmem>> -> memref<128xi32, #tpu.memory_space<vmem>>
      %dma_wait3A_212 = arith.constant 0 : i32
      %dma_wait3A_213 = arith.constant 0 : i32
      %dma_wait3A_214 = tpu.memref_slice %arg8[%dma_wait3A_212, %dma_wait3A_213] : memref<20480x128xf32, #tpu.memory_space<hbm>> -> memref<20480x128xf32, #tpu.memory_space<hbm>>
      tpu.wait_indirect_dma semaphore(%arg18 : memref<!tpu.dma_semaphore, #tpu.memory_space<semaphore_mem>>) src(%dma_wait3A_214 : memref<20480x128xf32, #tpu.memory_space<hbm>>) dst(%arg14 : memref<128x128xf32, #tpu.memory_space<vmem>>)
      %dma_start3A_215 = arith.constant 5 : i32
      %dma_start3A_216 = arith.constant 0 : i32
      %dma_start3A_217 = tpu.memref_slice %arg12[%dma_start3A_215, %dma_start3A_216] : memref<8x128xi32, #tpu.memory_space<vmem>> -> memref<1x128xi32, #tpu.memory_space<vmem>>
      %dma_start3A_218 = tpu.memref_squeeze %dma_start3A_217 : memref<1x128xi32, #tpu.memory_space<vmem>> -> memref<128xi32, #tpu.memory_space<vmem>>
      %dma_start3A_219 = arith.constant 0 : i32
      %dma_start3A_220 = arith.constant 0 : i32
      %dma_start3A_221 = tpu.memref_slice %arg10[%dma_start3A_219, %dma_start3A_220] : memref<10240x128xf32, #tpu.memory_space<vmem_shared>> -> memref<10240x128xf32, #tpu.memory_space<vmem_shared>>
      tpu.enqueue_indirect_dma source(%arg14 : memref<128x128xf32, #tpu.memory_space<vmem>>) target(%dma_start3A_221 : memref<10240x128xf32, #tpu.memory_space<vmem_shared>>) offsets(%dma_start3A_218 : memref<128xi32, #tpu.memory_space<vmem>>) semaphore(%arg20 : memref<!tpu.dma_semaphore, #tpu.memory_space<semaphore_mem>>) {add = true}
      %dma_wait3A_222 = arith.constant 5 : i32
      %dma_wait3A_223 = arith.constant 0 : i32
      %dma_wait3A_224 = tpu.memref_slice %arg12[%dma_wait3A_222, %dma_wait3A_223] : memref<8x128xi32, #tpu.memory_space<vmem>> -> memref<1x128xi32, #tpu.memory_space<vmem>>
      %dma_wait3A_225 = tpu.memref_squeeze %dma_wait3A_224 : memref<1x128xi32, #tpu.memory_space<vmem>> -> memref<128xi32, #tpu.memory_space<vmem>>
      %dma_wait3A_226 = arith.constant 0 : i32
      %dma_wait3A_227 = arith.constant 0 : i32
      %dma_wait3A_228 = tpu.memref_slice %arg10[%dma_wait3A_226, %dma_wait3A_227] : memref<10240x128xf32, #tpu.memory_space<vmem_shared>> -> memref<10240x128xf32, #tpu.memory_space<vmem_shared>>
      tpu.wait_indirect_dma semaphore(%arg20 : memref<!tpu.dma_semaphore, #tpu.memory_space<semaphore_mem>>) src(%arg14 : memref<128x128xf32, #tpu.memory_space<vmem>>) dst(%dma_wait3A_228 : memref<10240x128xf32, #tpu.memory_space<vmem_shared>>)
      %dma_start3A_229 = arith.constant 7 : i32
      %dma_start3A_230 = arith.constant 0 : i32
      %dma_start3A_231 = tpu.memref_slice %arg11[%dma_start3A_229, %dma_start3A_230] : memref<8x128xi32, #tpu.memory_space<vmem>> -> memref<1x128xi32, #tpu.memory_space<vmem>>
      %dma_start3A_232 = tpu.memref_squeeze %dma_start3A_231 : memref<1x128xi32, #tpu.memory_space<vmem>> -> memref<128xi32, #tpu.memory_space<vmem>>
      %dma_start3A_233 = arith.constant 0 : i32
      %dma_start3A_234 = arith.constant 0 : i32
      %dma_start3A_235 = tpu.memref_slice %arg8[%dma_start3A_233, %dma_start3A_234] : memref<20480x128xf32, #tpu.memory_space<hbm>> -> memref<20480x128xf32, #tpu.memory_space<hbm>>
      tpu.enqueue_indirect_dma source(%dma_start3A_235 : memref<20480x128xf32, #tpu.memory_space<hbm>>) target(%arg14 : memref<128x128xf32, #tpu.memory_space<vmem>>) offsets(%dma_start3A_232 : memref<128xi32, #tpu.memory_space<vmem>>) semaphore(%arg18 : memref<!tpu.dma_semaphore, #tpu.memory_space<semaphore_mem>>)
      %dma_wait3A_236 = arith.constant 6 : i32
      %dma_wait3A_237 = arith.constant 0 : i32
      %dma_wait3A_238 = tpu.memref_slice %arg11[%dma_wait3A_236, %dma_wait3A_237] : memref<8x128xi32, #tpu.memory_space<vmem>> -> memref<1x128xi32, #tpu.memory_space<vmem>>
      %dma_wait3A_239 = tpu.memref_squeeze %dma_wait3A_238 : memref<1x128xi32, #tpu.memory_space<vmem>> -> memref<128xi32, #tpu.memory_space<vmem>>
      %dma_wait3A_240 = arith.constant 0 : i32
      %dma_wait3A_241 = arith.constant 0 : i32
      %dma_wait3A_242 = tpu.memref_slice %arg8[%dma_wait3A_240, %dma_wait3A_241] : memref<20480x128xf32, #tpu.memory_space<hbm>> -> memref<20480x128xf32, #tpu.memory_space<hbm>>
      tpu.wait_indirect_dma semaphore(%arg17 : memref<!tpu.dma_semaphore, #tpu.memory_space<semaphore_mem>>) src(%dma_wait3A_242 : memref<20480x128xf32, #tpu.memory_space<hbm>>) dst(%arg13 : memref<128x128xf32, #tpu.memory_space<vmem>>)
      %dma_start3A_243 = arith.constant 6 : i32
      %dma_start3A_244 = arith.constant 0 : i32
      %dma_start3A_245 = tpu.memref_slice %arg12[%dma_start3A_243, %dma_start3A_244] : memref<8x128xi32, #tpu.memory_space<vmem>> -> memref<1x128xi32, #tpu.memory_space<vmem>>
      %dma_start3A_246 = tpu.memref_squeeze %dma_start3A_245 : memref<1x128xi32, #tpu.memory_space<vmem>> -> memref<128xi32, #tpu.memory_space<vmem>>
      %dma_start3A_247 = arith.constant 0 : i32
      %dma_start3A_248 = arith.constant 0 : i32
      %dma_start3A_249 = tpu.memref_slice %arg10[%dma_start3A_247, %dma_start3A_248] : memref<10240x128xf32, #tpu.memory_space<vmem_shared>> -> memref<10240x128xf32, #tpu.memory_space<vmem_shared>>
      tpu.enqueue_indirect_dma source(%arg13 : memref<128x128xf32, #tpu.memory_space<vmem>>) target(%dma_start3A_249 : memref<10240x128xf32, #tpu.memory_space<vmem_shared>>) offsets(%dma_start3A_246 : memref<128xi32, #tpu.memory_space<vmem>>) semaphore(%arg19 : memref<!tpu.dma_semaphore, #tpu.memory_space<semaphore_mem>>) {add = true}
      %dma_wait3A_250 = arith.constant 7 : i32
      %dma_wait3A_251 = arith.constant 0 : i32
      %dma_wait3A_252 = tpu.memref_slice %arg11[%dma_wait3A_250, %dma_wait3A_251] : memref<8x128xi32, #tpu.memory_space<vmem>> -> memref<1x128xi32, #tpu.memory_space<vmem>>
      %dma_wait3A_253 = tpu.memref_squeeze %dma_wait3A_252 : memref<1x128xi32, #tpu.memory_space<vmem>> -> memref<128xi32, #tpu.memory_space<vmem>>
      %dma_wait3A_254 = arith.constant 0 : i32
      %dma_wait3A_255 = arith.constant 0 : i32
      %dma_wait3A_256 = tpu.memref_slice %arg8[%dma_wait3A_254, %dma_wait3A_255] : memref<20480x128xf32, #tpu.memory_space<hbm>> -> memref<20480x128xf32, #tpu.memory_space<hbm>>
      tpu.wait_indirect_dma semaphore(%arg18 : memref<!tpu.dma_semaphore, #tpu.memory_space<semaphore_mem>>) src(%dma_wait3A_256 : memref<20480x128xf32, #tpu.memory_space<hbm>>) dst(%arg14 : memref<128x128xf32, #tpu.memory_space<vmem>>)
      %dma_start3A_257 = arith.constant 7 : i32
      %dma_start3A_258 = arith.constant 0 : i32
      %dma_start3A_259 = tpu.memref_slice %arg12[%dma_start3A_257, %dma_start3A_258] : memref<8x128xi32, #tpu.memory_space<vmem>> -> memref<1x128xi32, #tpu.memory_space<vmem>>
      %dma_start3A_260 = tpu.memref_squeeze %dma_start3A_259 : memref<1x128xi32, #tpu.memory_space<vmem>> -> memref<128xi32, #tpu.memory_space<vmem>>
      %dma_start3A_261 = arith.constant 0 : i32
      %dma_start3A_262 = arith.constant 0 : i32
      %dma_start3A_263 = tpu.memref_slice %arg10[%dma_start3A_261, %dma_start3A_262] : memref<10240x128xf32, #tpu.memory_space<vmem_shared>> -> memref<10240x128xf32, #tpu.memory_space<vmem_shared>>
      tpu.enqueue_indirect_dma source(%arg14 : memref<128x128xf32, #tpu.memory_space<vmem>>) target(%dma_start3A_263 : memref<10240x128xf32, #tpu.memory_space<vmem_shared>>) offsets(%dma_start3A_260 : memref<128xi32, #tpu.memory_space<vmem>>) semaphore(%arg20 : memref<!tpu.dma_semaphore, #tpu.memory_space<semaphore_mem>>) {add = true}
      %dma_wait3A_264 = arith.constant 6 : i32
      %dma_wait3A_265 = arith.constant 0 : i32
      %dma_wait3A_266 = tpu.memref_slice %arg12[%dma_wait3A_264, %dma_wait3A_265] : memref<8x128xi32, #tpu.memory_space<vmem>> -> memref<1x128xi32, #tpu.memory_space<vmem>>
      %dma_wait3A_267 = tpu.memref_squeeze %dma_wait3A_266 : memref<1x128xi32, #tpu.memory_space<vmem>> -> memref<128xi32, #tpu.memory_space<vmem>>
      %dma_wait3A_268 = arith.constant 0 : i32
      %dma_wait3A_269 = arith.constant 0 : i32
      %dma_wait3A_270 = tpu.memref_slice %arg10[%dma_wait3A_268, %dma_wait3A_269] : memref<10240x128xf32, #tpu.memory_space<vmem_shared>> -> memref<10240x128xf32, #tpu.memory_space<vmem_shared>>
      tpu.wait_indirect_dma semaphore(%arg19 : memref<!tpu.dma_semaphore, #tpu.memory_space<semaphore_mem>>) src(%arg13 : memref<128x128xf32, #tpu.memory_space<vmem>>) dst(%dma_wait3A_270 : memref<10240x128xf32, #tpu.memory_space<vmem_shared>>)
      %dma_wait3A_271 = arith.constant 7 : i32
      %dma_wait3A_272 = arith.constant 0 : i32
      %dma_wait3A_273 = tpu.memref_slice %arg12[%dma_wait3A_271, %dma_wait3A_272] : memref<8x128xi32, #tpu.memory_space<vmem>> -> memref<1x128xi32, #tpu.memory_space<vmem>>
      %dma_wait3A_274 = tpu.memref_squeeze %dma_wait3A_273 : memref<1x128xi32, #tpu.memory_space<vmem>> -> memref<128xi32, #tpu.memory_space<vmem>>
      %dma_wait3A_275 = arith.constant 0 : i32
      %dma_wait3A_276 = arith.constant 0 : i32
      %dma_wait3A_277 = tpu.memref_slice %arg10[%dma_wait3A_275, %dma_wait3A_276] : memref<10240x128xf32, #tpu.memory_space<vmem_shared>> -> memref<10240x128xf32, #tpu.memory_space<vmem_shared>>
      tpu.wait_indirect_dma semaphore(%arg20 : memref<!tpu.dma_semaphore, #tpu.memory_space<semaphore_mem>>) src(%arg14 : memref<128x128xf32, #tpu.memory_space<vmem>>) dst(%dma_wait3A_277 : memref<10240x128xf32, #tpu.memory_space<vmem_shared>>)
      %scan3A_278 = arith.constant 0 : i32
      scf.yield %scan3A_278 : i32
    }
    %scan3A_40 = arith.constant 11 : i32
    %barrier3A_41 = arith.constant 0 : index
    tpu.barrier barrier_id(%barrier3A_41)
    %scan3A_42 = arith.constant 0 : i32
    %scan3A_43 = arith.constant 0 : i32
    %scan3A_44 = arith.constant 20 : i32
    %scan3A_45 = arith.addi %scan3A_43, %scan3A_44 : i32
    %scan3A_46 = arith.constant 1 : i32
    %scan3A_47 = scf.for %scan3A_50 = %scan3A_43 to %scan3A_45 step %scan3A_46 iter_args(%scan3A_51 = %scan3A_42) -> (i32)  : i32 {
      %mul3A_52 = arith.constant 32 : i32
      %mul3A_53 = arith.muli %scan3A_50, %mul3A_52 : i32
      %add3A = arith.addi %mul3A_0, %mul3A_53 : i32
      "tpu.region"() ({
        %run_scoped3A = tpu.sem_alloc : memref<!tpu.dma_semaphore, #tpu.memory_space<semaphore_mem>>
        %dma_start3A = arith.constant 0 : i32
        %dma_start3A_65 = tpu.memref_slice %arg10[%add3A, %dma_start3A] : memref<10240x128xf32, #tpu.memory_space<vmem_shared>> -> memref<32x128xf32, #tpu.memory_space<vmem_shared>>
        %dma_start3A_66 = arith.constant 0 : i32
        %dma_start3A_67 = tpu.memref_slice %arg10[%add3A, %dma_start3A_66] : memref<10240x128xf32, #tpu.memory_space<vmem_shared>> -> memref<32x128xf32, #tpu.memory_space<vmem_shared>>
        tpu.enqueue_dma source(%dma_start3A_67 : memref<32x128xf32, #tpu.memory_space<vmem_shared>>) target(%arg15 : memref<32x128xf32, #tpu.memory_space<vmem>>) target_semaphore(%run_scoped3A : memref<!tpu.dma_semaphore, #tpu.memory_space<semaphore_mem>>)
        %dma_wait3A = arith.constant 0 : i32
        %dma_wait3A_68 = tpu.memref_slice %arg10[%add3A, %dma_wait3A] : memref<10240x128xf32, #tpu.memory_space<vmem_shared>> -> memref<32x128xf32, #tpu.memory_space<vmem_shared>>
        %dma_wait3A_69 = arith.constant 0 : i32
        %dma_wait3A_70 = tpu.memref_slice %arg10[%add3A, %dma_wait3A_69] : memref<10240x128xf32, #tpu.memory_space<vmem_shared>> -> memref<32x128xf32, #tpu.memory_space<vmem_shared>>
        tpu.wait_dma2 semaphore(%run_scoped3A : memref<!tpu.dma_semaphore, #tpu.memory_space<semaphore_mem>>) src(%dma_wait3A_70 : memref<32x128xf32, #tpu.memory_space<vmem_shared>>) dst(%arg15 : memref<32x128xf32, #tpu.memory_space<vmem>>)
        tpu.yield
      }) : () -> ()
      "tpu.region"() ({
        %run_scoped3A = tpu.sem_alloc : memref<!tpu.dma_semaphore, #tpu.memory_space<semaphore_mem>>
        %dma_start3A = arith.constant 0 : i32
        %dma_start3A_65 = tpu.memref_slice %arg5[%add3A, %dma_start3A] : memref<10240x16xf32, #tpu.memory_space<hbm>> -> memref<32x16xf32, #tpu.memory_space<hbm>>
        %dma_start3A_66 = arith.constant 0 : i32
        %dma_start3A_67 = tpu.memref_slice %arg5[%add3A, %dma_start3A_66] : memref<10240x16xf32, #tpu.memory_space<hbm>> -> memref<32x16xf32, #tpu.memory_space<hbm>>
        tpu.enqueue_dma source(%dma_start3A_67 : memref<32x16xf32, #tpu.memory_space<hbm>>) target(%arg16 : memref<32x16xf32, #tpu.memory_space<vmem>>) target_semaphore(%run_scoped3A : memref<!tpu.dma_semaphore, #tpu.memory_space<semaphore_mem>>)
        %dma_wait3A = arith.constant 0 : i32
        %dma_wait3A_68 = tpu.memref_slice %arg5[%add3A, %dma_wait3A] : memref<10240x16xf32, #tpu.memory_space<hbm>> -> memref<32x16xf32, #tpu.memory_space<hbm>>
        %dma_wait3A_69 = arith.constant 0 : i32
        %dma_wait3A_70 = tpu.memref_slice %arg5[%add3A, %dma_wait3A_69] : memref<10240x16xf32, #tpu.memory_space<hbm>> -> memref<32x16xf32, #tpu.memory_space<hbm>>
        tpu.wait_dma2 semaphore(%run_scoped3A : memref<!tpu.dma_semaphore, #tpu.memory_space<semaphore_mem>>) src(%dma_wait3A_70 : memref<32x16xf32, #tpu.memory_space<hbm>>) dst(%arg16 : memref<32x16xf32, #tpu.memory_space<vmem>>)
        tpu.yield
      }) : () -> ()
      %scan3A_54 = arith.constant 0 : i32
      %scan3A_55 = arith.constant 0 : i32
      %scan3A_56 = arith.constant 32 : i32
      %scan3A_57 = arith.addi %scan3A_55, %scan3A_56 : i32
      %scan3A_58 = arith.constant 1 : i32
      %scan3A_59 = scf.for %scan3A_65 = %scan3A_55 to %scan3A_57 step %scan3A_58 iter_args(%scan3A_66 = %scan3A_54) -> (i32)  : i32 {
        %get3A = arith.index_cast %scan3A_65 : i32 to index
        %get3A_67 = arith.constant 0 : index
        %get3A_68 = tpu.vector_load %arg15[%get3A, %get3A_67] {strides = array<i32>} : memref<32x128xf32, #tpu.memory_space<vmem>>, vector<1x16xf32>,
        %get3A_69 = vector.shape_cast %get3A_68 : vector<1x16xf32> to vector<16xf32>
        %get3A_70 = arith.index_cast %scan3A_65 : i32 to index
        %get3A_71 = arith.constant 0 : index
        %get3A_72 = tpu.vector_load %arg16[%get3A_70, %get3A_71] {strides = array<i32>} : memref<32x16xf32, #tpu.memory_space<vmem>>, vector<1x16xf32>,
        %get3A_73 = vector.shape_cast %get3A_72 : vector<1x16xf32> to vector<16xf32>
        %mul3A_74 = arith.mulf %get3A_69, %get3A_73 : vector<16xf32>
        %swap3A = arith.index_cast %scan3A_65 : i32 to index
        %swap3A_75 = arith.constant 0 : index
        %swap3A_76 = tpu.vector_load %arg15[%swap3A, %swap3A_75] {strides = array<i32>} : memref<32x128xf32, #tpu.memory_space<vmem>>, vector<1x16xf32>,
        %swap3A_77 = vector.shape_cast %swap3A_76 : vector<1x16xf32> to vector<16xf32>
        %swap3A_78 = vector.shape_cast %mul3A_74 : vector<16xf32> to vector<1x16xf32>
        tpu.vector_store %arg15[%swap3A, %swap3A_75], %swap3A_78 {strides = array<i32>} : memref<32x128xf32, #tpu.memory_space<vmem>>, vector<1x16xf32>,
        %get3A_79 = arith.index_cast %scan3A_65 : i32 to index
        %get3A_80 = arith.constant 16 : index
        %get3A_81 = tpu.vector_load %arg15[%get3A_79, %get3A_80] {strides = array<i32>} : memref<32x128xf32, #tpu.memory_space<vmem>>, vector<1x16xf32>,
        %get3A_82 = vector.shape_cast %get3A_81 : vector<1x16xf32> to vector<16xf32>
        %get3A_83 = arith.index_cast %scan3A_65 : i32 to index
        %get3A_84 = arith.constant 0 : index
        %get3A_85 = tpu.vector_load %arg16[%get3A_83, %get3A_84] {strides = array<i32>} : memref<32x16xf32, #tpu.memory_space<vmem>>, vector<1x16xf32>,
        %get3A_86 = vector.shape_cast %get3A_85 : vector<1x16xf32> to vector<16xf32>
        %mul3A_87 = arith.mulf %get3A_82, %get3A_86 : vector<16xf32>
        %swap3A_88 = arith.index_cast %scan3A_65 : i32 to index
        %swap3A_89 = arith.constant 16 : index
        %swap3A_90 = tpu.vector_load %arg15[%swap3A_88, %swap3A_89] {strides = array<i32>} : memref<32x128xf32, #tpu.memory_space<vmem>>, vector<1x16xf32>,
        %swap3A_91 = vector.shape_cast %swap3A_90 : vector<1x16xf32> to vector<16xf32>
        %swap3A_92 = vector.shape_cast %mul3A_87 : vector<16xf32> to vector<1x16xf32>
        tpu.vector_store %arg15[%swap3A_88, %swap3A_89], %swap3A_92 {strides = array<i32>} : memref<32x128xf32, #tpu.memory_space<vmem>>, vector<1x16xf32>,
        %get3A_93 = arith.index_cast %scan3A_65 : i32 to index
        %get3A_94 = arith.constant 32 : index
        %get3A_95 = tpu.vector_load %arg15[%get3A_93, %get3A_94] {strides = array<i32>} : memref<32x128xf32, #tpu.memory_space<vmem>>, vector<1x16xf32>,
        %get3A_96 = vector.shape_cast %get3A_95 : vector<1x16xf32> to vector<16xf32>
        %get3A_97 = arith.index_cast %scan3A_65 : i32 to index
        %get3A_98 = arith.constant 0 : index
        %get3A_99 = tpu.vector_load %arg16[%get3A_97, %get3A_98] {strides = array<i32>} : memref<32x16xf32, #tpu.memory_space<vmem>>, vector<1x16xf32>,
        %get3A_100 = vector.shape_cast %get3A_99 : vector<1x16xf32> to vector<16xf32>
        %mul3A_101 = arith.mulf %get3A_96, %get3A_100 : vector<16xf32>
        %swap3A_102 = arith.index_cast %scan3A_65 : i32 to index
        %swap3A_103 = arith.constant 32 : index
        %swap3A_104 = tpu.vector_load %arg15[%swap3A_102, %swap3A_103] {strides = array<i32>} : memref<32x128xf32, #tpu.memory_space<vmem>>, vector<1x16xf32>,
        %swap3A_105 = vector.shape_cast %swap3A_104 : vector<1x16xf32> to vector<16xf32>
        %swap3A_106 = vector.shape_cast %mul3A_101 : vector<16xf32> to vector<1x16xf32>
        tpu.vector_store %arg15[%swap3A_102, %swap3A_103], %swap3A_106 {strides = array<i32>} : memref<32x128xf32, #tpu.memory_space<vmem>>, vector<1x16xf32>,
        %get3A_107 = arith.index_cast %scan3A_65 : i32 to index
        %get3A_108 = arith.constant 48 : index
        %get3A_109 = tpu.vector_load %arg15[%get3A_107, %get3A_108] {strides = array<i32>} : memref<32x128xf32, #tpu.memory_space<vmem>>, vector<1x16xf32>,
        %get3A_110 = vector.shape_cast %get3A_109 : vector<1x16xf32> to vector<16xf32>
        %get3A_111 = arith.index_cast %scan3A_65 : i32 to index
        %get3A_112 = arith.constant 0 : index
        %get3A_113 = tpu.vector_load %arg16[%get3A_111, %get3A_112] {strides = array<i32>} : memref<32x16xf32, #tpu.memory_space<vmem>>, vector<1x16xf32>,
        %get3A_114 = vector.shape_cast %get3A_113 : vector<1x16xf32> to vector<16xf32>
        %mul3A_115 = arith.mulf %get3A_110, %get3A_114 : vector<16xf32>
        %swap3A_116 = arith.index_cast %scan3A_65 : i32 to index
        %swap3A_117 = arith.constant 48 : index
        %swap3A_118 = tpu.vector_load %arg15[%swap3A_116, %swap3A_117] {strides = array<i32>} : memref<32x128xf32, #tpu.memory_space<vmem>>, vector<1x16xf32>,
        %swap3A_119 = vector.shape_cast %swap3A_118 : vector<1x16xf32> to vector<16xf32>
        %swap3A_120 = vector.shape_cast %mul3A_115 : vector<16xf32> to vector<1x16xf32>
        tpu.vector_store %arg15[%swap3A_116, %swap3A_117], %swap3A_120 {strides = array<i32>} : memref<32x128xf32, #tpu.memory_space<vmem>>, vector<1x16xf32>,
        %get3A_121 = arith.index_cast %scan3A_65 : i32 to index
        %get3A_122 = arith.constant 64 : index
        %get3A_123 = tpu.vector_load %arg15[%get3A_121, %get3A_122] {strides = array<i32>} : memref<32x128xf32, #tpu.memory_space<vmem>>, vector<1x16xf32>,
        %get3A_124 = vector.shape_cast %get3A_123 : vector<1x16xf32> to vector<16xf32>
        %get3A_125 = arith.index_cast %scan3A_65 : i32 to index
        %get3A_126 = arith.constant 0 : index
        %get3A_127 = tpu.vector_load %arg16[%get3A_125, %get3A_126] {strides = array<i32>} : memref<32x16xf32, #tpu.memory_space<vmem>>, vector<1x16xf32>,
        %get3A_128 = vector.shape_cast %get3A_127 : vector<1x16xf32> to vector<16xf32>
        %mul3A_129 = arith.mulf %get3A_124, %get3A_128 : vector<16xf32>
        %swap3A_130 = arith.index_cast %scan3A_65 : i32 to index
        %swap3A_131 = arith.constant 64 : index
        %swap3A_132 = tpu.vector_load %arg15[%swap3A_130, %swap3A_131] {strides = array<i32>} : memref<32x128xf32, #tpu.memory_space<vmem>>, vector<1x16xf32>,
        %swap3A_133 = vector.shape_cast %swap3A_132 : vector<1x16xf32> to vector<16xf32>
        %swap3A_134 = vector.shape_cast %mul3A_129 : vector<16xf32> to vector<1x16xf32>
        tpu.vector_store %arg15[%swap3A_130, %swap3A_131], %swap3A_134 {strides = array<i32>} : memref<32x128xf32, #tpu.memory_space<vmem>>, vector<1x16xf32>,
        %get3A_135 = arith.index_cast %scan3A_65 : i32 to index
        %get3A_136 = arith.constant 80 : index
        %get3A_137 = tpu.vector_load %arg15[%get3A_135, %get3A_136] {strides = array<i32>} : memref<32x128xf32, #tpu.memory_space<vmem>>, vector<1x16xf32>,
        %get3A_138 = vector.shape_cast %get3A_137 : vector<1x16xf32> to vector<16xf32>
        %get3A_139 = arith.index_cast %scan3A_65 : i32 to index
        %get3A_140 = arith.constant 0 : index
        %get3A_141 = tpu.vector_load %arg16[%get3A_139, %get3A_140] {strides = array<i32>} : memref<32x16xf32, #tpu.memory_space<vmem>>, vector<1x16xf32>,
        %get3A_142 = vector.shape_cast %get3A_141 : vector<1x16xf32> to vector<16xf32>
        %mul3A_143 = arith.mulf %get3A_138, %get3A_142 : vector<16xf32>
        %swap3A_144 = arith.index_cast %scan3A_65 : i32 to index
        %swap3A_145 = arith.constant 80 : index
        %swap3A_146 = tpu.vector_load %arg15[%swap3A_144, %swap3A_145] {strides = array<i32>} : memref<32x128xf32, #tpu.memory_space<vmem>>, vector<1x16xf32>,
        %swap3A_147 = vector.shape_cast %swap3A_146 : vector<1x16xf32> to vector<16xf32>
        %swap3A_148 = vector.shape_cast %mul3A_143 : vector<16xf32> to vector<1x16xf32>
        tpu.vector_store %arg15[%swap3A_144, %swap3A_145], %swap3A_148 {strides = array<i32>} : memref<32x128xf32, #tpu.memory_space<vmem>>, vector<1x16xf32>,
        %get3A_149 = arith.index_cast %scan3A_65 : i32 to index
        %get3A_150 = arith.constant 96 : index
        %get3A_151 = tpu.vector_load %arg15[%get3A_149, %get3A_150] {strides = array<i32>} : memref<32x128xf32, #tpu.memory_space<vmem>>, vector<1x16xf32>,
        %get3A_152 = vector.shape_cast %get3A_151 : vector<1x16xf32> to vector<16xf32>
        %get3A_153 = arith.index_cast %scan3A_65 : i32 to index
        %get3A_154 = arith.constant 0 : index
        %get3A_155 = tpu.vector_load %arg16[%get3A_153, %get3A_154] {strides = array<i32>} : memref<32x16xf32, #tpu.memory_space<vmem>>, vector<1x16xf32>,
        %get3A_156 = vector.shape_cast %get3A_155 : vector<1x16xf32> to vector<16xf32>
        %mul3A_157 = arith.mulf %get3A_152, %get3A_156 : vector<16xf32>
        %swap3A_158 = arith.index_cast %scan3A_65 : i32 to index
        %swap3A_159 = arith.constant 96 : index
        %swap3A_160 = tpu.vector_load %arg15[%swap3A_158, %swap3A_159] {strides = array<i32>} : memref<32x128xf32, #tpu.memory_space<vmem>>, vector<1x16xf32>,
        %swap3A_161 = vector.shape_cast %swap3A_160 : vector<1x16xf32> to vector<16xf32>
        %swap3A_162 = vector.shape_cast %mul3A_157 : vector<16xf32> to vector<1x16xf32>
        tpu.vector_store %arg15[%swap3A_158, %swap3A_159], %swap3A_162 {strides = array<i32>} : memref<32x128xf32, #tpu.memory_space<vmem>>, vector<1x16xf32>,
        %get3A_163 = arith.index_cast %scan3A_65 : i32 to index
        %get3A_164 = arith.constant 112 : index
        %get3A_165 = tpu.vector_load %arg15[%get3A_163, %get3A_164] {strides = array<i32>} : memref<32x128xf32, #tpu.memory_space<vmem>>, vector<1x16xf32>,
        %get3A_166 = vector.shape_cast %get3A_165 : vector<1x16xf32> to vector<16xf32>
        %get3A_167 = arith.index_cast %scan3A_65 : i32 to index
        %get3A_168 = arith.constant 0 : index
        %get3A_169 = tpu.vector_load %arg16[%get3A_167, %get3A_168] {strides = array<i32>} : memref<32x16xf32, #tpu.memory_space<vmem>>, vector<1x16xf32>,
        %get3A_170 = vector.shape_cast %get3A_169 : vector<1x16xf32> to vector<16xf32>
        %mul3A_171 = arith.mulf %get3A_166, %get3A_170 : vector<16xf32>
        %swap3A_172 = arith.index_cast %scan3A_65 : i32 to index
        %swap3A_173 = arith.constant 112 : index
        %swap3A_174 = tpu.vector_load %arg15[%swap3A_172, %swap3A_173] {strides = array<i32>} : memref<32x128xf32, #tpu.memory_space<vmem>>, vector<1x16xf32>,
        %swap3A_175 = vector.shape_cast %swap3A_174 : vector<1x16xf32> to vector<16xf32>
        %swap3A_176 = vector.shape_cast %mul3A_171 : vector<16xf32> to vector<1x16xf32>
        tpu.vector_store %arg15[%swap3A_172, %swap3A_173], %swap3A_176 {strides = array<i32>} : memref<32x128xf32, #tpu.memory_space<vmem>>, vector<1x16xf32>,
        %scan3A_177 = arith.constant 0 : i32
        scf.yield %scan3A_177 : i32
      }
      %scan3A_60 = arith.constant 32 : i32
      %mul3A_61 = arith.constant 10240 : i32
      %mul3A_62 = arith.muli %arg0, %mul3A_61 : i32
      %add3A_63 = arith.addi %mul3A_62, %add3A : i32
      "tpu.region"() ({
        %run_scoped3A = tpu.sem_alloc : memref<!tpu.dma_semaphore, #tpu.memory_space<semaphore_mem>>
        %dma_start3A = arith.constant 0 : i32
        %dma_start3A_65 = tpu.memref_slice %arg9[%add3A_63, %dma_start3A] : memref<20480x128xf32, #tpu.memory_space<hbm>> -> memref<32x128xf32, #tpu.memory_space<hbm>>
        %dma_start3A_66 = arith.constant 0 : i32
        %dma_start3A_67 = tpu.memref_slice %arg9[%add3A_63, %dma_start3A_66] : memref<20480x128xf32, #tpu.memory_space<hbm>> -> memref<32x128xf32, #tpu.memory_space<hbm>>
        tpu.enqueue_dma source(%arg15 : memref<32x128xf32, #tpu.memory_space<vmem>>) target(%dma_start3A_67 : memref<32x128xf32, #tpu.memory_space<hbm>>) target_semaphore(%run_scoped3A : memref<!tpu.dma_semaphore, #tpu.memory_space<semaphore_mem>>)
        %dma_wait3A = arith.constant 0 : i32
        %dma_wait3A_68 = tpu.memref_slice %arg9[%add3A_63, %dma_wait3A] : memref<20480x128xf32, #tpu.memory_space<hbm>> -> memref<32x128xf32, #tpu.memory_space<hbm>>
        %dma_wait3A_69 = arith.constant 0 : i32
        %dma_wait3A_70 = tpu.memref_slice %arg9[%add3A_63, %dma_wait3A_69] : memref<20480x128xf32, #tpu.memory_space<hbm>> -> memref<32x128xf32, #tpu.memory_space<hbm>>
        tpu.wait_dma2 semaphore(%run_scoped3A : memref<!tpu.dma_semaphore, #tpu.memory_space<semaphore_mem>>) src(%arg15 : memref<32x128xf32, #tpu.memory_space<vmem>>) dst(%dma_wait3A_70 : memref<32x128xf32, #tpu.memory_space<hbm>>)
        tpu.yield
      }) : () -> ()
      %scan3A_64 = arith.constant 0 : i32
      scf.yield %scan3A_64 : i32
    }
    %scan3A_48 = arith.constant 20 : i32
    %barrier3A_49 = arith.constant 0 : index
    tpu.barrier barrier_id(%barrier3A_49)
    return
  }
}

module attributes {stable_mosaic.version = 14 : i64} {
  func.func @_deg_math_body(%arg0: memref<2x10240x16xf32, #tpu.memory_space<vmem>>, %arg1: memref<10240x16xf32, #tpu.memory_space<vmem>>, %arg2: memref<10240x128xf32, #tpu.memory_space<vmem>>) attributes {dimension_semantics = [], scalar_prefetch = 0 : i64, scratch_operands = 0 : i64, tpu.core_type = #tpu.core_type<tc>} {
    %get3A = arith.constant 0 : index
    %get3A_0 = arith.constant 0 : index
    %get3A_1 = arith.constant 0 : index
    %get3A_2 = vector.load %arg0[%get3A, %get3A_0, %get3A_1] : memref<2x10240x16xf32, #tpu.memory_space<vmem>>, vector<1x10240x16xf32>
    %get3A_3 = vector.shape_cast %get3A_2 : vector<1x10240x16xf32> to vector<10240x16xf32>
    %get3A_4 = arith.constant 1 : index
    %get3A_5 = arith.constant 0 : index
    %get3A_6 = arith.constant 0 : index
    %get3A_7 = vector.load %arg0[%get3A_4, %get3A_5, %get3A_6] : memref<2x10240x16xf32, #tpu.memory_space<vmem>>, vector<1x10240x16xf32>
    %get3A_8 = vector.shape_cast %get3A_7 : vector<1x10240x16xf32> to vector<10240x16xf32>
    %add3A = arith.addf %get3A_3, %get3A_8 : vector<10240x16xf32>
    %gt3A = arith.constant 0.000000e+00 : f32
    %gt3A_9 = vector.broadcast %gt3A : f32 to vector<10240x16xf32>
    %gt3A_10 = arith.cmpf ogt, %add3A, %gt3A_9 : vector<10240x16xf32>
    %div3A = arith.constant 1.000000e+00 : f32
    %div3A_11 = vector.broadcast %div3A : f32 to vector<10240x16xf32>
    %div3A_12 = arith.divf %div3A_11, %add3A : vector<10240x16xf32>
    %jit3A = arith.constant 0.000000e+00 : f32
    %broadcast_in_dim3A = vector.broadcast %jit3A : f32 to vector<10240x16xf32>
    %select_n3A = arith.select %gt3A_10, %div3A_12, %broadcast_in_dim3A : vector<10240x16xi1>, vector<10240x16xf32>
    %swap3A = arith.constant 0 : index
    %swap3A_13 = arith.constant 0 : index
    %swap3A_14 = vector.load %arg1[%swap3A, %swap3A_13] : memref<10240x16xf32, #tpu.memory_space<vmem>>, vector<10240x16xf32>
    tpu.vector_store %arg1[%swap3A, %swap3A_13], %select_n3A {strides = array<i32>} : memref<10240x16xf32, #tpu.memory_space<vmem>>, vector<10240x16xf32>,
    %slice3A = vector.extract_strided_slice %add3A {offsets = [0, 0], sizes = [10240, 1], strides = [1, 1]} : vector<10240x16xf32> to vector<10240x1xf32>
    %broadcast_in_dim3A_15 = vector.shape_cast %slice3A : vector<10240x1xf32> to vector<10240x1xf32>
    %broadcast_in_dim3A_16 = vector.broadcast %broadcast_in_dim3A_15 : vector<10240x1xf32> to vector<10240x128xf32>
    %swap3A_17 = arith.constant 0 : index
    %swap3A_18 = arith.constant 0 : index
    %swap3A_19 = vector.load %arg2[%swap3A_17, %swap3A_18] : memref<10240x128xf32, #tpu.memory_space<vmem>>, vector<10240x128xf32>
    tpu.vector_store %arg2[%swap3A_17, %swap3A_18], %broadcast_in_dim3A_16 {strides = array<i32>} : memref<10240x128xf32, #tpu.memory_space<vmem>>, vector<10240x128xf32>,
    return
  }
}

module attributes {stable_mosaic.version = 14 : i64} {
  func.func @_mm_body(%arg0: i32, %arg1: memref<1000x256xf32, #tpu.memory_space<vmem>>, %arg2: memref<256x256xf32, #tpu.memory_space<vmem>>, %arg3: memref<1000x128xf32, #tpu.memory_space<vmem>>, %arg4: memref<1000x256xf32, #tpu.memory_space<vmem>>) attributes {dimension_semantics = [#tpu.dimension_semantics<arbitrary>], iteration_bounds = array<i64: 10>, scalar_prefetch = 0 : i64, scratch_operands = 0 : i64, tpu.core_type = #tpu.core_type<tc>, window_params = [{transform_indices = @transform_0, window_bounds = array<i64: 1000, 256>}, {pipeline_mode = #tpu.pipeline_mode<synchronous>, transform_indices = @transform_1, window_bounds = array<i64: 256, 256>}, {transform_indices = @transform_2, window_bounds = array<i64: 1000, 128>}, {transform_indices = @transform_3, window_bounds = array<i64: 1000, 256>}]} {
    %get3A = arith.constant 0 : index
    %get3A_0 = arith.constant 0 : index
    %get3A_1 = vector.load %arg1[%get3A, %get3A_0] : memref<1000x256xf32, #tpu.memory_space<vmem>>, vector<1000x256xf32>
    %get3A_2 = arith.constant 0 : index
    %get3A_3 = arith.constant 0 : index
    %get3A_4 = vector.load %arg2[%get3A_2, %get3A_3] : memref<256x256xf32, #tpu.memory_space<vmem>>, vector<256x256xf32>
    %dot_general3A = arith.constant dense<0.000000e+00> : vector<1000x256xf32>
    %dot_general3A_5 = tpu.matmul %get3A_1, %get3A_4, %dot_general3A {dimension_numbers = #tpu.dot_dimension_numbers<[1], [0], [0], [1], [0, 0, 1, 1], [], []>, transpose_lhs_hint = false} : vector<1000x256xf32>, vector<256x256xf32>, vector<1000x256xf32> -> vector<1000x256xf32>
    %get3A_6 = arith.constant 0 : index
    %get3A_7 = arith.constant 0 : index
    %get3A_8 = vector.load %arg3[%get3A_6, %get3A_7] : memref<1000x128xf32, #tpu.memory_space<vmem>>, vector<1000x128xf32>
    %slice3A = vector.extract_strided_slice %get3A_8 {offsets = [0, 0], sizes = [1000, 1], strides = [1, 1]} : vector<1000x128xf32> to vector<1000x1xf32>
    %rsqrt3A = math.rsqrt %slice3A : vector<1000x1xf32>
    %mul3A = vector.broadcast %rsqrt3A : vector<1000x1xf32> to vector<1000x256xf32>
    %mul3A_9 = arith.mulf %mul3A, %dot_general3A_5 : vector<1000x256xf32>
    %swap3A = arith.constant 0 : index
    %swap3A_10 = arith.constant 0 : index
    %swap3A_11 = vector.load %arg4[%swap3A, %swap3A_10] : memref<1000x256xf32, #tpu.memory_space<vmem>>, vector<1000x256xf32>
    tpu.vector_store %arg4[%swap3A, %swap3A_10], %mul3A_9 {strides = array<i32>} : memref<1000x256xf32, #tpu.memory_space<vmem>>, vector<1000x256xf32>,
    return
  }
  func.func @transform_0(%arg0: i32) -> (i32, i32) {
    %c0_i32 = arith.constant 0 : i32
    %c0_i32_0 = arith.constant 0 : i32
    return %arg0, %c0_i32 : i32, i32
  }
  func.func @transform_1(%arg0: i32) -> (i32, i32) {
    %c0_i32 = arith.constant 0 : i32
    %c0_i32_0 = arith.constant 0 : i32
    %c0_i32_1 = arith.constant 0 : i32
    return %c0_i32, %c0_i32_0 : i32, i32
  }
  func.func @transform_2(%arg0: i32) -> (i32, i32) {
    %c0_i32 = arith.constant 0 : i32
    %c0_i32_0 = arith.constant 0 : i32
    return %arg0, %c0_i32 : i32, i32
  }
  func.func @transform_3(%arg0: i32) -> (i32, i32) {
    %c0_i32 = arith.constant 0 : i32
    %c0_i32_0 = arith.constant 0 : i32
    return %arg0, %c0_i32 : i32, i32
  }
}

module attributes {stable_mosaic.version = 14 : i64} {
  func.func @_final_body(%arg0: i32, %arg1: memref<1000x256xf32, #tpu.memory_space<vmem>>, %arg2: memref<1000x256xf32, #tpu.memory_space<vmem>>, %arg3: memref<1000x256xf32, #tpu.memory_space<vmem>>, %arg4: memref<1000x128xf32, #tpu.memory_space<vmem>>, %arg5: memref<1000x256xf32, #tpu.memory_space<vmem>>, %arg6: memref<1000x256xf32, #tpu.memory_space<vmem>>, %arg7: memref<1000x256xf32, #tpu.memory_space<vmem>>, %arg8: memref<1000x256xf32, #tpu.memory_space<vmem>>) attributes {dimension_semantics = [#tpu.dimension_semantics<arbitrary>], iteration_bounds = array<i64: 10>, scalar_prefetch = 0 : i64, scratch_operands = 0 : i64, tpu.core_type = #tpu.core_type<tc>, window_params = [{transform_indices = @transform_0, window_bounds = array<i64: 1000, 256>}, {transform_indices = @transform_1, window_bounds = array<i64: 1000, 256>}, {transform_indices = @transform_2, window_bounds = array<i64: 1000, 256>}, {transform_indices = @transform_3, window_bounds = array<i64: 1000, 128>}, {transform_indices = @transform_4, window_bounds = array<i64: 1000, 256>}, {transform_indices = @transform_5, window_bounds = array<i64: 1000, 256>}, {transform_indices = @transform_6, window_bounds = array<i64: 1000, 256>}, {transform_indices = @transform_7, window_bounds = array<i64: 1000, 256>}]} {
    %get3A = arith.constant 0 : index
    %get3A_0 = arith.constant 0 : index
    %get3A_1 = vector.load %arg4[%get3A, %get3A_0] : memref<1000x128xf32, #tpu.memory_space<vmem>>, vector<1000x128xf32>
    %slice3A = vector.extract_strided_slice %get3A_1 {offsets = [0, 0], sizes = [1000, 1], strides = [1, 1]} : vector<1000x128xf32> to vector<1000x1xf32>
    %sqrt3A = math.sqrt %slice3A : vector<1000x1xf32>
    %get3A_2 = arith.constant 0 : index
    %get3A_3 = arith.constant 0 : index
    %get3A_4 = vector.load %arg1[%get3A_2, %get3A_3] : memref<1000x256xf32, #tpu.memory_space<vmem>>, vector<1000x256xf32>
    %mul3A = vector.broadcast %sqrt3A : vector<1000x1xf32> to vector<1000x256xf32>
    %mul3A_5 = arith.mulf %mul3A, %get3A_4 : vector<1000x256xf32>
    %swap3A = arith.constant 0 : index
    %swap3A_6 = arith.constant 0 : index
    %swap3A_7 = vector.load %arg6[%swap3A, %swap3A_6] : memref<1000x256xf32, #tpu.memory_space<vmem>>, vector<1000x256xf32>
    tpu.vector_store %arg6[%swap3A, %swap3A_6], %mul3A_5 {strides = array<i32>} : memref<1000x256xf32, #tpu.memory_space<vmem>>, vector<1000x256xf32>,
    %get3A_8 = arith.constant 0 : index
    %get3A_9 = arith.constant 0 : index
    %get3A_10 = vector.load %arg2[%get3A_8, %get3A_9] : memref<1000x256xf32, #tpu.memory_space<vmem>>, vector<1000x256xf32>
    %mul3A_11 = vector.broadcast %sqrt3A : vector<1000x1xf32> to vector<1000x256xf32>
    %mul3A_12 = arith.mulf %mul3A_11, %get3A_10 : vector<1000x256xf32>
    %swap3A_13 = arith.constant 0 : index
    %swap3A_14 = arith.constant 0 : index
    %swap3A_15 = vector.load %arg7[%swap3A_13, %swap3A_14] : memref<1000x256xf32, #tpu.memory_space<vmem>>, vector<1000x256xf32>
    tpu.vector_store %arg7[%swap3A_13, %swap3A_14], %mul3A_12 {strides = array<i32>} : memref<1000x256xf32, #tpu.memory_space<vmem>>, vector<1000x256xf32>,
    %get3A_16 = arith.constant 0 : index
    %get3A_17 = arith.constant 0 : index
    %get3A_18 = vector.load %arg3[%get3A_16, %get3A_17] : memref<1000x256xf32, #tpu.memory_space<vmem>>, vector<1000x256xf32>
    %mul3A_19 = vector.broadcast %sqrt3A : vector<1000x1xf32> to vector<1000x256xf32>
    %mul3A_20 = arith.mulf %mul3A_19, %get3A_18 : vector<1000x256xf32>
    %swap3A_21 = arith.constant 0 : index
    %swap3A_22 = arith.constant 0 : index
    %swap3A_23 = vector.load %arg8[%swap3A_21, %swap3A_22] : memref<1000x256xf32, #tpu.memory_space<vmem>>, vector<1000x256xf32>
    tpu.vector_store %arg8[%swap3A_21, %swap3A_22], %mul3A_20 {strides = array<i32>} : memref<1000x256xf32, #tpu.memory_space<vmem>>, vector<1000x256xf32>,
    %reduce_max3A = arith.constant dense<0xFF800000> : vector<1000xf32>
    %reduce_max3A_24 = vector.multi_reduction <maximumf>, %mul3A_20, %reduce_max3A [1] : vector<1000x256xf32> to vector<1000xf32>
    %broadcast_in_dim3A = vector.shape_cast %reduce_max3A_24 : vector<1000xf32> to vector<1000x1xf32>
    %sub3A = vector.broadcast %broadcast_in_dim3A : vector<1000x1xf32> to vector<1000x256xf32>
    %sub3A_25 = arith.subf %mul3A_20, %sub3A : vector<1000x256xf32>
    %exp3A = math.exp %sub3A_25 : vector<1000x256xf32>
    %reduce_sum3A = arith.constant dense<0.000000e+00> : vector<1000xf32>
    %reduce_sum3A_26 = vector.multi_reduction <add>, %exp3A, %reduce_sum3A [1] : vector<1000x256xf32> to vector<1000xf32>
    %broadcast_in_dim3A_27 = vector.shape_cast %reduce_sum3A_26 : vector<1000xf32> to vector<1000x1xf32>
    %log3A = math.log %broadcast_in_dim3A_27 : vector<1000x1xf32>
    %add3A = arith.addf %broadcast_in_dim3A, %log3A : vector<1000x1xf32>
    %sub3A_28 = vector.broadcast %add3A : vector<1000x1xf32> to vector<1000x256xf32>
    %sub3A_29 = arith.subf %mul3A_20, %sub3A_28 : vector<1000x256xf32>
    %swap3A_30 = arith.constant 0 : index
    %swap3A_31 = arith.constant 0 : index
    %swap3A_32 = vector.load %arg5[%swap3A_30, %swap3A_31] : memref<1000x256xf32, #tpu.memory_space<vmem>>, vector<1000x256xf32>
    tpu.vector_store %arg5[%swap3A_30, %swap3A_31], %sub3A_29 {strides = array<i32>} : memref<1000x256xf32, #tpu.memory_space<vmem>>, vector<1000x256xf32>,
    return
  }
  func.func @transform_0(%arg0: i32) -> (i32, i32) {
    %c0_i32 = arith.constant 0 : i32
    %c0_i32_0 = arith.constant 0 : i32
    return %arg0, %c0_i32 : i32, i32
  }
  func.func @transform_1(%arg0: i32) -> (i32, i32) {
    %c0_i32 = arith.constant 0 : i32
    %c0_i32_0 = arith.constant 0 : i32
    return %arg0, %c0_i32 : i32, i32
  }
  func.func @transform_2(%arg0: i32) -> (i32, i32) {
    %c0_i32 = arith.constant 0 : i32
    %c0_i32_0 = arith.constant 0 : i32
    return %arg0, %c0_i32 : i32, i32
  }
  func.func @transform_3(%arg0: i32) -> (i32, i32) {
    %c0_i32 = arith.constant 0 : i32
    %c0_i32_0 = arith.constant 0 : i32
    return %arg0, %c0_i32 : i32, i32
  }
  func.func @transform_4(%arg0: i32) -> (i32, i32) {
    %c0_i32 = arith.constant 0 : i32
    %c0_i32_0 = arith.constant 0 : i32
    return %arg0, %c0_i32 : i32, i32
  }
  func.func @transform_5(%arg0: i32) -> (i32, i32) {
    %c0_i32 = arith.constant 0 : i32
    %c0_i32_0 = arith.constant 0 : i32
    return %arg0, %c0_i32 : i32, i32
  }
  func.func @transform_6(%arg0: i32) -> (i32, i32) {
    %c0_i32 = arith.constant 0 : i32
    %c0_i32_0 = arith.constant 0 : i32
    return %arg0, %c0_i32 : i32, i32
  }
  func.func @transform_7(%arg0: i32) -> (i32, i32) {
    %c0_i32 = arith.constant 0 : i32
    %c0_i32_0 = arith.constant 0 : i32
    return %arg0, %c0_i32 : i32, i32
  }
}

</mosaic_0001>

<sc_bundles>
// kernel: kernel.10.cloned.1.call-start
scs
__scs_entry_jumppad:
0x0: {  	(pc) =	sbr.rel $0x88, $3  }
0x1: {  	(tag) =	ssettag $0x0;
	lr =	simm.s32 $0x1  }
0x2: {  	[smem:$0x3F9E] =	sst lr;
	_ =	strace $0xD0000000  }
0x3: {  	_ = 	snop  }
0x4: {  	_ = 	snop  }
0x5: {  	_ = 	snop  }
0x6: {  	_ = 	snop  }
0x7: {  	_ = 	snop  }
__scs_overlays_trampoline_lowered:
0x8: {  	[smem:$0x3FAD] =	sst s0  }
0x9: {  	[smem:$0x3FAE] =	sst s1  }
0xa: {  	[smem:$0x3FAF] =	sst s2  }
0xb: {  	[smem:$0x3FB0] =	sst s3  }
0xc: {  	[smem:$0x3FB1] =	sst s4  }
0xd: {  	[smem:$0x3FB2] =	sst s5  }
0xe: {  	[smem:$0x3FB3] =	sst s6  }
0xf: {  	[smem:$0x3FB4] =	sst s7  }
0x10: {  	[smem:$0x3FB5] =	sst s8  }
0x11: {  	[smem:$0x3FB6] =	sst s9;
	s0 =	simm.s32 @!p0 $0x0  }
0x12: {  	s1 =	sld [smem:$0x3F9C];
	s0 =	simm.s32 @p0 $0x1  }
0x13: {  	[smem:$0x3FB7] =	sst s0;
	s0 =	simm.s32 @!p1 $0x0  }
0x14: {  	s2 =	sld [smem:$0x3F9B];
	s0 =	simm.s32 @p1 $0x1  }
0x15: {  	[smem:$0x3FB8] =	sst s0;
	s0 =	simm.s32 @!p2 $0x0  }
0x16: {  	s3 =	sld [smem:$0x3FDB];
	s0 =	simm.s32 @p2 $0x1  }
0x17: {  	s4 =	simm.s32 $0x1BF5;
	[smem:$0x3FBA] =	sst s0  }
0x18: {  	s0 =	sld [smem:$0x3F9D];
	_ =	swait.ge [sflag:s4], $0x0  }
0x19: {  	s7 =	sld [smem:$0x3F9E]  }
0x1a: {  	s8 =	sadd.s32 $0xFFFFE003, lr  }
0x1b: {  	s9 =	sadd.s32 $0xFFFFFEF7, lr;
	s5 =	simm.s32 $0xFFFFFFFF;
	p2 =	slt.u32 s8, $0xFFFFF086  }
0x1c: {  	p1 =	slt.u32 s9, $0xF7A;
	s5 =	simm.s32 @!p2 $0x0  }
0x1d: {  	s5 =	simm.s32 @p1 $0x1;
	p0 =	seq.s32 s7, s2  }
0x1e: {  	s7 =	smul.u32 @!p0 $0xF7A, s2;
	p2 =	seq.s32 @!p0 s5, $0x0  }
0x1f: {  	s9 =	smul.u32 $0xF7A, s1;
	s8 =	simm.s32 @!p0 $0x1BF5;
	p2 =	por !p2, p0  }
0x20: {  	[sflag:s8] =	ssyncset.s32 @!p0 $0xFFFFF086;
	s6 =	sadd.s32 @!p0 s3, s7;
	s7 =	simm.s32 @!p0 $0x108  }
0x21: {  	s3 =	sadd.s32 s3, s9;
	s6 =	sadd.s32 @!p0 $0x88, s6;
	s7 =	simm.s32 @p2 $0x1082  }
0x22: {  	[simem:s7], [sflag:s8] =	dma.local @!p0 [hbm:s6], $0xF7A  }
0x23: {  	s9 =	sor.u32 $0xD0000000, s2;
	s6 =	simm.s32 $0x108;
	_ =	swait.ge @!p0 [sflag:s8], $0x0  }
0x24: {  	s3 =	sadd.s32 $0x88, s3;
	s6 =	simm.s32 @!p1 $0x1082;
	[sflag:s4] =	ssyncset.s32 $0xFFFFF086  }
0x25: {  	[simem:s6], [sflag:s4] =	dma.local [hbm:s3], $0xF7A  }
0x26: {  	[smem:$0x3F9E] =	sst s1;
	(tag) =	ssettag s2;
	_ =	strace s9  }
0x27: {  	s1 =	sld [smem:$0x3FAE]  }
0x28: {  	s2 =	sld [smem:$0x3FAF]  }
0x29: {  	s4 =	sld [smem:$0x3FB1]  }
0x2a: {  	p0 =	seq.s32 s5, $0x0;
	s5 =	sld [smem:$0x3FB2]  }
0x2b: {  	s6 =	sld [smem:$0x3FB3]  }
0x2c: {  	s7 =	sld [smem:$0x3FB4]  }
0x2d: {  	s3 =	simm.s32 $0x108;
	s8 =	sld [smem:$0x3FB5]  }
0x2e: {  	s3 =	simm.s32 @!p0 $0x1082;
	s9 =	sld [smem:$0x3FB6]  }
0x2f: {  	lr =	sadd.s32 s0, s3;
	s0 =	sld [smem:$0x3FAD]  }
0x30: {  	s3 =	sld [smem:$0x3FB0]  }
0x31: {  	[smem:$0x3FB9] =	sst s10  }
0x32: {  	s10 =	sld [smem:$0x3FB7];
	_ =	sdelay $0x3  }
0x33: {  	p0 =	seq.s32 s10, $0x1;
	s10 =	sld [smem:$0x3FB9];
	_ =	sdelay $0x3  }
0x34: {  	[smem:$0x3FB9] =	sst s10  }
0x35: {  	s10 =	sld [smem:$0x3FB8];
	_ =	sdelay $0x3  }
0x36: {  	p1 =	seq.s32 s10, $0x1;
	s10 =	sld [smem:$0x3FB9];
	_ =	sdelay $0x3  }
0x37: {  	[smem:$0x3FB9] =	sst s10  }
0x38: {  	s10 =	sld [smem:$0x3FBA]  }
0x39: {  	_ = 	snop;
	(pc) =	sbr.ind lr, $3  }
0x3a: {  	_ = 	snop  }
0x3b: {  	_ = 	snop  }
0x3c: {  	p2 =	seq.s32 s10, $0x1;
	s10 =	sld [smem:$0x3FB9]  }
0x3d: {  	_ =	shalt  }
0x3e: {  	_ =	shalt  }
0x3f: {  	_ =	shalt  }
0x40: {  	_ =	shalt  }
0x41: {  	_ =	shalt  }
0x42: {  	_ =	shalt  }
0x43: {  	_ =	shalt  }
0x44: {  	_ =	shalt  }
0x45: {  	_ =	shalt  }
0x46: {  	_ =	shalt  }
0x47: {  	_ =	shalt  }
0x48: {  	_ =	shalt  }
0x49: {  	_ =	shalt  }
0x4a: {  	_ =	shalt  }
0x4b: {  	_ =	shalt  }
0x4c: {  	_ =	shalt  }
0x4d: {  	_ =	shalt  }
0x4e: {  	_ =	shalt  }
0x4f: {  	_ =	shalt  }
0x50: {  	_ =	shalt  }
0x51: {  	_ =	shalt  }
0x52: {  	_ =	shalt  }
0x53: {  	_ =	shalt  }
0x54: {  	_ =	shalt  }
0x55: {  	_ =	shalt  }
0x56: {  	_ =	shalt  }
0x57: {  	_ =	shalt  }
0x58: {  	_ =	shalt  }
0x59: {  	_ =	shalt  }
0x5a: {  	_ =	shalt  }
0x5b: {  	_ =	shalt  }
0x5c: {  	_ =	shalt  }
0x5d: {  	_ =	shalt  }
0x5e: {  	_ =	shalt  }
0x5f: {  	_ =	shalt  }
0x60: {  	_ =	shalt  }
0x61: {  	_ =	shalt  }
0x62: {  	_ =	shalt  }
0x63: {  	_ =	shalt  }
0x64: {  	_ =	shalt  }
0x65: {  	_ =	shalt  }
0x66: {  	_ =	shalt  }
0x67: {  	_ =	shalt  }
0x68: {  	_ =	shalt  }
0x69: {  	_ =	shalt  }
0x6a: {  	_ =	shalt  }
0x6b: {  	_ =	shalt  }
0x6c: {  	_ =	shalt  }
0x6d: {  	_ =	shalt  }
0x6e: {  	_ =	shalt  }
0x6f: {  	_ =	shalt  }
0x70: {  	_ =	shalt  }
0x71: {  	_ =	shalt  }
0x72: {  	_ =	shalt  }
0x73: {  	_ =	shalt  }
0x74: {  	_ =	shalt  }
0x75: {  	_ =	shalt  }
0x76: {  	_ =	shalt  }
0x77: {  	_ =	shalt  }
0x78: {  	_ =	shalt  }
0x79: {  	_ =	shalt  }
0x7a: {  	_ =	shalt  }
0x7b: {  	_ =	shalt  }
0x7c: {  	_ =	shalt  }
0x7d: {  	_ =	shalt  }
0x7e: {  	_ =	shalt  }
0x7f: {  	_ =	shalt  }
0x80: {  	_ =	shalt  }
0x81: {  	_ =	shalt  }
0x82: {  	_ =	shalt  }
0x83: {  	_ =	shalt  }
0x84: {  	_ =	shalt  }
0x85: {  	_ =	shalt  }
0x86: {  	_ =	shalt  }
0x87: {  	_ =	shalt  }
.Lfunc_end0:
.L_simem_size_0:
called_computation.1_lowered:
.L_overlay_start_0:
0x88: {  	s2 =	sld [smem:$0x3FD9]  }
0x89: {  	s3 =	sld [smem:$0x3FFE];
	_ =	sdelay $0x1  }
0x8a: {  	s1 =	srdreg.scid  }
0x8b: {  	s0 =	sand.u32 $0x1, s1  }
0x8c: {  	s14 =	sshll.u32 s0, $0xA;
	s2 =	sadd.s32 s3, s2  }
0x8d: {  	s2 =	sadd.s32 s2, s14  }
0x8e: {  	[smem:$0x3FC5] =	sst s2  }
0x8f: {  	_ = 	snop  }
0x90: {  	s2 =	sld [smem:$0x3FD0];
	_ =	sdelay $0x2  }
0x91: {  	s15 =	simm.s32 $0xA;
	s4 =	simm.s32 $0x10  }
0x92: {  	[smem:s4], [sflag:s15] =	dma.local [hbm:s2], $0x1  }
0x93: {  	_ =	swait.eq [sflag:s15], $0x1  }
0x94: {  	s16 =	sld [smem:$0x11]  }
0x95: {  	s17 =	sld [smem:$0x12];
	[sflag:s15] =	ssyncset.done $0x0  }
0x96: {  	s5 =	sld [smem:$0x13];
	[sflag:s15] =	ssyncadd.s32 $0xFFFFFFFF  }
0x97: {  	s18 =	sld [smem:$0x14];
	(tm) =	ssettm $0x1  }
0x98: {  	s6 =	sld [smem:$0x3FFB];
	_ =	sdelay $0x3  }
0x99: {  	_ =	strace s6  }
0x9a: {  	s6 =	sld [smem:$0x3FFC];
	_ =	sdelay $0x3  }
0x9b: {  	_ =	strace s6  }
0x9c: {  	s6 =	sld [smem:$0x3FFD];
	_ =	sdelay $0x3  }
0x9d: {  	_ =	strace s6  }
0x9e: {  	_ =	strace $0x8FFFFFFF  }
0x9f: {  	s19 =	sld [smem:$0x3FDB];
	_ =	sdelay $0x1  }
0xa0: {  	s7 =	simm.s32 $_scs_section_size  }
0xa1: {  	s8 =	simm.s32 $_size__tile_overlayer_lowered;
	s9 =	simm.s32 $_tile_overlayer_lowered  }
0xa2: {  	s22 =	simm.s32 $0x1BFF;
	s21 =	sshll.u32 s9, $0x1;
	s6 =	sadd.s32 s7, s19  }
0xa3: {  	s10 =	simm.s32 $0x0;
	s20 =	sshll.u32 s8, $0x1;
	s8 =	sadd.s32 s21, s6  }
0xa4: {  	[timem:s10], [sflag:s22] =	dma.local [hbm:s8], s20  }
0xa5: {  	_ =	swait.ge [sflag:s22], s20  }
0xa6: {  	s7 =	ssub.s32 $0x0, s20;
	[sflag:s22] =	ssyncset.done $0x0  }
0xa7: {  	[sflag:s22] =	ssyncadd.s32 s7;
	_ =	sdelay $0x1  }
0xa8: {  	s23 =	simm.s32 $0x1B8B  }
0xa9: {  	_ =	swait.ge [sflag:s23], $0x1  }
0xaa: {  	[sflag:s23] =	ssyncset.done $0x0  }
0xab: {  	s25 =	simm.s32 $0x1B8E;
	s24 =	sld [smem:$0x3FFE];
	[sflag:s23] =	ssyncadd.s32 $0xFFFFFFFF  }
0xac: {  	s26 =	simm.s32 $execute0_lowered;
	[smem:$0x3FD2] =	sst s25  }
0xad: {  	s8 =	sshll.u32 s26, $0x1;
	_ =	strace $0x80000049;
	[dreg:$0x1] =	wrdreg $0xFFFFFFFF  }
0xae: {  	s28 =	simm.s32 $_size_execute0_lowered;
	s6 =	sadd.s32 s6, s8;
	[dreg:$0x0] =	wrdreg $0x0  }
0xaf: {  	s8 =	sshll.u32 s28, $0x1;
	[dreg:$0x2] =	wrdreg s6  }
0xb0: {  	[dreg:$0x3] =	wrdreg s8  }
0xb1: {  	[dreg:$0x4] =	wrdreg $0xC0  }
0xb2: {  	_ =	task [dreg:s10], $0x5FFFF  }
0xb3: {  	[dreg:$0x1] =	wrdreg $0xFFFFFFFF  }
0xb4: {  	[dreg:$0x0] =	wrdreg $0x60  }
0xb5: {  	[dreg:$0x2] =	wrdreg s16  }
0xb6: {  	[dreg:$0x3] =	wrdreg s5  }
0xb7: {  	[dreg:$0x4] =	wrdreg s24  }
0xb8: {  	[dreg:$0x5] =	wrdreg s18  }
0xb9: {  	[dreg:$0x6] =	wrdreg s17  }
0xba: {  	[dreg:$0x7] =	wrdreg $0x0  }
0xbb: {  	[dreg:$0x8] =	wrdreg $0x9  }
0xbc: {  	_ =	task.clear_ibuf [dreg:s10], $0x9FFFF;
	_ =	strace $0x90000049  }
0xbd: {  	s29 =	simm.s32 $0x9;
	_ =	strace $0x8000004B  }
0xbe: {  	_ =	swait.ge [sflag:s29], $0x1  }
0xbf: {  	[sflag:s29] =	ssyncadd.s32 $0xFFFFFFFF  }
0xc0: {  	_ =	strace $0x9000004B  }
0xc1: {  	_ =	sfence  }
0xc2: {  	s30 =	sld [smem:$0x0];
	_ =	sdelay $0x2  }
0xc3: {  	s31 =	sshll.u32 s1, $0xD;
	s1 =	sshrl.u32 s1, $0x2  }
0xc4: {  	s3 =	sand.u32 $0x4000, s31;
	s1 =	sadd.s32 s1, s30  }
0xc5: {  	s0 =	sor.u32 s3, s0;
	s1 =	sshll.u32 s1, $0x11  }
0xc6: {  	s0 =	sor.u32 s1, s0  }
0xc7: {  	s0 =	sadd.s32 $0x8F2B, s0  }
0xc8: {  	[sflag:s0] =	ssyncadd.remote.s32 $0x1  }
0xc9: {  	_ =	sfence.sel $0xFFFF  }
0xca: {  	[dreg:$0x0] =	wrdreg $0xFFFFFFFF;
	(pc) =	sbr.abs _section_cstart, $3  }
0xcb: {  	[dreg:$0x1] =	wrdreg $0xFFFFFFFF  }
0xcc: {  	_ =	task.clear_ibuf [dreg:s10], $0x2FFFF;
	_ =	strace $0x9FFFFFFF  }
0xcd: {  	(tm) =	ssettm $0x7FFFFFFF  }
tec
execute0_lowered:
.L_overlay_start_1:
0x0: {  	(tag) =	ssettag $0x1  }
0x1: {  	s0 =	rddreg [dreg:$0x0]  }
0x2: {  	s1 =	rddreg [dreg:$0x1]  }
0x3: {  	s2 =	rddreg [dreg:$0x2]  }
0x4: {  	s3 =	rddreg [dreg:$0x5]  }
0x5: {  	s4 =	simm.s32 $0x0;
	s5 =	srdreg.scid;
	s13 =	stileid.u32  }
0x6: {  	s17 =	simm.s32 $0x5;
	s18 =	simm.s32 $0x14000;
	s19 =	simm.s32 $0x14400  }
0x7: {  	s29 =	simm.s32 $0x14080;
	s28 =	simm.s32 $0x2;
	s30 =	simm.s32 $0x4  }
0x8: {  	s16 =	simm.s32 $0x14200;
	s31 =	simm.s32 $0x14680;
	[smem:$0x7FF] =	sst s4  }
0x9: {  	s6 =	sadd.s32 $0x1000, s2;
	s7 =	sadd.s32 $0x51000, s2;
	s10 =	smul.u32 $0x50000, s13  }
0xa: {  	s5 =	sand.u32 $0x1, s5;
	s8 =	sadd.s32 $0xA1000, s2;
	s22 =	smul.u32 $0x2C00, s13  }
0xb: {  	s2 =	sadd.s32 $0xF1000, s2;
	s12 =	smul.u32 $0x280, s13;
	s23 =	sshll.u32 s13, $0x6  }
0xc: {  	s24 =	smul.u32 $0x580, s13;
	s13 =	simm.s32 $0x14480;
	_ =	strace $0x8000004A  }
0xd: {  	s9 =	ssub.s32 $0x2, s5;
	[dreg:$0x7] =	wrdreg s2;
	s11 =	smul.u32 $0x2C000, s5  }
0xe: {  	s5 =	smul.u32 $0x2800, s5;
	s20 =	sshrl.u32 s9, $0x1;
	s21 =	sshrl.u32 s10, $0x2  }
0xf: {  	[dreg:$0x8] =	wrdreg s12;
	s12 =	sor.u32 $0x1C05, s23;
	s15 =	sadd.s32 s24, s1  }
0x10: {  	s23 =	simm.s32 $0x18800;
	s24 =	simm.s32 $0x1;
	s1 =	simm.s32 $0x14280  }
0x11: {  	s2 =	ssub.s32 s9, s20;
	s9 =	sadd.s32 s21, s3;
	[dreg:$0x9] =	wrdreg s12  }
0x12: {  	s10 =	sadd.s32 s11, s22;
	[dreg:$0xa] =	wrdreg s5;
	s20 =	simm.s32 $0x80  }
0x13: {  	s21 =	simm.s32 $0x14800;
	s5 =	simm.s32 $0x14100;
	s11 =	simm.s32 $0x14500  }
0x14: {  	s12 =	simm.s32 $0x14300;
	s22 =	simm.s32 $0x0;
	s2 =	smax.u32 s2, $0x1  }
0x15: {  	s25 =	sshrl.u32 s10, $0x3;
	s26 =	sshrl.u32 s9, $0x3;
	s9 =	simm.s32 $0x14580  }
0x16: {  	s10 =	simm.s32 $0x14600;
	[dreg:$0xb] =	wrdreg s2;
	s14 =	sadd.s32 s25, s0  }
0x17: {  	[dreg:$0xc] =	wrdreg s26;
	s25 =	simm.s32 $0x3;
	s2 =	simm.s32 $0x14180  }
.LBB2_1:
0x18: {  	[dreg:$0xd] =	wrdreg s22  }
0x19: {  	s0 =	rddreg [dreg:$0x4]  }
0x1a: {  	s22 =	rddreg [dreg:$0x9]  }
0x1b: {  	s26 =	rddreg [dreg:$0xc]  }
0x1c: {  	[spmem:s26], [sflag:s22] =	dma.local [hbm:s0], $0x2800  }
0x1d: {  	_ =	swait.ge [sflag:s17], $0x2800  }
0x1e: {  	[sflag:s17] =	ssyncset.done $0x0  }
0x1f: {  	[sflag:s17] =	ssyncadd.s32 $0xFFFFD800  }
0x20: {  	s26 =	sadd.s32 $0x0, s14;
	[bflag:$0x0] =	sbarrier.arrive $0xFFFF  }
0x21: {  	[tilespmem:s18], [sflag:$0x5] =	stream.linear.gather [hbm4b:s26+s4], $0x400, $0x38;
	[tilespmem:$0x1E800] =	vst v63  }
0x22: {  	_ =	swait.ge [sflag:s17], $0x400  }
0x23: {  	[sflag:s17] =	ssyncset.done $0x0  }
0x24: {  	s0 =	sadd.s32 $0x0, s15;
	[sflag:s17] =	ssyncadd.s32 $0xFFFFFC00  }
0x25: {  	[tilespmem:s19], [sflag:$0x5] =	stream.linear.gather [hbm4b:s0+s4], $0x400, $0x38;
	[tilespmem:$0x1E800] =	vst v63  }
0x26: {  	_ =	swait.ge [sflag:s17], $0x400  }
0x27: {  	[sflag:s17] =	ssyncset.done $0x0  }
0x28: {  	[sflag:s17] =	ssyncadd.s32 $0xFFFFFC00  }
0x29: {  	[tilespmem:s21], [sflag:$0x1] =	stream.indirect.gather [hbm4b:s6+s20], $0x80, s18, s20, $0xb8;
	[tilespmem:$0x1E800] =	vst v63  }
0x2a: {  	_ = 	snop  }
0x2b: {  	[tilespmem:s23], [sflag:$0x2] =	stream.indirect.gather [hbm4b:s6+s20], $0x80, s29, s20, $0xb8;
	[tilespmem:$0x1E800] =	vst v63  }
0x2c: {  	_ =	swait.ge [sflag:s24], $0x4000  }
0x2d: {  	[sflag:s24] =	ssyncset.done $0x0  }
0x2e: {  	[sflag:s24] =	ssyncadd.s32 $0xFFFFC000  }
0x2f: {  	[spmem:s3] =	stream.indirect.scatter.add.f32 [tilespmem:s21], [sflag:$0x3], $0x80, s19, s20, $0xb8;
	[tilespmem:$0x1E800] =	vst v63  }
0x30: {  	_ =	swait.ge [sflag:s25], $0x4000  }
0x31: {  	[sflag:s25] =	ssyncset.done $0x0  }
0x32: {  	[sflag:s25] =	ssyncadd.s32 $0xFFFFC000  }
0x33: {  	[tilespmem:s21], [sflag:$0x1] =	stream.indirect.gather [hbm4b:s6+s20], $0x80, s5, s20, $0xb8;
	[tilespmem:$0x1E800] =	vst v63  }
0x34: {  	_ =	swait.ge [sflag:s28], $0x4000  }
0x35: {  	[sflag:s28] =	ssyncset.done $0x0  }
0x36: {  	[sflag:s28] =	ssyncadd.s32 $0xFFFFC000  }
0x37: {  	[spmem:s3] =	stream.indirect.scatter.add.f32 [tilespmem:s23], [sflag:$0x4], $0x80, s13, s20, $0xb8;
	[tilespmem:$0x1E800] =	vst v63  }
0x38: {  	_ =	swait.ge [sflag:s30], $0x4000  }
0x39: {  	[sflag:s30] =	ssyncset.done $0x0  }
0x3a: {  	[sflag:s30] =	ssyncadd.s32 $0xFFFFC000  }
0x3b: {  	[tilespmem:s23], [sflag:$0x2] =	stream.indirect.gather [hbm4b:s6+s20], $0x80, s2, s20, $0xb8;
	[tilespmem:$0x1E800] =	vst v63  }
0x3c: {  	_ =	swait.ge [sflag:s24], $0x4000  }
0x3d: {  	[sflag:s24] =	ssyncset.done $0x0  }
0x3e: {  	[sflag:s24] =	ssyncadd.s32 $0xFFFFC000  }
0x3f: {  	[spmem:s3] =	stream.indirect.scatter.add.f32 [tilespmem:s21], [sflag:$0x3], $0x80, s11, s20, $0xb8;
	[tilespmem:$0x1E800] =	vst v63  }
0x40: {  	_ =	swait.ge [sflag:s25], $0x4000  }
0x41: {  	[sflag:s25] =	ssyncset.done $0x0  }
0x42: {  	[sflag:s25] =	ssyncadd.s32 $0xFFFFC000  }
0x43: {  	[tilespmem:s21], [sflag:$0x1] =	stream.indirect.gather [hbm4b:s6+s20], $0x80, s16, s20, $0xb8;
	[tilespmem:$0x1E800] =	vst v63  }
0x44: {  	_ =	swait.ge [sflag:s28], $0x4000  }
0x45: {  	[sflag:s28] =	ssyncset.done $0x0  }
0x46: {  	[sflag:s28] =	ssyncadd.s32 $0xFFFFC000  }
0x47: {  	[spmem:s3] =	stream.indirect.scatter.add.f32 [tilespmem:s23], [sflag:$0x4], $0x80, s9, s20, $0xb8;
	[tilespmem:$0x1E800] =	vst v63  }
0x48: {  	_ =	swait.ge [sflag:s30], $0x4000  }
0x49: {  	[sflag:s30] =	ssyncset.done $0x0  }
0x4a: {  	[sflag:s30] =	ssyncadd.s32 $0xFFFFC000  }
0x4b: {  	[tilespmem:s23], [sflag:$0x2] =	stream.indirect.gather [hbm4b:s6+s20], $0x80, s1, s20, $0xb8;
	[tilespmem:$0x1E800] =	vst v63  }
0x4c: {  	_ =	swait.ge [sflag:s24], $0x4000  }
0x4d: {  	[sflag:s24] =	ssyncset.done $0x0  }
0x4e: {  	[sflag:s24] =	ssyncadd.s32 $0xFFFFC000  }
0x4f: {  	[spmem:s3] =	stream.indirect.scatter.add.f32 [tilespmem:s21], [sflag:$0x3], $0x80, s10, s20, $0xb8;
	[tilespmem:$0x1E800] =	vst v63  }
0x50: {  	_ =	swait.ge [sflag:s25], $0x4000  }
0x51: {  	[sflag:s25] =	ssyncset.done $0x0  }
0x52: {  	[sflag:s25] =	ssyncadd.s32 $0xFFFFC000  }
0x53: {  	[tilespmem:s21], [sflag:$0x1] =	stream.indirect.gather [hbm4b:s6+s20], $0x80, s12, s20, $0xb8;
	[tilespmem:$0x1E800] =	vst v63  }
0x54: {  	_ =	swait.ge [sflag:s28], $0x4000  }
0x55: {  	[sflag:s28] =	ssyncset.done $0x0  }
0x56: {  	[sflag:s28] =	ssyncadd.s32 $0xFFFFC000  }
0x57: {  	[spmem:s3] =	stream.indirect.scatter.add.f32 [tilespmem:s23], [sflag:$0x4], $0x80, s31, s20, $0xb8;
	[tilespmem:$0x1E800] =	vst v63  }
0x58: {  	_ =	swait.ge [sflag:s30], $0x4000  }
0x59: {  	[sflag:s30] =	ssyncset.done $0x0  }
0x5a: {  	s22 =	simm.s32 $0x14380;
	[sflag:s30] =	ssyncadd.s32 $0xFFFFC000  }
0x5b: {  	[tilespmem:s23], [sflag:$0x2] =	stream.indirect.gather [hbm4b:s6+s20], $0x80, s22, s20, $0xb8;
	[tilespmem:$0x1E800] =	vst v63  }
0x5c: {  	_ =	swait.ge [sflag:s24], $0x4000  }
0x5d: {  	[sflag:s24] =	ssyncset.done $0x0  }
0x5e: {  	s26 =	simm.s32 $0x14700;
	[sflag:s24] =	ssyncadd.s32 $0xFFFFC000  }
0x5f: {  	[spmem:s3] =	stream.indirect.scatter.add.f32 [tilespmem:s21], [sflag:$0x3], $0x80, s26, s20, $0xb8;
	[tilespmem:$0x1E800] =	vst v63  }
0x60: {  	_ =	swait.ge [sflag:s28], $0x4000  }
0x61: {  	[sflag:s28] =	ssyncset.done $0x0  }
0x62: {  	s29 =	simm.s32 $0x100;
	s31 =	simm.s32 $0x14780;
	[sflag:s28] =	ssyncadd.s32 $0xFFFFC000  }
0x63: {  	[spmem:s3] =	stream.indirect.scatter.add.f32 [tilespmem:s23], [sflag:$0x4], $0x80, s31, s20, $0xb8;
	[tilespmem:$0x1E800] =	vst v63  }
0x64: {  	s5 =	simm.s32 $0x14100;
	s13 =	simm.s32 $0x14480;
	_ =	swait.ge [sflag:s25], $0x4000  }
0x65: {  	s2 =	simm.s32 $0x14180;
	s11 =	simm.s32 $0x14500;
	[sflag:s25] =	ssyncset.done $0x0  }
0x66: {  	s16 =	simm.s32 $0x14200;
	s9 =	simm.s32 $0x14580;
	[sflag:s25] =	ssyncadd.s32 $0xFFFFC000  }
0x67: {  	s1 =	simm.s32 $0x14280;
	s10 =	simm.s32 $0x14600;
	_ =	swait.ge [sflag:s30], $0x4000  }
0x68: {  	s12 =	simm.s32 $0x14300;
	s22 =	simm.s32 $0x80;
	[sflag:s30] =	ssyncset.done $0x0  }
.LBB2_2:
0x69: {  	s31 =	sadd.s32 s22, s14  }
0x6a: {  	[sflag:s30] =	ssyncadd.s32 $0xFFFFC000;
	s0 =	smov.u32 s29;
	s26 =	sadd.s32 $0x80, s29  }
0x6b: {  	[tilespmem:s18], [sflag:$0x5] =	stream.linear.gather [hbm4b:s31+s4], $0x400, $0x38;
	[tilespmem:$0x1E800] =	vst v63  }
0x6c: {  	s31 =	simm.s32 $0x14080  }
0x6d: {  	p0 =	sne.s32 s29, $0x500;
	_ =	swait.ge [sflag:s17], $0x400  }
0x6e: {  	[sflag:s17] =	ssyncset.done $0x0  }
0x6f: {  	s29 =	sadd.s32 s22, s15;
	s22 =	smov.u32 s0;
	[sflag:s17] =	ssyncadd.s32 $0xFFFFFC00  }
0x70: {  	[tilespmem:s19], [sflag:$0x5] =	stream.linear.gather [hbm4b:s29+s4], $0x400, $0x38;
	[tilespmem:$0x1E800] =	vst v63  }
0x71: {  	_ =	swait.ge [sflag:s17], $0x400  }
0x72: {  	[sflag:s17] =	ssyncset.done $0x0  }
0x73: {  	[sflag:s17] =	ssyncadd.s32 $0xFFFFFC00  }
0x74: {  	[tilespmem:s21], [sflag:$0x1] =	stream.indirect.gather [hbm4b:s6+s20], $0x80, s18, s20, $0xb8;
	[tilespmem:$0x1E800] =	vst v63  }
0x75: {  	_ = 	snop  }
0x76: {  	[tilespmem:s23], [sflag:$0x2] =	stream.indirect.gather [hbm4b:s6+s20], $0x80, s31, s20, $0xb8;
	[tilespmem:$0x1E800] =	vst v63  }
0x77: {  	_ =	swait.ge [sflag:s24], $0x4000  }
0x78: {  	[sflag:s24] =	ssyncset.done $0x0  }
0x79: {  	[sflag:s24] =	ssyncadd.s32 $0xFFFFC000  }
0x7a: {  	[spmem:s3] =	stream.indirect.scatter.add.f32 [tilespmem:s21], [sflag:$0x3], $0x80, s19, s20, $0xb8;
	[tilespmem:$0x1E800] =	vst v63  }
0x7b: {  	_ =	swait.ge [sflag:s25], $0x4000  }
0x7c: {  	[sflag:s25] =	ssyncset.done $0x0  }
0x7d: {  	[sflag:s25] =	ssyncadd.s32 $0xFFFFC000  }
0x7e: {  	[tilespmem:s21], [sflag:$0x1] =	stream.indirect.gather [hbm4b:s6+s20], $0x80, s5, s20, $0xb8;
	[tilespmem:$0x1E800] =	vst v63  }
0x7f: {  	_ =	swait.ge [sflag:s28], $0x4000  }
0x80: {  	[sflag:s28] =	ssyncset.done $0x0  }
0x81: {  	[sflag:s28] =	ssyncadd.s32 $0xFFFFC000  }
0x82: {  	[spmem:s3] =	stream.indirect.scatter.add.f32 [tilespmem:s23], [sflag:$0x4], $0x80, s13, s20, $0xb8;
	[tilespmem:$0x1E800] =	vst v63  }
0x83: {  	_ =	swait.ge [sflag:s30], $0x4000  }
0x84: {  	[sflag:s30] =	ssyncset.done $0x0  }
0x85: {  	[sflag:s30] =	ssyncadd.s32 $0xFFFFC000  }
0x86: {  	[tilespmem:s23], [sflag:$0x2] =	stream.indirect.gather [hbm4b:s6+s20], $0x80, s2, s20, $0xb8;
	[tilespmem:$0x1E800] =	vst v63  }
0x87: {  	_ =	swait.ge [sflag:s24], $0x4000  }
0x88: {  	[sflag:s24] =	ssyncset.done $0x0  }
0x89: {  	[sflag:s24] =	ssyncadd.s32 $0xFFFFC000  }
0x8a: {  	[spmem:s3] =	stream.indirect.scatter.add.f32 [tilespmem:s21], [sflag:$0x3], $0x80, s11, s20, $0xb8;
	[tilespmem:$0x1E800] =	vst v63  }
0x8b: {  	_ =	swait.ge [sflag:s25], $0x4000  }
0x8c: {  	[sflag:s25] =	ssyncset.done $0x0  }
0x8d: {  	[sflag:s25] =	ssyncadd.s32 $0xFFFFC000  }
0x8e: {  	[tilespmem:s21], [sflag:$0x1] =	stream.indirect.gather [hbm4b:s6+s20], $0x80, s16, s20, $0xb8;
	[tilespmem:$0x1E800] =	vst v63  }
0x8f: {  	_ =	swait.ge [sflag:s28], $0x4000  }
0x90: {  	[sflag:s28] =	ssyncset.done $0x0  }
0x91: {  	[sflag:s28] =	ssyncadd.s32 $0xFFFFC000  }
0x92: {  	[spmem:s3] =	stream.indirect.scatter.add.f32 [tilespmem:s23], [sflag:$0x4], $0x80, s9, s20, $0xb8;
	[tilespmem:$0x1E800] =	vst v63  }
0x93: {  	_ =	swait.ge [sflag:s30], $0x4000  }
0x94: {  	[sflag:s30] =	ssyncset.done $0x0  }
0x95: {  	[sflag:s30] =	ssyncadd.s32 $0xFFFFC000  }
0x96: {  	[tilespmem:s23], [sflag:$0x2] =	stream.indirect.gather [hbm4b:s6+s20], $0x80, s1, s20, $0xb8;
	[tilespmem:$0x1E800] =	vst v63  }
0x97: {  	_ =	swait.ge [sflag:s24], $0x4000  }
0x98: {  	[sflag:s24] =	ssyncset.done $0x0  }
0x99: {  	[sflag:s24] =	ssyncadd.s32 $0xFFFFC000  }
0x9a: {  	[spmem:s3] =	stream.indirect.scatter.add.f32 [tilespmem:s21], [sflag:$0x3], $0x80, s10, s20, $0xb8;
	[tilespmem:$0x1E800] =	vst v63  }
0x9b: {  	_ =	swait.ge [sflag:s25], $0x4000  }
0x9c: {  	[sflag:s25] =	ssyncset.done $0x0  }
0x9d: {  	[sflag:s25] =	ssyncadd.s32 $0xFFFFC000  }
0x9e: {  	[tilespmem:s21], [sflag:$0x1] =	stream.indirect.gather [hbm4b:s6+s20], $0x80, s12, s20, $0xb8;
	[tilespmem:$0x1E800] =	vst v63  }
0x9f: {  	_ =	swait.ge [sflag:s28], $0x4000  }
0xa0: {  	[sflag:s28] =	ssyncset.done $0x0  }
0xa1: {  	s0 =	simm.s32 $0x14680;
	[sflag:s28] =	ssyncadd.s32 $0xFFFFC000  }
0xa2: {  	[spmem:s3] =	stream.indirect.scatter.add.f32 [tilespmem:s23], [sflag:$0x4], $0x80, s0, s20, $0xb8;
	[tilespmem:$0x1E800] =	vst v63  }
0xa3: {  	_ =	swait.ge [sflag:s30], $0x4000  }
0xa4: {  	[sflag:s30] =	ssyncset.done $0x0  }
0xa5: {  	s0 =	simm.s32 $0x14380;
	[sflag:s30] =	ssyncadd.s32 $0xFFFFC000  }
0xa6: {  	[tilespmem:s23], [sflag:$0x2] =	stream.indirect.gather [hbm4b:s6+s20], $0x80, s0, s20, $0xb8;
	[tilespmem:$0x1E800] =	vst v63  }
0xa7: {  	_ =	swait.ge [sflag:s24], $0x4000  }
0xa8: {  	[sflag:s24] =	ssyncset.done $0x0  }
0xa9: {  	s0 =	simm.s32 $0x14700;
	[sflag:s24] =	ssyncadd.s32 $0xFFFFC000  }
0xaa: {  	[spmem:s3] =	stream.indirect.scatter.add.f32 [tilespmem:s21], [sflag:$0x3], $0x80, s0, s20, $0xb8;
	[tilespmem:$0x1E800] =	vst v63  }
0xab: {  	_ =	swait.ge [sflag:s28], $0x4000  }
0xac: {  	[sflag:s28] =	ssyncset.done $0x0  }
0xad: {  	s0 =	simm.s32 $0x14780;
	[sflag:s28] =	ssyncadd.s32 $0xFFFFC000  }
0xae: {  	[spmem:s3] =	stream.indirect.scatter.add.f32 [tilespmem:s23], [sflag:$0x4], $0x80, s0, s20, $0xb8;
	[tilespmem:$0x1E800] =	vst v63  }
.Ltmp0:
0xaf: {  	_ =	swait.ge [sflag:s25], $0x4000;
	(pc) =	sbr.rel @p0 .LBB2_2-.Ltmp0, $4  }
0xb0: {  	[sflag:s25] =	ssyncset.done $0x0  }
0xb1: {  	[sflag:s25] =	ssyncadd.s32 $0xFFFFC000  }
0xb2: {  	_ =	swait.ge [sflag:s30], $0x4000  }
0xb3: {  	s29 =	smov.u32 s26;
	[sflag:s30] =	ssyncset.done $0x0  }
0xb4: {  	s0 =	sadd.s32 s22, s14;
	[sflag:s30] =	ssyncadd.s32 $0xFFFFC000  }
0xb5: {  	[tilespmem:s18], [sflag:$0x5] =	stream.linear.gather [hbm4b:s0+s4], $0x400, $0x38;
	[tilespmem:$0x1E800] =	vst v63  }
0xb6: {  	_ =	swait.ge [sflag:s17], $0x400  }
0xb7: {  	[sflag:s17] =	ssyncset.done $0x0  }
0xb8: {  	s29 =	sadd.s32 s22, s15;
	[sflag:s17] =	ssyncadd.s32 $0xFFFFFC00  }
0xb9: {  	[tilespmem:s19], [sflag:$0x5] =	stream.linear.gather [hbm4b:s29+s4], $0x400, $0x38;
	[tilespmem:$0x1E800] =	vst v63  }
0xba: {  	_ =	swait.ge [sflag:s17], $0x400  }
0xbb: {  	[sflag:s17] =	ssyncset.done $0x0  }
0xbc: {  	[sflag:s17] =	ssyncadd.s32 $0xFFFFFC00  }
0xbd: {  	[tilespmem:s21], [sflag:$0x1] =	stream.indirect.gather [hbm4b:s6+s20], $0x80, s18, s20, $0xb8;
	[tilespmem:$0x1E800] =	vst v63  }
0xbe: {  	_ = 	snop  }
0xbf: {  	[tilespmem:s23], [sflag:$0x2] =	stream.indirect.gather [hbm4b:s6+s20], $0x80, s31, s20, $0xb8;
	[tilespmem:$0x1E800] =	vst v63  }
0xc0: {  	_ =	swait.ge [sflag:s24], $0x4000  }
0xc1: {  	[sflag:s24] =	ssyncset.done $0x0  }
0xc2: {  	[sflag:s24] =	ssyncadd.s32 $0xFFFFC000  }
0xc3: {  	[spmem:s3] =	stream.indirect.scatter.add.f32 [tilespmem:s21], [sflag:$0x3], $0x80, s19, s20, $0xb8;
	[tilespmem:$0x1E800] =	vst v63  }
0xc4: {  	_ =	swait.ge [sflag:s25], $0x4000  }
0xc5: {  	[sflag:s25] =	ssyncset.done $0x0  }
0xc6: {  	[sflag:s25] =	ssyncadd.s32 $0xFFFFC000  }
0xc7: {  	[tilespmem:s21], [sflag:$0x1] =	stream.indirect.gather [hbm4b:s6+s20], $0x80, s5, s20, $0xb8;
	[tilespmem:$0x1E800] =	vst v63  }
0xc8: {  	_ =	swait.ge [sflag:s28], $0x4000  }
0xc9: {  	[sflag:s28] =	ssyncset.done $0x0  }
0xca: {  	[sflag:s28] =	ssyncadd.s32 $0xFFFFC000  }
0xcb: {  	[spmem:s3] =	stream.indirect.scatter.add.f32 [tilespmem:s23], [sflag:$0x4], $0x80, s13, s20, $0xb8;
	[tilespmem:$0x1E800] =	vst v63  }
0xcc: {  	_ =	swait.ge [sflag:s30], $0x4000  }
0xcd: {  	[sflag:s30] =	ssyncset.done $0x0  }
0xce: {  	[sflag:s30] =	ssyncadd.s32 $0xFFFFC000  }
0xcf: {  	[tilespmem:s23], [sflag:$0x2] =	stream.indirect.gather [hbm4b:s6+s20], $0x80, s2, s20, $0xb8;
	[tilespmem:$0x1E800] =	vst v63  }
0xd0: {  	_ =	swait.ge [sflag:s24], $0x4000  }
0xd1: {  	[sflag:s24] =	ssyncset.done $0x0  }
0xd2: {  	[sflag:s24] =	ssyncadd.s32 $0xFFFFC000  }
0xd3: {  	[spmem:s3] =	stream.indirect.scatter.add.f32 [tilespmem:s21], [sflag:$0x3], $0x80, s11, s20, $0xb8;
	[tilespmem:$0x1E800] =	vst v63  }
0xd4: {  	_ =	swait.ge [sflag:s25], $0x4000  }
0xd5: {  	[sflag:s25] =	ssyncset.done $0x0  }
0xd6: {  	[sflag:s25] =	ssyncadd.s32 $0xFFFFC000  }
0xd7: {  	[tilespmem:s21], [sflag:$0x1] =	stream.indirect.gather [hbm4b:s6+s20], $0x80, s16, s20, $0xb8;
	[tilespmem:$0x1E800] =	vst v63  }
0xd8: {  	_ =	swait.ge [sflag:s28], $0x4000  }
0xd9: {  	[sflag:s28] =	ssyncset.done $0x0  }
0xda: {  	[sflag:s28] =	ssyncadd.s32 $0xFFFFC000  }
0xdb: {  	[spmem:s3] =	stream.indirect.scatter.add.f32 [tilespmem:s23], [sflag:$0x4], $0x80, s9, s20, $0xb8;
	[tilespmem:$0x1E800] =	vst v63  }
0xdc: {  	_ =	swait.ge [sflag:s30], $0x4000  }
0xdd: {  	[sflag:s30] =	ssyncset.done $0x0  }
0xde: {  	[sflag:s30] =	ssyncadd.s32 $0xFFFFC000  }
0xdf: {  	[tilespmem:s23], [sflag:$0x2] =	stream.indirect.gather [hbm4b:s6+s20], $0x80, s1, s20, $0xb8;
	[tilespmem:$0x1E800] =	vst v63  }
0xe0: {  	_ =	swait.ge [sflag:s24], $0x4000  }
0xe1: {  	[sflag:s24] =	ssyncset.done $0x0  }
0xe2: {  	[sflag:s24] =	ssyncadd.s32 $0xFFFFC000  }
0xe3: {  	[spmem:s3] =	stream.indirect.scatter.add.f32 [tilespmem:s21], [sflag:$0x3], $0x80, s10, s20, $0xb8;
	[tilespmem:$0x1E800] =	vst v63  }
0xe4: {  	_ =	swait.ge [sflag:s25], $0x4000  }
0xe5: {  	[sflag:s25] =	ssyncset.done $0x0  }
0xe6: {  	[sflag:s25] =	ssyncadd.s32 $0xFFFFC000  }
0xe7: {  	[tilespmem:s21], [sflag:$0x1] =	stream.indirect.gather [hbm4b:s6+s20], $0x80, s12, s20, $0xb8;
	[tilespmem:$0x1E800] =	vst v63  }
0xe8: {  	_ =	swait.ge [sflag:s28], $0x4000  }
0xe9: {  	[sflag:s28] =	ssyncset.done $0x0  }
0xea: {  	s22 =	simm.s32 $0x14680;
	[sflag:s28] =	ssyncadd.s32 $0xFFFFC000  }
0xeb: {  	[spmem:s3] =	stream.indirect.scatter.add.f32 [tilespmem:s23], [sflag:$0x4], $0x80, s22, s20, $0xb8;
	[tilespmem:$0x1E800] =	vst v63  }
0xec: {  	_ =	swait.ge [sflag:s30], $0x4000  }
0xed: {  	[sflag:s30] =	ssyncset.done $0x0  }
0xee: {  	s26 =	simm.s32 $0x14380;
	[sflag:s30] =	ssyncadd.s32 $0xFFFFC000  }
0xef: {  	[tilespmem:s23], [sflag:$0x2] =	stream.indirect.gather [hbm4b:s6+s20], $0x80, s26, s20, $0xb8;
	[tilespmem:$0x1E800] =	vst v63  }
0xf0: {  	_ =	swait.ge [sflag:s24], $0x4000  }
0xf1: {  	[sflag:s24] =	ssyncset.done $0x0  }
0xf2: {  	s29 =	simm.s32 $0x14700;
	[sflag:s24] =	ssyncadd.s32 $0xFFFFC000  }
0xf3: {  	[spmem:s3] =	stream.indirect.scatter.add.f32 [tilespmem:s21], [sflag:$0x3], $0x80, s29, s20, $0xb8;
	[tilespmem:$0x1E800] =	vst v63  }
0xf4: {  	_ =	swait.ge [sflag:s28], $0x4000  }
0xf5: {  	[sflag:s28] =	ssyncset.done $0x0  }
0xf6: {  	s31 =	simm.s32 $0x14780;
	[sflag:s28] =	ssyncadd.s32 $0xFFFFC000  }
0xf7: {  	[spmem:s3] =	stream.indirect.scatter.add.f32 [tilespmem:s23], [sflag:$0x4], $0x80, s31, s20, $0xb8;
	[tilespmem:$0x1E800] =	vst v63  }
0xf8: {  	_ =	swait.ge [sflag:s25], $0x4000  }
0xf9: {  	[sflag:s25] =	ssyncset.done $0x0  }
0xfa: {  	[sflag:s25] =	ssyncadd.s32 $0xFFFFC000  }
0xfb: {  	_ =	swait.ge [sflag:s30], $0x4000  }
0xfc: {  	[sflag:s30] =	ssyncset.done $0x0  }
0xfd: {  	s5 =	simm.s32 $0x0;
	s2 =	simm.s32 $0x1D800;
	[sflag:s30] =	ssyncadd.s32 $0xFFFFC000  }
0xfe: {  	s1 =	simm.s32 $0x1C800;
	s26 =	simm.s32 $0x0;
	[bflag:$0x0] =	sbarrier.arrive $0xFFFF  }
.LBB2_4:
0xff: {  	s0 =	sshll.u32 s26, $0x5;
	s22 =	rddreg [dreg:$0x8]  }
0x100: {  	s22 =	sadd.s32 s22, s0  }
0x101: {  	s0 =	sshll.u32 s22, $0x7  }
0x102: {  	s0 =	sand.u32 $0x3FFFFF80, s0  }
0x103: {  	s0 =	sadd.s32 s0, s3  }
0x104: {  	[tilespmem:s1], [sflag:$0x5] =	stream.linear.gather [spmem:s0], $0x1000, $0x38;
	[tilespmem:$0x1E800] =	vst v63  }
0x105: {  	_ =	swait.ge [sflag:s17], $0x1000  }
0x106: {  	[sflag:s17] =	ssyncset.done $0x0  }
0x107: {  	[sflag:s17] =	ssyncadd.s32 $0xFFFFF000  }
0x108: {  	s16 =	sshll.u32 s22, $0x4;
	s29 =	rddreg [dreg:$0x3]  }
0x109: {  	s0 =	sadd.s32 s29, s16  }
0x10a: {  	[tilespmem:s2], [sflag:$0x5] =	stream.linear.gather [hbm4b:s0+s5], $0x1000, $0x38;
	[tilespmem:$0x1E800] =	vst v63  }
0x10b: {  	_ =	swait.ge [sflag:s17], $0x1000  }
0x10c: {  	[sflag:s17] =	ssyncset.done $0x0  }
0x10d: {  	s29 =	simm.s32 $0x0;
	[sflag:s17] =	ssyncadd.s32 $0xFFFFF000  }
0x10e: {  	v0 =	vld [tilespmem:s29+$0x1D800]  }
0x10f: {  	v4 =	vld [tilespmem:s29+$0x1C800]  }
0x110: {  	v6 =	vld [tilespmem:s29+$0x1C810]  }
0x111: {  	v5 =	vld [tilespmem:s29+$0x1C820]  }
0x112: {  	v3 =	vld [tilespmem:s29+$0x1C830]  }
0x113: {  	v1 =	vld [tilespmem:s29+$0x1C840]  }
0x114: {  	v2 =	vld [tilespmem:s29+$0x1C850];
	v7 =	vmul.f32 v0, v4  }
0x115: {  	s31 =	simm.s32 $0x200;
	v6 =	vmul.f32 v0, v6;
	v4 =	vld [tilespmem:s29+$0x1C860]  }
.LBB2_5:
0x116: {  	s0 =	sshra.s32 s31, $0x2;
	p0 =	sne.s32 s31, $0x3E00;
	[tilespmem:s29+$0x1C800] =	vst v7;
	v5 =	vmul.f32 v0, v5;
	v7 =	vld [tilespmem:s29+$0x1C870]  }
0x117: {  	v8 =	vld [tilespmem:s0+$0x1D800];
	[tilespmem:s29+$0x1C810] =	vst v6;
	v3 =	vmul.f32 v0, v3  }
0x118: {  	v6 =	vld [tilespmem:s0+$0x1C800];
	[tilespmem:s29+$0x1C820] =	vst v5;
	v1 =	vmul.f32 v0, v1  }
0x119: {  	v9 =	vld [tilespmem:s0+$0x1C810];
	[tilespmem:s29+$0x1C830] =	vst v3;
	v2 =	vmul.f32 v0, v2  }
.Ltmp1:
0x11a: {  	v5 =	vld [tilespmem:s0+$0x1C820];
	[tilespmem:s29+$0x1C840] =	vst v1;
	v4 =	vmul.f32 v0, v4;
	(pc) =	sbr.rel @p0 .LBB2_5-.Ltmp1, $4  }
0x11b: {  	v3 =	vld [tilespmem:s0+$0x1C830];
	[tilespmem:s29+$0x1C850] =	vst v2;
	v10 =	vmul.f32 v0, v7  }
0x11c: {  	v1 =	vld [tilespmem:s0+$0x1C840];
	[tilespmem:s29+$0x1C860] =	vst v4;
	v0 =	vmov v8  }
0x11d: {  	v7 =	vmul.f32 v0, v6;
	v2 =	vld [tilespmem:s0+$0x1C850];
	[tilespmem:s29+$0x1C870] =	vst v10;
	s29 =	smov.u32 s0  }
0x11e: {  	s31 =	sadd.s32 $0x200, s31;
	v6 =	vmul.f32 v0, v9;
	v4 =	vld [tilespmem:s29+$0x1C860]  }
0x11f: {  	[tilespmem:s29+$0x1C800] =	vst v7;
	v5 =	vmul.f32 v0, v5;
	v61 =	vld [tilespmem:s29+$0x1C870]  }
0x120: {  	[tilespmem:s29+$0x1C810] =	vst v6;
	v3 =	vmul.f32 v0, v3  }
0x121: {  	[tilespmem:s29+$0x1C820] =	vst v5;
	v1 =	vmul.f32 v0, v1  }
0x122: {  	[tilespmem:s29+$0x1C830] =	vst v3;
	v2 =	vmul.f32 v0, v2  }
0x123: {  	s0 =	rddreg [dreg:$0xa];
	[tilespmem:s29+$0x1C840] =	vst v1;
	v62 =	vmul.f32 v0, v4  }
0x124: {  	s26 =	sadd.s32 $0x1, s26;
	s0 =	sadd.s32 s0, s22;
	[tilespmem:s29+$0x1C850] =	vst v2;
	v63 =	vmul.f32 v0, v61  }
0x125: {  	p0 =	sne.s32 s26, $0x14;
	s0 =	sshll.u32 s0, $0x4;
	[tilespmem:s29+$0x1C860] =	vst v62  }
.Ltmp2:
0x126: {  	s0 =	sadd.s32 s7, s0;
	[tilespmem:s29+$0x1C870] =	vst v63;
	(pc) =	sbr.rel @p0 .LBB2_4-.Ltmp2, $4  }
0x127: {  	[hbm4b:s0+s4] =	stream.linear.scatter [tilespmem:s1], [sflag:$0x5], $0x1000, $0x38;
	[tilespmem:$0x1E800] =	vst v63  }
0x128: {  	_ =	swait.ge [sflag:s17], $0x1000  }
0x129: {  	[sflag:s17] =	ssyncset.done $0x0  }
0x12a: {  	[sflag:s17] =	ssyncadd.s32 $0xFFFFF000  }
0x12b: {  	[bflag:$0x0] =	sbarrier.arrive $0xFFFF  }
0x12c: {  	s0 =	rddreg [dreg:$0x4]  }
0x12d: {  	s22 =	rddreg [dreg:$0x9]  }
0x12e: {  	s26 =	rddreg [dreg:$0xc]  }
0x12f: {  	[spmem:s26], [sflag:s22] =	dma.local [hbm:s0], $0x2800  }
0x130: {  	_ =	swait.ge [sflag:s17], $0x2800  }
0x131: {  	[sflag:s17] =	ssyncset.done $0x0  }
0x132: {  	[sflag:s17] =	ssyncadd.s32 $0xFFFFD800  }
0x133: {  	s16 =	sadd.s32 $0x0, s14;
	[bflag:$0x0] =	sbarrier.arrive $0xFFFF  }
0x134: {  	[tilespmem:s18], [sflag:$0x5] =	stream.linear.gather [hbm4b:s16+s4], $0x400, $0x38;
	[tilespmem:$0x1E800] =	vst v63  }
0x135: {  	_ =	swait.ge [sflag:s17], $0x400  }
0x136: {  	[sflag:s17] =	ssyncset.done $0x0  }
0x137: {  	s22 =	sadd.s32 $0x0, s15;
	[sflag:s17] =	ssyncadd.s32 $0xFFFFFC00  }
0x138: {  	[tilespmem:s19], [sflag:$0x5] =	stream.linear.gather [hbm4b:s22+s4], $0x400, $0x38;
	[tilespmem:$0x1E800] =	vst v63  }
0x139: {  	_ =	swait.ge [sflag:s17], $0x400  }
0x13a: {  	[sflag:s17] =	ssyncset.done $0x0  }
0x13b: {  	[sflag:s17] =	ssyncadd.s32 $0xFFFFFC00  }
0x13c: {  	[tilespmem:s21], [sflag:$0x1] =	stream.indirect.gather [hbm4b:s7+s20], $0x80, s18, s20, $0xb8;
	[tilespmem:$0x1E800] =	vst v63  }
0x13d: {  	s26 =	simm.s32 $0x14080  }
0x13e: {  	[tilespmem:s23], [sflag:$0x2] =	stream.indirect.gather [hbm4b:s7+s20], $0x80, s26, s20, $0xb8;
	[tilespmem:$0x1E800] =	vst v63  }
0x13f: {  	_ =	swait.ge [sflag:s24], $0x4000  }
0x140: {  	[sflag:s24] =	ssyncset.done $0x0  }
0x141: {  	[sflag:s24] =	ssyncadd.s32 $0xFFFFC000  }
0x142: {  	[spmem:s3] =	stream.indirect.scatter.add.f32 [tilespmem:s21], [sflag:$0x3], $0x80, s19, s20, $0xb8;
	[tilespmem:$0x1E800] =	vst v63  }
0x143: {  	_ =	swait.ge [sflag:s25], $0x4000  }
0x144: {  	[sflag:s25] =	ssyncset.done $0x0  }
0x145: {  	s5 =	simm.s32 $0x14100;
	[sflag:s25] =	ssyncadd.s32 $0xFFFFC000  }
0x146: {  	[tilespmem:s21], [sflag:$0x1] =	stream.indirect.gather [hbm4b:s7+s20], $0x80, s5, s20, $0xb8;
	[tilespmem:$0x1E800] =	vst v63  }
0x147: {  	_ =	swait.ge [sflag:s28], $0x4000  }
0x148: {  	[sflag:s28] =	ssyncset.done $0x0  }
0x149: {  	s13 =	simm.s32 $0x14480;
	[sflag:s28] =	ssyncadd.s32 $0xFFFFC000  }
0x14a: {  	[spmem:s3] =	stream.indirect.scatter.add.f32 [tilespmem:s23], [sflag:$0x4], $0x80, s13, s20, $0xb8;
	[tilespmem:$0x1E800] =	vst v63  }
0x14b: {  	_ =	swait.ge [sflag:s30], $0x4000  }
0x14c: {  	[sflag:s30] =	ssyncset.done $0x0  }
0x14d: {  	s2 =	simm.s32 $0x14180;
	[sflag:s30] =	ssyncadd.s32 $0xFFFFC000  }
0x14e: {  	[tilespmem:s23], [sflag:$0x2] =	stream.indirect.gather [hbm4b:s7+s20], $0x80, s2, s20, $0xb8;
	[tilespmem:$0x1E800] =	vst v63  }
0x14f: {  	_ =	swait.ge [sflag:s24], $0x4000  }
0x150: {  	[sflag:s24] =	ssyncset.done $0x0  }
0x151: {  	s11 =	simm.s32 $0x14500;
	[sflag:s24] =	ssyncadd.s32 $0xFFFFC000  }
0x152: {  	[spmem:s3] =	stream.indirect.scatter.add.f32 [tilespmem:s21], [sflag:$0x3], $0x80, s11, s20, $0xb8;
	[tilespmem:$0x1E800] =	vst v63  }
0x153: {  	_ =	swait.ge [sflag:s25], $0x4000  }
0x154: {  	[sflag:s25] =	ssyncset.done $0x0  }
0x155: {  	s16 =	simm.s32 $0x14200;
	[sflag:s25] =	ssyncadd.s32 $0xFFFFC000  }
0x156: {  	[tilespmem:s21], [sflag:$0x1] =	stream.indirect.gather [hbm4b:s7+s20], $0x80, s16, s20, $0xb8;
	[tilespmem:$0x1E800] =	vst v63  }
0x157: {  	_ =	swait.ge [sflag:s28], $0x4000  }
0x158: {  	[sflag:s28] =	ssyncset.done $0x0  }
0x159: {  	s9 =	simm.s32 $0x14580;
	[sflag:s28] =	ssyncadd.s32 $0xFFFFC000  }
0x15a: {  	[spmem:s3] =	stream.indirect.scatter.add.f32 [tilespmem:s23], [sflag:$0x4], $0x80, s9, s20, $0xb8;
	[tilespmem:$0x1E800] =	vst v63  }
0x15b: {  	_ =	swait.ge [sflag:s30], $0x4000  }
0x15c: {  	[sflag:s30] =	ssyncset.done $0x0  }
0x15d: {  	s1 =	simm.s32 $0x14280;
	[sflag:s30] =	ssyncadd.s32 $0xFFFFC000  }
0x15e: {  	[tilespmem:s23], [sflag:$0x2] =	stream.indirect.gather [hbm4b:s7+s20], $0x80, s1, s20, $0xb8;
	[tilespmem:$0x1E800] =	vst v63  }
0x15f: {  	_ =	swait.ge [sflag:s24], $0x4000  }
0x160: {  	[sflag:s24] =	ssyncset.done $0x0  }
0x161: {  	s10 =	simm.s32 $0x14600;
	[sflag:s24] =	ssyncadd.s32 $0xFFFFC000  }
0x162: {  	[spmem:s3] =	stream.indirect.scatter.add.f32 [tilespmem:s21], [sflag:$0x3], $0x80, s10, s20, $0xb8;
	[tilespmem:$0x1E800] =	vst v63  }
0x163: {  	_ =	swait.ge [sflag:s25], $0x4000  }
0x164: {  	[sflag:s25] =	ssyncset.done $0x0  }
0x165: {  	s12 =	simm.s32 $0x14300;
	[sflag:s25] =	ssyncadd.s32 $0xFFFFC000  }
0x166: {  	[tilespmem:s21], [sflag:$0x1] =	stream.indirect.gather [hbm4b:s7+s20], $0x80, s12, s20, $0xb8;
	[tilespmem:$0x1E800] =	vst v63  }
0x167: {  	_ =	swait.ge [sflag:s28], $0x4000  }
0x168: {  	[sflag:s28] =	ssyncset.done $0x0  }
0x169: {  	s31 =	simm.s32 $0x14680;
	[sflag:s28] =	ssyncadd.s32 $0xFFFFC000  }
0x16a: {  	[spmem:s3] =	stream.indirect.scatter.add.f32 [tilespmem:s23], [sflag:$0x4], $0x80, s31, s20, $0xb8;
	[tilespmem:$0x1E800] =	vst v63  }
0x16b: {  	_ =	swait.ge [sflag:s30], $0x4000  }
0x16c: {  	[sflag:s30] =	ssyncset.done $0x0  }
0x16d: {  	s22 =	simm.s32 $0x14380;
	[sflag:s30] =	ssyncadd.s32 $0xFFFFC000  }
0x16e: {  	[tilespmem:s23], [sflag:$0x2] =	stream.indirect.gather [hbm4b:s7+s20], $0x80, s22, s20, $0xb8;
	[tilespmem:$0x1E800] =	vst v63  }
0x16f: {  	_ =	swait.ge [sflag:s24], $0x4000  }
0x170: {  	[sflag:s24] =	ssyncset.done $0x0  }
0x171: {  	s26 =	simm.s32 $0x14700;
	[sflag:s24] =	ssyncadd.s32 $0xFFFFC000  }
0x172: {  	[spmem:s3] =	stream.indirect.scatter.add.f32 [tilespmem:s21], [sflag:$0x3], $0x80, s26, s20, $0xb8;
	[tilespmem:$0x1E800] =	vst v63  }
0x173: {  	_ =	swait.ge [sflag:s28], $0x4000  }
0x174: {  	[sflag:s28] =	ssyncset.done $0x0  }
0x175: {  	s31 =	simm.s32 $0x14780;
	[sflag:s28] =	ssyncadd.s32 $0xFFFFC000  }
0x176: {  	[spmem:s3] =	stream.indirect.scatter.add.f32 [tilespmem:s23], [sflag:$0x4], $0x80, s31, s20, $0xb8;
	[tilespmem:$0x1E800] =	vst v63  }
0x177: {  	_ =	swait.ge [sflag:s25], $0x4000  }
0x178: {  	[sflag:s25] =	ssyncset.done $0x0  }
0x179: {  	[sflag:s25] =	ssyncadd.s32 $0xFFFFC000  }
0x17a: {  	_ =	swait.ge [sflag:s30], $0x4000  }
0x17b: {  	s29 =	simm.s32 $0x100;
	s22 =	simm.s32 $0x80;
	[sflag:s30] =	ssyncset.done $0x0  }
.LBB2_8:
0x17c: {  	s0 =	sadd.s32 s22, s14  }
0x17d: {  	[sflag:s30] =	ssyncadd.s32 $0xFFFFC000;
	s31 =	smov.u32 s29;
	s26 =	sadd.s32 $0x80, s29  }
0x17e: {  	[tilespmem:s18], [sflag:$0x5] =	stream.linear.gather [hbm4b:s0+s4], $0x400, $0x38;
	[tilespmem:$0x1E800] =	vst v63  }
0x17f: {  	p0 =	sne.s32 s29, $0x500;
	_ =	swait.ge [sflag:s17], $0x400  }
0x180: {  	s0 =	sadd.s32 s22, s15;
	[sflag:s17] =	ssyncset.done $0x0  }
0x181: {  	s22 =	smov.u32 s31;
	s31 =	simm.s32 $0x14080;
	[sflag:s17] =	ssyncadd.s32 $0xFFFFFC00  }
0x182: {  	[tilespmem:s19], [sflag:$0x5] =	stream.linear.gather [hbm4b:s0+s4], $0x400, $0x38;
	[tilespmem:$0x1E800] =	vst v63  }
0x183: {  	_ =	swait.ge [sflag:s17], $0x400  }
0x184: {  	[sflag:s17] =	ssyncset.done $0x0  }
0x185: {  	[sflag:s17] =	ssyncadd.s32 $0xFFFFFC00  }
0x186: {  	[tilespmem:s21], [sflag:$0x1] =	stream.indirect.gather [hbm4b:s7+s20], $0x80, s18, s20, $0xb8;
	[tilespmem:$0x1E800] =	vst v63  }
0x187: {  	_ = 	snop  }
0x188: {  	[tilespmem:s23], [sflag:$0x2] =	stream.indirect.gather [hbm4b:s7+s20], $0x80, s31, s20, $0xb8;
	[tilespmem:$0x1E800] =	vst v63  }
0x189: {  	_ =	swait.ge [sflag:s24], $0x4000  }
0x18a: {  	[sflag:s24] =	ssyncset.done $0x0  }
0x18b: {  	[sflag:s24] =	ssyncadd.s32 $0xFFFFC000  }
0x18c: {  	[spmem:s3] =	stream.indirect.scatter.add.f32 [tilespmem:s21], [sflag:$0x3], $0x80, s19, s20, $0xb8;
	[tilespmem:$0x1E800] =	vst v63  }
0x18d: {  	_ =	swait.ge [sflag:s25], $0x4000  }
0x18e: {  	[sflag:s25] =	ssyncset.done $0x0  }
0x18f: {  	[sflag:s25] =	ssyncadd.s32 $0xFFFFC000  }
0x190: {  	[tilespmem:s21], [sflag:$0x1] =	stream.indirect.gather [hbm4b:s7+s20], $0x80, s5, s20, $0xb8;
	[tilespmem:$0x1E800] =	vst v63  }
0x191: {  	_ =	swait.ge [sflag:s28], $0x4000  }
0x192: {  	[sflag:s28] =	ssyncset.done $0x0  }
0x193: {  	[sflag:s28] =	ssyncadd.s32 $0xFFFFC000  }
0x194: {  	[spmem:s3] =	stream.indirect.scatter.add.f32 [tilespmem:s23], [sflag:$0x4], $0x80, s13, s20, $0xb8;
	[tilespmem:$0x1E800] =	vst v63  }
0x195: {  	_ =	swait.ge [sflag:s30], $0x4000  }
0x196: {  	[sflag:s30] =	ssyncset.done $0x0  }
0x197: {  	[sflag:s30] =	ssyncadd.s32 $0xFFFFC000  }
0x198: {  	[tilespmem:s23], [sflag:$0x2] =	stream.indirect.gather [hbm4b:s7+s20], $0x80, s2, s20, $0xb8;
	[tilespmem:$0x1E800] =	vst v63  }
0x199: {  	_ =	swait.ge [sflag:s24], $0x4000  }
0x19a: {  	[sflag:s24] =	ssyncset.done $0x0  }
0x19b: {  	[sflag:s24] =	ssyncadd.s32 $0xFFFFC000  }
0x19c: {  	[spmem:s3] =	stream.indirect.scatter.add.f32 [tilespmem:s21], [sflag:$0x3], $0x80, s11, s20, $0xb8;
	[tilespmem:$0x1E800] =	vst v63  }
0x19d: {  	_ =	swait.ge [sflag:s25], $0x4000  }
0x19e: {  	[sflag:s25] =	ssyncset.done $0x0  }
0x19f: {  	[sflag:s25] =	ssyncadd.s32 $0xFFFFC000  }
0x1a0: {  	[tilespmem:s21], [sflag:$0x1] =	stream.indirect.gather [hbm4b:s7+s20], $0x80, s16, s20, $0xb8;
	[tilespmem:$0x1E800] =	vst v63  }
0x1a1: {  	_ =	swait.ge [sflag:s28], $0x4000  }
0x1a2: {  	[sflag:s28] =	ssyncset.done $0x0  }
0x1a3: {  	[sflag:s28] =	ssyncadd.s32 $0xFFFFC000  }
0x1a4: {  	[spmem:s3] =	stream.indirect.scatter.add.f32 [tilespmem:s23], [sflag:$0x4], $0x80, s9, s20, $0xb8;
	[tilespmem:$0x1E800] =	vst v63  }
0x1a5: {  	_ =	swait.ge [sflag:s30], $0x4000  }
0x1a6: {  	[sflag:s30] =	ssyncset.done $0x0  }
0x1a7: {  	[sflag:s30] =	ssyncadd.s32 $0xFFFFC000  }
0x1a8: {  	[tilespmem:s23], [sflag:$0x2] =	stream.indirect.gather [hbm4b:s7+s20], $0x80, s1, s20, $0xb8;
	[tilespmem:$0x1E800] =	vst v63  }
0x1a9: {  	_ =	swait.ge [sflag:s24], $0x4000  }
0x1aa: {  	[sflag:s24] =	ssyncset.done $0x0  }
0x1ab: {  	[sflag:s24] =	ssyncadd.s32 $0xFFFFC000  }
0x1ac: {  	[spmem:s3] =	stream.indirect.scatter.add.f32 [tilespmem:s21], [sflag:$0x3], $0x80, s10, s20, $0xb8;
	[tilespmem:$0x1E800] =	vst v63  }
0x1ad: {  	_ =	swait.ge [sflag:s25], $0x4000  }
0x1ae: {  	[sflag:s25] =	ssyncset.done $0x0  }
0x1af: {  	[sflag:s25] =	ssyncadd.s32 $0xFFFFC000  }
0x1b0: {  	[tilespmem:s21], [sflag:$0x1] =	stream.indirect.gather [hbm4b:s7+s20], $0x80, s12, s20, $0xb8;
	[tilespmem:$0x1E800] =	vst v63  }
0x1b1: {  	_ =	swait.ge [sflag:s28], $0x4000  }
0x1b2: {  	[sflag:s28] =	ssyncset.done $0x0  }
0x1b3: {  	s0 =	simm.s32 $0x14680;
	[sflag:s28] =	ssyncadd.s32 $0xFFFFC000  }
0x1b4: {  	[spmem:s3] =	stream.indirect.scatter.add.f32 [tilespmem:s23], [sflag:$0x4], $0x80, s0, s20, $0xb8;
	[tilespmem:$0x1E800] =	vst v63  }
0x1b5: {  	_ =	swait.ge [sflag:s30], $0x4000  }
0x1b6: {  	[sflag:s30] =	ssyncset.done $0x0  }
0x1b7: {  	s0 =	simm.s32 $0x14380;
	[sflag:s30] =	ssyncadd.s32 $0xFFFFC000  }
0x1b8: {  	[tilespmem:s23], [sflag:$0x2] =	stream.indirect.gather [hbm4b:s7+s20], $0x80, s0, s20, $0xb8;
	[tilespmem:$0x1E800] =	vst v63  }
0x1b9: {  	_ =	swait.ge [sflag:s24], $0x4000  }
0x1ba: {  	[sflag:s24] =	ssyncset.done $0x0  }
0x1bb: {  	s0 =	simm.s32 $0x14700;
	[sflag:s24] =	ssyncadd.s32 $0xFFFFC000  }
0x1bc: {  	[spmem:s3] =	stream.indirect.scatter.add.f32 [tilespmem:s21], [sflag:$0x3], $0x80, s0, s20, $0xb8;
	[tilespmem:$0x1E800] =	vst v63  }
0x1bd: {  	_ =	swait.ge [sflag:s28], $0x4000  }
0x1be: {  	[sflag:s28] =	ssyncset.done $0x0  }
0x1bf: {  	s0 =	simm.s32 $0x14780;
	[sflag:s28] =	ssyncadd.s32 $0xFFFFC000  }
0x1c0: {  	[spmem:s3] =	stream.indirect.scatter.add.f32 [tilespmem:s23], [sflag:$0x4], $0x80, s0, s20, $0xb8;
	[tilespmem:$0x1E800] =	vst v63  }
.Ltmp3:
0x1c1: {  	_ =	swait.ge [sflag:s25], $0x4000;
	(pc) =	sbr.rel @p0 .LBB2_8-.Ltmp3, $4  }
0x1c2: {  	[sflag:s25] =	ssyncset.done $0x0  }
0x1c3: {  	[sflag:s25] =	ssyncadd.s32 $0xFFFFC000  }
0x1c4: {  	_ =	swait.ge [sflag:s30], $0x4000  }
0x1c5: {  	s29 =	smov.u32 s26;
	[sflag:s30] =	ssyncset.done $0x0  }
0x1c6: {  	s0 =	sadd.s32 s22, s14;
	[sflag:s30] =	ssyncadd.s32 $0xFFFFC000  }
0x1c7: {  	[tilespmem:s18], [sflag:$0x5] =	stream.linear.gather [hbm4b:s0+s4], $0x400, $0x38;
	[tilespmem:$0x1E800] =	vst v63  }
0x1c8: {  	_ =	swait.ge [sflag:s17], $0x400  }
0x1c9: {  	[sflag:s17] =	ssyncset.done $0x0  }
0x1ca: {  	s29 =	sadd.s32 s22, s15;
	[sflag:s17] =	ssyncadd.s32 $0xFFFFFC00  }
0x1cb: {  	[tilespmem:s19], [sflag:$0x5] =	stream.linear.gather [hbm4b:s29+s4], $0x400, $0x38;
	[tilespmem:$0x1E800] =	vst v63  }
0x1cc: {  	_ =	swait.ge [sflag:s17], $0x400  }
0x1cd: {  	[sflag:s17] =	ssyncset.done $0x0  }
0x1ce: {  	[sflag:s17] =	ssyncadd.s32 $0xFFFFFC00  }
0x1cf: {  	[tilespmem:s21], [sflag:$0x1] =	stream.indirect.gather [hbm4b:s7+s20], $0x80, s18, s20, $0xb8;
	[tilespmem:$0x1E800] =	vst v63  }
0x1d0: {  	_ = 	snop  }
0x1d1: {  	[tilespmem:s23], [sflag:$0x2] =	stream.indirect.gather [hbm4b:s7+s20], $0x80, s31, s20, $0xb8;
	[tilespmem:$0x1E800] =	vst v63  }
0x1d2: {  	_ =	swait.ge [sflag:s24], $0x4000  }
0x1d3: {  	[sflag:s24] =	ssyncset.done $0x0  }
0x1d4: {  	[sflag:s24] =	ssyncadd.s32 $0xFFFFC000  }
0x1d5: {  	[spmem:s3] =	stream.indirect.scatter.add.f32 [tilespmem:s21], [sflag:$0x3], $0x80, s19, s20, $0xb8;
	[tilespmem:$0x1E800] =	vst v63  }
0x1d6: {  	_ =	swait.ge [sflag:s25], $0x4000  }
0x1d7: {  	[sflag:s25] =	ssyncset.done $0x0  }
0x1d8: {  	[sflag:s25] =	ssyncadd.s32 $0xFFFFC000  }
0x1d9: {  	[tilespmem:s21], [sflag:$0x1] =	stream.indirect.gather [hbm4b:s7+s20], $0x80, s5, s20, $0xb8;
	[tilespmem:$0x1E800] =	vst v63  }
0x1da: {  	_ =	swait.ge [sflag:s28], $0x4000  }
0x1db: {  	[sflag:s28] =	ssyncset.done $0x0  }
0x1dc: {  	[sflag:s28] =	ssyncadd.s32 $0xFFFFC000  }
0x1dd: {  	[spmem:s3] =	stream.indirect.scatter.add.f32 [tilespmem:s23], [sflag:$0x4], $0x80, s13, s20, $0xb8;
	[tilespmem:$0x1E800] =	vst v63  }
0x1de: {  	_ =	swait.ge [sflag:s30], $0x4000  }
0x1df: {  	[sflag:s30] =	ssyncset.done $0x0  }
0x1e0: {  	[sflag:s30] =	ssyncadd.s32 $0xFFFFC000  }
0x1e1: {  	[tilespmem:s23], [sflag:$0x2] =	stream.indirect.gather [hbm4b:s7+s20], $0x80, s2, s20, $0xb8;
	[tilespmem:$0x1E800] =	vst v63  }
0x1e2: {  	_ =	swait.ge [sflag:s24], $0x4000  }
0x1e3: {  	[sflag:s24] =	ssyncset.done $0x0  }
0x1e4: {  	[sflag:s24] =	ssyncadd.s32 $0xFFFFC000  }
0x1e5: {  	[spmem:s3] =	stream.indirect.scatter.add.f32 [tilespmem:s21], [sflag:$0x3], $0x80, s11, s20, $0xb8;
	[tilespmem:$0x1E800] =	vst v63  }
0x1e6: {  	_ =	swait.ge [sflag:s25], $0x4000  }
0x1e7: {  	[sflag:s25] =	ssyncset.done $0x0  }
0x1e8: {  	[sflag:s25] =	ssyncadd.s32 $0xFFFFC000  }
0x1e9: {  	[tilespmem:s21], [sflag:$0x1] =	stream.indirect.gather [hbm4b:s7+s20], $0x80, s16, s20, $0xb8;
	[tilespmem:$0x1E800] =	vst v63  }
0x1ea: {  	_ =	swait.ge [sflag:s28], $0x4000  }
0x1eb: {  	[sflag:s28] =	ssyncset.done $0x0  }
0x1ec: {  	[sflag:s28] =	ssyncadd.s32 $0xFFFFC000  }
0x1ed: {  	[spmem:s3] =	stream.indirect.scatter.add.f32 [tilespmem:s23], [sflag:$0x4], $0x80, s9, s20, $0xb8;
	[tilespmem:$0x1E800] =	vst v63  }
0x1ee: {  	_ =	swait.ge [sflag:s30], $0x4000  }
0x1ef: {  	[sflag:s30] =	ssyncset.done $0x0  }
0x1f0: {  	[sflag:s30] =	ssyncadd.s32 $0xFFFFC000  }
0x1f1: {  	[tilespmem:s23], [sflag:$0x2] =	stream.indirect.gather [hbm4b:s7+s20], $0x80, s1, s20, $0xb8;
	[tilespmem:$0x1E800] =	vst v63  }
0x1f2: {  	_ =	swait.ge [sflag:s24], $0x4000  }
0x1f3: {  	[sflag:s24] =	ssyncset.done $0x0  }
0x1f4: {  	[sflag:s24] =	ssyncadd.s32 $0xFFFFC000  }
0x1f5: {  	[spmem:s3] =	stream.indirect.scatter.add.f32 [tilespmem:s21], [sflag:$0x3], $0x80, s10, s20, $0xb8;
	[tilespmem:$0x1E800] =	vst v63  }
0x1f6: {  	_ =	swait.ge [sflag:s25], $0x4000  }
0x1f7: {  	[sflag:s25] =	ssyncset.done $0x0  }
0x1f8: {  	[sflag:s25] =	ssyncadd.s32 $0xFFFFC000  }
0x1f9: {  	[tilespmem:s21], [sflag:$0x1] =	stream.indirect.gather [hbm4b:s7+s20], $0x80, s12, s20, $0xb8;
	[tilespmem:$0x1E800] =	vst v63  }
0x1fa: {  	_ =	swait.ge [sflag:s28], $0x4000  }
0x1fb: {  	[sflag:s28] =	ssyncset.done $0x0  }
0x1fc: {  	s22 =	simm.s32 $0x14680;
	[sflag:s28] =	ssyncadd.s32 $0xFFFFC000  }
0x1fd: {  	[spmem:s3] =	stream.indirect.scatter.add.f32 [tilespmem:s23], [sflag:$0x4], $0x80, s22, s20, $0xb8;
	[tilespmem:$0x1E800] =	vst v63  }
0x1fe: {  	_ =	swait.ge [sflag:s30], $0x4000  }
0x1ff: {  	[sflag:s30] =	ssyncset.done $0x0  }
0x200: {  	s26 =	simm.s32 $0x14380;
	[sflag:s30] =	ssyncadd.s32 $0xFFFFC000  }
0x201: {  	[tilespmem:s23], [sflag:$0x2] =	stream.indirect.gather [hbm4b:s7+s20], $0x80, s26, s20, $0xb8;
	[tilespmem:$0x1E800] =	vst v63  }
0x202: {  	_ =	swait.ge [sflag:s24], $0x4000  }
0x203: {  	[sflag:s24] =	ssyncset.done $0x0  }
0x204: {  	s29 =	simm.s32 $0x14700;
	[sflag:s24] =	ssyncadd.s32 $0xFFFFC000  }
0x205: {  	[spmem:s3] =	stream.indirect.scatter.add.f32 [tilespmem:s21], [sflag:$0x3], $0x80, s29, s20, $0xb8;
	[tilespmem:$0x1E800] =	vst v63  }
0x206: {  	_ =	swait.ge [sflag:s28], $0x4000  }
0x207: {  	[sflag:s28] =	ssyncset.done $0x0  }
0x208: {  	s31 =	simm.s32 $0x14780;
	[sflag:s28] =	ssyncadd.s32 $0xFFFFC000  }
0x209: {  	[spmem:s3] =	stream.indirect.scatter.add.f32 [tilespmem:s23], [sflag:$0x4], $0x80, s31, s20, $0xb8;
	[tilespmem:$0x1E800] =	vst v63  }
0x20a: {  	_ =	swait.ge [sflag:s25], $0x4000  }
0x20b: {  	[sflag:s25] =	ssyncset.done $0x0  }
0x20c: {  	[sflag:s25] =	ssyncadd.s32 $0xFFFFC000  }
0x20d: {  	_ =	swait.ge [sflag:s30], $0x4000  }
0x20e: {  	[sflag:s30] =	ssyncset.done $0x0  }
0x20f: {  	s5 =	simm.s32 $0x0;
	s2 =	simm.s32 $0x1D800;
	[sflag:s30] =	ssyncadd.s32 $0xFFFFC000  }
0x210: {  	s1 =	simm.s32 $0x1C800;
	s26 =	simm.s32 $0x0;
	[bflag:$0x0] =	sbarrier.arrive $0xFFFF  }
.LBB2_10:
0x211: {  	s0 =	sshll.u32 s26, $0x5;
	s22 =	rddreg [dreg:$0x8]  }
0x212: {  	s22 =	sadd.s32 s22, s0  }
0x213: {  	s0 =	sshll.u32 s22, $0x7  }
0x214: {  	s0 =	sand.u32 $0x3FFFFF80, s0  }
0x215: {  	s0 =	sadd.s32 s0, s3  }
0x216: {  	[tilespmem:s1], [sflag:$0x5] =	stream.linear.gather [spmem:s0], $0x1000, $0x38;
	[tilespmem:$0x1E800] =	vst v63  }
0x217: {  	_ =	swait.ge [sflag:s17], $0x1000  }
0x218: {  	[sflag:s17] =	ssyncset.done $0x0  }
0x219: {  	[sflag:s17] =	ssyncadd.s32 $0xFFFFF000  }
0x21a: {  	s16 =	sshll.u32 s22, $0x4;
	s29 =	rddreg [dreg:$0x3]  }
0x21b: {  	s0 =	sadd.s32 s29, s16  }
0x21c: {  	[tilespmem:s2], [sflag:$0x5] =	stream.linear.gather [hbm4b:s0+s5], $0x1000, $0x38;
	[tilespmem:$0x1E800] =	vst v63  }
0x21d: {  	_ =	swait.ge [sflag:s17], $0x1000  }
0x21e: {  	[sflag:s17] =	ssyncset.done $0x0  }
0x21f: {  	s29 =	simm.s32 $0x0;
	[sflag:s17] =	ssyncadd.s32 $0xFFFFF000  }
0x220: {  	v0 =	vld [tilespmem:s29+$0x1D800]  }
0x221: {  	v4 =	vld [tilespmem:s29+$0x1C800]  }
0x222: {  	v6 =	vld [tilespmem:s29+$0x1C810]  }
0x223: {  	v5 =	vld [tilespmem:s29+$0x1C820]  }
0x224: {  	v3 =	vld [tilespmem:s29+$0x1C830]  }
0x225: {  	v1 =	vld [tilespmem:s29+$0x1C840]  }
0x226: {  	v2 =	vld [tilespmem:s29+$0x1C850];
	v7 =	vmul.f32 v0, v4  }
0x227: {  	s31 =	simm.s32 $0x200;
	v6 =	vmul.f32 v0, v6;
	v4 =	vld [tilespmem:s29+$0x1C860]  }
.LBB2_11:
0x228: {  	s0 =	sshra.s32 s31, $0x2;
	p0 =	sne.s32 s31, $0x3E00;
	[tilespmem:s29+$0x1C800] =	vst v7;
	v5 =	vmul.f32 v0, v5;
	v7 =	vld [tilespmem:s29+$0x1C870]  }
0x229: {  	v8 =	vld [tilespmem:s0+$0x1D800];
	[tilespmem:s29+$0x1C810] =	vst v6;
	v3 =	vmul.f32 v0, v3  }
0x22a: {  	v6 =	vld [tilespmem:s0+$0x1C800];
	[tilespmem:s29+$0x1C820] =	vst v5;
	v1 =	vmul.f32 v0, v1  }
0x22b: {  	v9 =	vld [tilespmem:s0+$0x1C810];
	[tilespmem:s29+$0x1C830] =	vst v3;
	v2 =	vmul.f32 v0, v2  }
.Ltmp4:
0x22c: {  	v5 =	vld [tilespmem:s0+$0x1C820];
	[tilespmem:s29+$0x1C840] =	vst v1;
	v4 =	vmul.f32 v0, v4;
	(pc) =	sbr.rel @p0 .LBB2_11-.Ltmp4, $4  }
0x22d: {  	v3 =	vld [tilespmem:s0+$0x1C830];
	[tilespmem:s29+$0x1C850] =	vst v2;
	v10 =	vmul.f32 v0, v7  }
0x22e: {  	v1 =	vld [tilespmem:s0+$0x1C840];
	[tilespmem:s29+$0x1C860] =	vst v4;
	v0 =	vmov v8  }
0x22f: {  	v7 =	vmul.f32 v0, v6;
	v2 =	vld [tilespmem:s0+$0x1C850];
	[tilespmem:s29+$0x1C870] =	vst v10;
	s29 =	smov.u32 s0  }
0x230: {  	s31 =	sadd.s32 $0x200, s31;
	v6 =	vmul.f32 v0, v9;
	v4 =	vld [tilespmem:s29+$0x1C860]  }
0x231: {  	[tilespmem:s29+$0x1C800] =	vst v7;
	v5 =	vmul.f32 v0, v5;
	v61 =	vld [tilespmem:s29+$0x1C870]  }
0x232: {  	[tilespmem:s29+$0x1C810] =	vst v6;
	v3 =	vmul.f32 v0, v3  }
0x233: {  	[tilespmem:s29+$0x1C820] =	vst v5;
	v1 =	vmul.f32 v0, v1  }
0x234: {  	[tilespmem:s29+$0x1C830] =	vst v3;
	v2 =	vmul.f32 v0, v2  }
0x235: {  	s0 =	rddreg [dreg:$0xa];
	[tilespmem:s29+$0x1C840] =	vst v1;
	v62 =	vmul.f32 v0, v4  }
0x236: {  	s26 =	sadd.s32 $0x1, s26;
	s0 =	sadd.s32 s0, s22;
	[tilespmem:s29+$0x1C850] =	vst v2;
	v63 =	vmul.f32 v0, v61  }
0x237: {  	p0 =	sne.s32 s26, $0x14;
	s0 =	sshll.u32 s0, $0x4;
	[tilespmem:s29+$0x1C860] =	vst v62  }
.Ltmp5:
0x238: {  	s0 =	sadd.s32 s8, s0;
	[tilespmem:s29+$0x1C870] =	vst v63;
	(pc) =	sbr.rel @p0 .LBB2_10-.Ltmp5, $4  }
0x239: {  	[hbm4b:s0+s4] =	stream.linear.scatter [tilespmem:s1], [sflag:$0x5], $0x1000, $0x38;
	[tilespmem:$0x1E800] =	vst v63  }
0x23a: {  	_ =	swait.ge [sflag:s17], $0x1000  }
0x23b: {  	[sflag:s17] =	ssyncset.done $0x0  }
0x23c: {  	[sflag:s17] =	ssyncadd.s32 $0xFFFFF000  }
0x23d: {  	[bflag:$0x0] =	sbarrier.arrive $0xFFFF  }
0x23e: {  	s0 =	rddreg [dreg:$0x4]  }
0x23f: {  	s22 =	rddreg [dreg:$0x9]  }
0x240: {  	s26 =	rddreg [dreg:$0xc]  }
0x241: {  	[spmem:s26], [sflag:s22] =	dma.local [hbm:s0], $0x2800  }
0x242: {  	_ =	swait.ge [sflag:s17], $0x2800  }
0x243: {  	[sflag:s17] =	ssyncset.done $0x0  }
0x244: {  	[sflag:s17] =	ssyncadd.s32 $0xFFFFD800  }
0x245: {  	s16 =	sadd.s32 $0x0, s14;
	[bflag:$0x0] =	sbarrier.arrive $0xFFFF  }
0x246: {  	[tilespmem:s18], [sflag:$0x5] =	stream.linear.gather [hbm4b:s16+s4], $0x400, $0x38;
	[tilespmem:$0x1E800] =	vst v63  }
0x247: {  	_ =	swait.ge [sflag:s17], $0x400  }
0x248: {  	[sflag:s17] =	ssyncset.done $0x0  }
0x249: {  	s22 =	sadd.s32 $0x0, s15;
	[sflag:s17] =	ssyncadd.s32 $0xFFFFFC00  }
0x24a: {  	[tilespmem:s19], [sflag:$0x5] =	stream.linear.gather [hbm4b:s22+s4], $0x400, $0x38;
	[tilespmem:$0x1E800] =	vst v63  }
0x24b: {  	_ =	swait.ge [sflag:s17], $0x400  }
0x24c: {  	[sflag:s17] =	ssyncset.done $0x0  }
0x24d: {  	[sflag:s17] =	ssyncadd.s32 $0xFFFFFC00  }
0x24e: {  	[tilespmem:s21], [sflag:$0x1] =	stream.indirect.gather [hbm4b:s8+s20], $0x80, s18, s20, $0xb8;
	[tilespmem:$0x1E800] =	vst v63  }
0x24f: {  	s26 =	simm.s32 $0x14080  }
0x250: {  	[tilespmem:s23], [sflag:$0x2] =	stream.indirect.gather [hbm4b:s8+s20], $0x80, s26, s20, $0xb8;
	[tilespmem:$0x1E800] =	vst v63  }
0x251: {  	_ =	swait.ge [sflag:s24], $0x4000  }
0x252: {  	[sflag:s24] =	ssyncset.done $0x0  }
0x253: {  	[sflag:s24] =	ssyncadd.s32 $0xFFFFC000  }
0x254: {  	[spmem:s3] =	stream.indirect.scatter.add.f32 [tilespmem:s21], [sflag:$0x3], $0x80, s19, s20, $0xb8;
	[tilespmem:$0x1E800] =	vst v63  }
0x255: {  	_ =	swait.ge [sflag:s25], $0x4000  }
0x256: {  	[sflag:s25] =	ssyncset.done $0x0  }
0x257: {  	s5 =	simm.s32 $0x14100;
	[sflag:s25] =	ssyncadd.s32 $0xFFFFC000  }
0x258: {  	[tilespmem:s21], [sflag:$0x1] =	stream.indirect.gather [hbm4b:s8+s20], $0x80, s5, s20, $0xb8;
	[tilespmem:$0x1E800] =	vst v63  }
0x259: {  	_ =	swait.ge [sflag:s28], $0x4000  }
0x25a: {  	[sflag:s28] =	ssyncset.done $0x0  }
0x25b: {  	s13 =	simm.s32 $0x14480;
	[sflag:s28] =	ssyncadd.s32 $0xFFFFC000  }
0x25c: {  	[spmem:s3] =	stream.indirect.scatter.add.f32 [tilespmem:s23], [sflag:$0x4], $0x80, s13, s20, $0xb8;
	[tilespmem:$0x1E800] =	vst v63  }
0x25d: {  	_ =	swait.ge [sflag:s30], $0x4000  }
0x25e: {  	[sflag:s30] =	ssyncset.done $0x0  }
0x25f: {  	s2 =	simm.s32 $0x14180;
	[sflag:s30] =	ssyncadd.s32 $0xFFFFC000  }
0x260: {  	[tilespmem:s23], [sflag:$0x2] =	stream.indirect.gather [hbm4b:s8+s20], $0x80, s2, s20, $0xb8;
	[tilespmem:$0x1E800] =	vst v63  }
0x261: {  	_ =	swait.ge [sflag:s24], $0x4000  }
0x262: {  	[sflag:s24] =	ssyncset.done $0x0  }
0x263: {  	s11 =	simm.s32 $0x14500;
	[sflag:s24] =	ssyncadd.s32 $0xFFFFC000  }
0x264: {  	[spmem:s3] =	stream.indirect.scatter.add.f32 [tilespmem:s21], [sflag:$0x3], $0x80, s11, s20, $0xb8;
	[tilespmem:$0x1E800] =	vst v63  }
0x265: {  	_ =	swait.ge [sflag:s25], $0x4000  }
0x266: {  	[sflag:s25] =	ssyncset.done $0x0  }
0x267: {  	s16 =	simm.s32 $0x14200;
	[sflag:s25] =	ssyncadd.s32 $0xFFFFC000  }
0x268: {  	[tilespmem:s21], [sflag:$0x1] =	stream.indirect.gather [hbm4b:s8+s20], $0x80, s16, s20, $0xb8;
	[tilespmem:$0x1E800] =	vst v63  }
0x269: {  	_ =	swait.ge [sflag:s28], $0x4000  }
0x26a: {  	[sflag:s28] =	ssyncset.done $0x0  }
0x26b: {  	s9 =	simm.s32 $0x14580;
	[sflag:s28] =	ssyncadd.s32 $0xFFFFC000  }
0x26c: {  	[spmem:s3] =	stream.indirect.scatter.add.f32 [tilespmem:s23], [sflag:$0x4], $0x80, s9, s20, $0xb8;
	[tilespmem:$0x1E800] =	vst v63  }
0x26d: {  	_ =	swait.ge [sflag:s30], $0x4000  }
0x26e: {  	[sflag:s30] =	ssyncset.done $0x0  }
0x26f: {  	s1 =	simm.s32 $0x14280;
	[sflag:s30] =	ssyncadd.s32 $0xFFFFC000  }
0x270: {  	[tilespmem:s23], [sflag:$0x2] =	stream.indirect.gather [hbm4b:s8+s20], $0x80, s1, s20, $0xb8;
	[tilespmem:$0x1E800] =	vst v63  }
0x271: {  	_ =	swait.ge [sflag:s24], $0x4000  }
0x272: {  	[sflag:s24] =	ssyncset.done $0x0  }
0x273: {  	s10 =	simm.s32 $0x14600;
	[sflag:s24] =	ssyncadd.s32 $0xFFFFC000  }
0x274: {  	[spmem:s3] =	stream.indirect.scatter.add.f32 [tilespmem:s21], [sflag:$0x3], $0x80, s10, s20, $0xb8;
	[tilespmem:$0x1E800] =	vst v63  }
0x275: {  	_ =	swait.ge [sflag:s25], $0x4000  }
0x276: {  	[sflag:s25] =	ssyncset.done $0x0  }
0x277: {  	s12 =	simm.s32 $0x14300;
	[sflag:s25] =	ssyncadd.s32 $0xFFFFC000  }
0x278: {  	[tilespmem:s21], [sflag:$0x1] =	stream.indirect.gather [hbm4b:s8+s20], $0x80, s12, s20, $0xb8;
	[tilespmem:$0x1E800] =	vst v63  }
0x279: {  	_ =	swait.ge [sflag:s28], $0x4000  }
0x27a: {  	[sflag:s28] =	ssyncset.done $0x0  }
0x27b: {  	s31 =	simm.s32 $0x14680;
	[sflag:s28] =	ssyncadd.s32 $0xFFFFC000  }
0x27c: {  	[spmem:s3] =	stream.indirect.scatter.add.f32 [tilespmem:s23], [sflag:$0x4], $0x80, s31, s20, $0xb8;
	[tilespmem:$0x1E800] =	vst v63  }
0x27d: {  	_ =	swait.ge [sflag:s30], $0x4000  }
0x27e: {  	[sflag:s30] =	ssyncset.done $0x0  }
0x27f: {  	s22 =	simm.s32 $0x14380;
	[sflag:s30] =	ssyncadd.s32 $0xFFFFC000  }
0x280: {  	[tilespmem:s23], [sflag:$0x2] =	stream.indirect.gather [hbm4b:s8+s20], $0x80, s22, s20, $0xb8;
	[tilespmem:$0x1E800] =	vst v63  }
0x281: {  	_ =	swait.ge [sflag:s24], $0x4000  }
0x282: {  	[sflag:s24] =	ssyncset.done $0x0  }
0x283: {  	s26 =	simm.s32 $0x14700;
	[sflag:s24] =	ssyncadd.s32 $0xFFFFC000  }
0x284: {  	[spmem:s3] =	stream.indirect.scatter.add.f32 [tilespmem:s21], [sflag:$0x3], $0x80, s26, s20, $0xb8;
	[tilespmem:$0x1E800] =	vst v63  }
0x285: {  	_ =	swait.ge [sflag:s28], $0x4000  }
0x286: {  	[sflag:s28] =	ssyncset.done $0x0  }
0x287: {  	s31 =	simm.s32 $0x14780;
	[sflag:s28] =	ssyncadd.s32 $0xFFFFC000  }
0x288: {  	[spmem:s3] =	stream.indirect.scatter.add.f32 [tilespmem:s23], [sflag:$0x4], $0x80, s31, s20, $0xb8;
	[tilespmem:$0x1E800] =	vst v63  }
0x289: {  	_ =	swait.ge [sflag:s25], $0x4000  }
0x28a: {  	[sflag:s25] =	ssyncset.done $0x0  }
0x28b: {  	[sflag:s25] =	ssyncadd.s32 $0xFFFFC000  }
0x28c: {  	_ =	swait.ge [sflag:s30], $0x4000  }
0x28d: {  	s29 =	simm.s32 $0x100;
	s22 =	simm.s32 $0x80;
	[sflag:s30] =	ssyncset.done $0x0  }
.LBB2_14:
0x28e: {  	s0 =	sadd.s32 s22, s14  }
0x28f: {  	[sflag:s30] =	ssyncadd.s32 $0xFFFFC000;
	s31 =	smov.u32 s29;
	s26 =	sadd.s32 $0x80, s29  }
0x290: {  	[tilespmem:s18], [sflag:$0x5] =	stream.linear.gather [hbm4b:s0+s4], $0x400, $0x38;
	[tilespmem:$0x1E800] =	vst v63  }
0x291: {  	p0 =	sne.s32 s29, $0x500;
	_ =	swait.ge [sflag:s17], $0x400  }
0x292: {  	s0 =	sadd.s32 s22, s15;
	[sflag:s17] =	ssyncset.done $0x0  }
0x293: {  	s22 =	smov.u32 s31;
	s31 =	simm.s32 $0x14080;
	[sflag:s17] =	ssyncadd.s32 $0xFFFFFC00  }
0x294: {  	[tilespmem:s19], [sflag:$0x5] =	stream.linear.gather [hbm4b:s0+s4], $0x400, $0x38;
	[tilespmem:$0x1E800] =	vst v63  }
0x295: {  	_ =	swait.ge [sflag:s17], $0x400  }
0x296: {  	[sflag:s17] =	ssyncset.done $0x0  }
0x297: {  	[sflag:s17] =	ssyncadd.s32 $0xFFFFFC00  }
0x298: {  	[tilespmem:s21], [sflag:$0x1] =	stream.indirect.gather [hbm4b:s8+s20], $0x80, s18, s20, $0xb8;
	[tilespmem:$0x1E800] =	vst v63  }
0x299: {  	_ = 	snop  }
0x29a: {  	[tilespmem:s23], [sflag:$0x2] =	stream.indirect.gather [hbm4b:s8+s20], $0x80, s31, s20, $0xb8;
	[tilespmem:$0x1E800] =	vst v63  }
0x29b: {  	_ =	swait.ge [sflag:s24], $0x4000  }
0x29c: {  	[sflag:s24] =	ssyncset.done $0x0  }
0x29d: {  	[sflag:s24] =	ssyncadd.s32 $0xFFFFC000  }
0x29e: {  	[spmem:s3] =	stream.indirect.scatter.add.f32 [tilespmem:s21], [sflag:$0x3], $0x80, s19, s20, $0xb8;
	[tilespmem:$0x1E800] =	vst v63  }
0x29f: {  	_ =	swait.ge [sflag:s25], $0x4000  }
0x2a0: {  	[sflag:s25] =	ssyncset.done $0x0  }
0x2a1: {  	[sflag:s25] =	ssyncadd.s32 $0xFFFFC000  }
0x2a2: {  	[tilespmem:s21], [sflag:$0x1] =	stream.indirect.gather [hbm4b:s8+s20], $0x80, s5, s20, $0xb8;
	[tilespmem:$0x1E800] =	vst v63  }
0x2a3: {  	_ =	swait.ge [sflag:s28], $0x4000  }
0x2a4: {  	[sflag:s28] =	ssyncset.done $0x0  }
0x2a5: {  	[sflag:s28] =	ssyncadd.s32 $0xFFFFC000  }
0x2a6: {  	[spmem:s3] =	stream.indirect.scatter.add.f32 [tilespmem:s23], [sflag:$0x4], $0x80, s13, s20, $0xb8;
	[tilespmem:$0x1E800] =	vst v63  }
0x2a7: {  	_ =	swait.ge [sflag:s30], $0x4000  }
0x2a8: {  	[sflag:s30] =	ssyncset.done $0x0  }
0x2a9: {  	[sflag:s30] =	ssyncadd.s32 $0xFFFFC000  }
0x2aa: {  	[tilespmem:s23], [sflag:$0x2] =	stream.indirect.gather [hbm4b:s8+s20], $0x80, s2, s20, $0xb8;
	[tilespmem:$0x1E800] =	vst v63  }
0x2ab: {  	_ =	swait.ge [sflag:s24], $0x4000  }
0x2ac: {  	[sflag:s24] =	ssyncset.done $0x0  }
0x2ad: {  	[sflag:s24] =	ssyncadd.s32 $0xFFFFC000  }
0x2ae: {  	[spmem:s3] =	stream.indirect.scatter.add.f32 [tilespmem:s21], [sflag:$0x3], $0x80, s11, s20, $0xb8;
	[tilespmem:$0x1E800] =	vst v63  }
0x2af: {  	_ =	swait.ge [sflag:s25], $0x4000  }
0x2b0: {  	[sflag:s25] =	ssyncset.done $0x0  }
0x2b1: {  	[sflag:s25] =	ssyncadd.s32 $0xFFFFC000  }
0x2b2: {  	[tilespmem:s21], [sflag:$0x1] =	stream.indirect.gather [hbm4b:s8+s20], $0x80, s16, s20, $0xb8;
	[tilespmem:$0x1E800] =	vst v63  }
0x2b3: {  	_ =	swait.ge [sflag:s28], $0x4000  }
0x2b4: {  	[sflag:s28] =	ssyncset.done $0x0  }
0x2b5: {  	[sflag:s28] =	ssyncadd.s32 $0xFFFFC000  }
0x2b6: {  	[spmem:s3] =	stream.indirect.scatter.add.f32 [tilespmem:s23], [sflag:$0x4], $0x80, s9, s20, $0xb8;
	[tilespmem:$0x1E800] =	vst v63  }
0x2b7: {  	_ =	swait.ge [sflag:s30], $0x4000  }
0x2b8: {  	[sflag:s30] =	ssyncset.done $0x0  }
0x2b9: {  	[sflag:s30] =	ssyncadd.s32 $0xFFFFC000  }
0x2ba: {  	[tilespmem:s23], [sflag:$0x2] =	stream.indirect.gather [hbm4b:s8+s20], $0x80, s1, s20, $0xb8;
	[tilespmem:$0x1E800] =	vst v63  }
0x2bb: {  	_ =	swait.ge [sflag:s24], $0x4000  }
0x2bc: {  	[sflag:s24] =	ssyncset.done $0x0  }
0x2bd: {  	[sflag:s24] =	ssyncadd.s32 $0xFFFFC000  }
0x2be: {  	[spmem:s3] =	stream.indirect.scatter.add.f32 [tilespmem:s21], [sflag:$0x3], $0x80, s10, s20, $0xb8;
	[tilespmem:$0x1E800] =	vst v63  }
0x2bf: {  	_ =	swait.ge [sflag:s25], $0x4000  }
0x2c0: {  	[sflag:s25] =	ssyncset.done $0x0  }
0x2c1: {  	[sflag:s25] =	ssyncadd.s32 $0xFFFFC000  }
0x2c2: {  	[tilespmem:s21], [sflag:$0x1] =	stream.indirect.gather [hbm4b:s8+s20], $0x80, s12, s20, $0xb8;
	[tilespmem:$0x1E800] =	vst v63  }
0x2c3: {  	_ =	swait.ge [sflag:s28], $0x4000  }
0x2c4: {  	[sflag:s28] =	ssyncset.done $0x0  }
0x2c5: {  	s0 =	simm.s32 $0x14680;
	[sflag:s28] =	ssyncadd.s32 $0xFFFFC000  }
0x2c6: {  	[spmem:s3] =	stream.indirect.scatter.add.f32 [tilespmem:s23], [sflag:$0x4], $0x80, s0, s20, $0xb8;
	[tilespmem:$0x1E800] =	vst v63  }
0x2c7: {  	_ =	swait.ge [sflag:s30], $0x4000  }
0x2c8: {  	[sflag:s30] =	ssyncset.done $0x0  }
0x2c9: {  	s0 =	simm.s32 $0x14380;
	[sflag:s30] =	ssyncadd.s32 $0xFFFFC000  }
0x2ca: {  	[tilespmem:s23], [sflag:$0x2] =	stream.indirect.gather [hbm4b:s8+s20], $0x80, s0, s20, $0xb8;
	[tilespmem:$0x1E800] =	vst v63  }
0x2cb: {  	_ =	swait.ge [sflag:s24], $0x4000  }
0x2cc: {  	[sflag:s24] =	ssyncset.done $0x0  }
0x2cd: {  	s0 =	simm.s32 $0x14700;
	[sflag:s24] =	ssyncadd.s32 $0xFFFFC000  }
0x2ce: {  	[spmem:s3] =	stream.indirect.scatter.add.f32 [tilespmem:s21], [sflag:$0x3], $0x80, s0, s20, $0xb8;
	[tilespmem:$0x1E800] =	vst v63  }
0x2cf: {  	_ =	swait.ge [sflag:s28], $0x4000  }
0x2d0: {  	[sflag:s28] =	ssyncset.done $0x0  }
0x2d1: {  	s0 =	simm.s32 $0x14780;
	[sflag:s28] =	ssyncadd.s32 $0xFFFFC000  }
0x2d2: {  	[spmem:s3] =	stream.indirect.scatter.add.f32 [tilespmem:s23], [sflag:$0x4], $0x80, s0, s20, $0xb8;
	[tilespmem:$0x1E800] =	vst v63  }
.Ltmp6:
0x2d3: {  	_ =	swait.ge [sflag:s25], $0x4000;
	(pc) =	sbr.rel @p0 .LBB2_14-.Ltmp6, $4  }
0x2d4: {  	[sflag:s25] =	ssyncset.done $0x0  }
0x2d5: {  	[sflag:s25] =	ssyncadd.s32 $0xFFFFC000  }
0x2d6: {  	_ =	swait.ge [sflag:s30], $0x4000  }
0x2d7: {  	s29 =	smov.u32 s26;
	[sflag:s30] =	ssyncset.done $0x0  }
0x2d8: {  	s0 =	sadd.s32 s22, s14;
	[sflag:s30] =	ssyncadd.s32 $0xFFFFC000  }
0x2d9: {  	[tilespmem:s18], [sflag:$0x5] =	stream.linear.gather [hbm4b:s0+s4], $0x400, $0x38;
	[tilespmem:$0x1E800] =	vst v63  }
0x2da: {  	_ =	swait.ge [sflag:s17], $0x400  }
0x2db: {  	[sflag:s17] =	ssyncset.done $0x0  }
0x2dc: {  	s29 =	sadd.s32 s22, s15;
	[sflag:s17] =	ssyncadd.s32 $0xFFFFFC00  }
0x2dd: {  	[tilespmem:s19], [sflag:$0x5] =	stream.linear.gather [hbm4b:s29+s4], $0x400, $0x38;
	[tilespmem:$0x1E800] =	vst v63  }
0x2de: {  	_ =	swait.ge [sflag:s17], $0x400  }
0x2df: {  	[sflag:s17] =	ssyncset.done $0x0  }
0x2e0: {  	[sflag:s17] =	ssyncadd.s32 $0xFFFFFC00  }
0x2e1: {  	[tilespmem:s21], [sflag:$0x1] =	stream.indirect.gather [hbm4b:s8+s20], $0x80, s18, s20, $0xb8;
	[tilespmem:$0x1E800] =	vst v63  }
0x2e2: {  	_ = 	snop  }
0x2e3: {  	[tilespmem:s23], [sflag:$0x2] =	stream.indirect.gather [hbm4b:s8+s20], $0x80, s31, s20, $0xb8;
	[tilespmem:$0x1E800] =	vst v63  }
0x2e4: {  	_ =	swait.ge [sflag:s24], $0x4000  }
0x2e5: {  	[sflag:s24] =	ssyncset.done $0x0  }
0x2e6: {  	[sflag:s24] =	ssyncadd.s32 $0xFFFFC000  }
0x2e7: {  	[spmem:s3] =	stream.indirect.scatter.add.f32 [tilespmem:s21], [sflag:$0x3], $0x80, s19, s20, $0xb8;
	[tilespmem:$0x1E800] =	vst v63  }
0x2e8: {  	_ =	swait.ge [sflag:s25], $0x4000  }
0x2e9: {  	[sflag:s25] =	ssyncset.done $0x0  }
0x2ea: {  	[sflag:s25] =	ssyncadd.s32 $0xFFFFC000  }
0x2eb: {  	[tilespmem:s21], [sflag:$0x1] =	stream.indirect.gather [hbm4b:s8+s20], $0x80, s5, s20, $0xb8;
	[tilespmem:$0x1E800] =	vst v63  }
0x2ec: {  	_ =	swait.ge [sflag:s28], $0x4000  }
0x2ed: {  	[sflag:s28] =	ssyncset.done $0x0  }
0x2ee: {  	[sflag:s28] =	ssyncadd.s32 $0xFFFFC000  }
0x2ef: {  	[spmem:s3] =	stream.indirect.scatter.add.f32 [tilespmem:s23], [sflag:$0x4], $0x80, s13, s20, $0xb8;
	[tilespmem:$0x1E800] =	vst v63  }
0x2f0: {  	_ =	swait.ge [sflag:s30], $0x4000  }
0x2f1: {  	[sflag:s30] =	ssyncset.done $0x0  }
0x2f2: {  	[sflag:s30] =	ssyncadd.s32 $0xFFFFC000  }
0x2f3: {  	[tilespmem:s23], [sflag:$0x2] =	stream.indirect.gather [hbm4b:s8+s20], $0x80, s2, s20, $0xb8;
	[tilespmem:$0x1E800] =	vst v63  }
0x2f4: {  	_ =	swait.ge [sflag:s24], $0x4000  }
0x2f5: {  	[sflag:s24] =	ssyncset.done $0x0  }
0x2f6: {  	[sflag:s24] =	ssyncadd.s32 $0xFFFFC000  }
0x2f7: {  	[spmem:s3] =	stream.indirect.scatter.add.f32 [tilespmem:s21], [sflag:$0x3], $0x80, s11, s20, $0xb8;
	[tilespmem:$0x1E800] =	vst v63  }
0x2f8: {  	_ =	swait.ge [sflag:s25], $0x4000  }
0x2f9: {  	[sflag:s25] =	ssyncset.done $0x0  }
0x2fa: {  	[sflag:s25] =	ssyncadd.s32 $0xFFFFC000  }
0x2fb: {  	[tilespmem:s21], [sflag:$0x1] =	stream.indirect.gather [hbm4b:s8+s20], $0x80, s16, s20, $0xb8;
	[tilespmem:$0x1E800] =	vst v63  }
0x2fc: {  	_ =	swait.ge [sflag:s28], $0x4000  }
0x2fd: {  	[sflag:s28] =	ssyncset.done $0x0  }
0x2fe: {  	[sflag:s28] =	ssyncadd.s32 $0xFFFFC000  }
0x2ff: {  	[spmem:s3] =	stream.indirect.scatter.add.f32 [tilespmem:s23], [sflag:$0x4], $0x80, s9, s20, $0xb8;
	[tilespmem:$0x1E800] =	vst v63  }
0x300: {  	_ =	swait.ge [sflag:s30], $0x4000  }
0x301: {  	[sflag:s30] =	ssyncset.done $0x0  }
0x302: {  	[sflag:s30] =	ssyncadd.s32 $0xFFFFC000  }
0x303: {  	[tilespmem:s23], [sflag:$0x2] =	stream.indirect.gather [hbm4b:s8+s20], $0x80, s1, s20, $0xb8;
	[tilespmem:$0x1E800] =	vst v63  }
0x304: {  	_ =	swait.ge [sflag:s24], $0x4000  }
0x305: {  	[sflag:s24] =	ssyncset.done $0x0  }
0x306: {  	[sflag:s24] =	ssyncadd.s32 $0xFFFFC000  }
0x307: {  	[spmem:s3] =	stream.indirect.scatter.add.f32 [tilespmem:s21], [sflag:$0x3], $0x80, s10, s20, $0xb8;
	[tilespmem:$0x1E800] =	vst v63  }
0x308: {  	_ =	swait.ge [sflag:s25], $0x4000  }
0x309: {  	[sflag:s25] =	ssyncset.done $0x0  }
0x30a: {  	[sflag:s25] =	ssyncadd.s32 $0xFFFFC000  }
0x30b: {  	[tilespmem:s21], [sflag:$0x1] =	stream.indirect.gather [hbm4b:s8+s20], $0x80, s12, s20, $0xb8;
	[tilespmem:$0x1E800] =	vst v63  }
0x30c: {  	_ =	swait.ge [sflag:s28], $0x4000  }
0x30d: {  	[sflag:s28] =	ssyncset.done $0x0  }
0x30e: {  	s22 =	simm.s32 $0x14680;
	[sflag:s28] =	ssyncadd.s32 $0xFFFFC000  }
0x30f: {  	[spmem:s3] =	stream.indirect.scatter.add.f32 [tilespmem:s23], [sflag:$0x4], $0x80, s22, s20, $0xb8;
	[tilespmem:$0x1E800] =	vst v63  }
0x310: {  	_ =	swait.ge [sflag:s30], $0x4000  }
0x311: {  	[sflag:s30] =	ssyncset.done $0x0  }
0x312: {  	s26 =	simm.s32 $0x14380;
	[sflag:s30] =	ssyncadd.s32 $0xFFFFC000  }
0x313: {  	[tilespmem:s23], [sflag:$0x2] =	stream.indirect.gather [hbm4b:s8+s20], $0x80, s26, s20, $0xb8;
	[tilespmem:$0x1E800] =	vst v63  }
0x314: {  	_ =	swait.ge [sflag:s24], $0x4000  }
0x315: {  	[sflag:s24] =	ssyncset.done $0x0  }
0x316: {  	s29 =	simm.s32 $0x14700;
	[sflag:s24] =	ssyncadd.s32 $0xFFFFC000  }
0x317: {  	[spmem:s3] =	stream.indirect.scatter.add.f32 [tilespmem:s21], [sflag:$0x3], $0x80, s29, s20, $0xb8;
	[tilespmem:$0x1E800] =	vst v63  }
0x318: {  	_ =	swait.ge [sflag:s28], $0x4000  }
0x319: {  	[sflag:s28] =	ssyncset.done $0x0  }
0x31a: {  	s31 =	simm.s32 $0x14780;
	[sflag:s28] =	ssyncadd.s32 $0xFFFFC000  }
0x31b: {  	[spmem:s3] =	stream.indirect.scatter.add.f32 [tilespmem:s23], [sflag:$0x4], $0x80, s31, s20, $0xb8;
	[tilespmem:$0x1E800] =	vst v63  }
0x31c: {  	_ =	swait.ge [sflag:s25], $0x4000  }
0x31d: {  	[sflag:s25] =	ssyncset.done $0x0  }
0x31e: {  	[sflag:s25] =	ssyncadd.s32 $0xFFFFC000  }
0x31f: {  	_ =	swait.ge [sflag:s30], $0x4000  }
0x320: {  	[sflag:s30] =	ssyncset.done $0x0  }
0x321: {  	s5 =	simm.s32 $0x0;
	s2 =	simm.s32 $0x1D800;
	[sflag:s30] =	ssyncadd.s32 $0xFFFFC000  }
0x322: {  	s1 =	simm.s32 $0x1C800;
	s26 =	simm.s32 $0x0;
	[bflag:$0x0] =	sbarrier.arrive $0xFFFF  }
.LBB2_16:
0x323: {  	s0 =	sshll.u32 s26, $0x5;
	s22 =	rddreg [dreg:$0x8]  }
0x324: {  	s22 =	sadd.s32 s22, s0  }
0x325: {  	s0 =	sshll.u32 s22, $0x7  }
0x326: {  	s0 =	sand.u32 $0x3FFFFF80, s0  }
0x327: {  	s0 =	sadd.s32 s0, s3  }
0x328: {  	[tilespmem:s1], [sflag:$0x5] =	stream.linear.gather [spmem:s0], $0x1000, $0x38;
	[tilespmem:$0x1E800] =	vst v63  }
0x329: {  	_ =	swait.ge [sflag:s17], $0x1000  }
0x32a: {  	[sflag:s17] =	ssyncset.done $0x0  }
0x32b: {  	[sflag:s17] =	ssyncadd.s32 $0xFFFFF000  }
0x32c: {  	s16 =	sshll.u32 s22, $0x4;
	s29 =	rddreg [dreg:$0x3]  }
0x32d: {  	s0 =	sadd.s32 s29, s16  }
0x32e: {  	[tilespmem:s2], [sflag:$0x5] =	stream.linear.gather [hbm4b:s0+s5], $0x1000, $0x38;
	[tilespmem:$0x1E800] =	vst v63  }
0x32f: {  	_ =	swait.ge [sflag:s17], $0x1000  }
0x330: {  	[sflag:s17] =	ssyncset.done $0x0  }
0x331: {  	s29 =	simm.s32 $0x0;
	[sflag:s17] =	ssyncadd.s32 $0xFFFFF000  }
0x332: {  	v0 =	vld [tilespmem:s29+$0x1D800]  }
0x333: {  	v4 =	vld [tilespmem:s29+$0x1C800]  }
0x334: {  	v6 =	vld [tilespmem:s29+$0x1C810]  }
0x335: {  	v5 =	vld [tilespmem:s29+$0x1C820]  }
0x336: {  	v3 =	vld [tilespmem:s29+$0x1C830]  }
0x337: {  	v1 =	vld [tilespmem:s29+$0x1C840]  }
0x338: {  	v2 =	vld [tilespmem:s29+$0x1C850];
	v7 =	vmul.f32 v0, v4  }
0x339: {  	s31 =	simm.s32 $0x200;
	v6 =	vmul.f32 v0, v6;
	v4 =	vld [tilespmem:s29+$0x1C860]  }
.LBB2_17:
0x33a: {  	s0 =	sshra.s32 s31, $0x2;
	p0 =	sne.s32 s31, $0x3E00;
	[tilespmem:s29+$0x1C800] =	vst v7;
	v5 =	vmul.f32 v0, v5;
	v7 =	vld [tilespmem:s29+$0x1C870]  }
0x33b: {  	v8 =	vld [tilespmem:s0+$0x1D800];
	[tilespmem:s29+$0x1C810] =	vst v6;
	v3 =	vmul.f32 v0, v3  }
0x33c: {  	v6 =	vld [tilespmem:s0+$0x1C800];
	[tilespmem:s29+$0x1C820] =	vst v5;
	v1 =	vmul.f32 v0, v1  }
0x33d: {  	v9 =	vld [tilespmem:s0+$0x1C810];
	[tilespmem:s29+$0x1C830] =	vst v3;
	v2 =	vmul.f32 v0, v2  }
.Ltmp7:
0x33e: {  	v5 =	vld [tilespmem:s0+$0x1C820];
	[tilespmem:s29+$0x1C840] =	vst v1;
	v4 =	vmul.f32 v0, v4;
	(pc) =	sbr.rel @p0 .LBB2_17-.Ltmp7, $4  }
0x33f: {  	v3 =	vld [tilespmem:s0+$0x1C830];
	[tilespmem:s29+$0x1C850] =	vst v2;
	v10 =	vmul.f32 v0, v7  }
0x340: {  	v1 =	vld [tilespmem:s0+$0x1C840];
	[tilespmem:s29+$0x1C860] =	vst v4;
	v0 =	vmov v8  }
0x341: {  	v7 =	vmul.f32 v0, v6;
	v2 =	vld [tilespmem:s0+$0x1C850];
	[tilespmem:s29+$0x1C870] =	vst v10;
	s29 =	smov.u32 s0  }
0x342: {  	s31 =	sadd.s32 $0x200, s31;
	v6 =	vmul.f32 v0, v9;
	v4 =	vld [tilespmem:s29+$0x1C860]  }
0x343: {  	[tilespmem:s29+$0x1C800] =	vst v7;
	v5 =	vmul.f32 v0, v5;
	v61 =	vld [tilespmem:s29+$0x1C870]  }
0x344: {  	[tilespmem:s29+$0x1C810] =	vst v6;
	v3 =	vmul.f32 v0, v3  }
0x345: {  	[tilespmem:s29+$0x1C820] =	vst v5;
	v1 =	vmul.f32 v0, v1  }
0x346: {  	[tilespmem:s29+$0x1C830] =	vst v3;
	v2 =	vmul.f32 v0, v2  }
0x347: {  	s0 =	rddreg [dreg:$0xa];
	[tilespmem:s29+$0x1C840] =	vst v1;
	v62 =	vmul.f32 v0, v4  }
0x348: {  	s26 =	sadd.s32 $0x1, s26;
	s0 =	sadd.s32 s0, s22;
	[tilespmem:s29+$0x1C850] =	vst v2;
	v63 =	vmul.f32 v0, v61  }
0x349: {  	s31 =	rddreg [dreg:$0x7];
	p0 =	sne.s32 s26, $0x14;
	s0 =	sshll.u32 s0, $0x4;
	[tilespmem:s29+$0x1C860] =	vst v62  }
.Ltmp8:
0x34a: {  	s0 =	sadd.s32 s31, s0;
	[tilespmem:s29+$0x1C870] =	vst v63;
	(pc) =	sbr.rel @p0 .LBB2_16-.Ltmp8, $4  }
0x34b: {  	[hbm4b:s0+s4] =	stream.linear.scatter [tilespmem:s1], [sflag:$0x5], $0x1000, $0x38;
	[tilespmem:$0x1E800] =	vst v63  }
0x34c: {  	_ =	swait.ge [sflag:s17], $0x1000  }
0x34d: {  	[sflag:s17] =	ssyncset.done $0x0  }
0x34e: {  	[sflag:s17] =	ssyncadd.s32 $0xFFFFF000  }
0x34f: {  	s22 =	rddreg [dreg:$0xd]  }
0x350: {  	s0 =	rddreg [dreg:$0xb];
	s22 =	sadd.s32 $0x1, s22  }
0x351: {  	p0 =	sne.s32 s22, s0  }
.Ltmp9:
0x352: {  	_ = 	snop;
	(pc) =	sbr.rel @p0 .LBB2_1-.Ltmp9, $4  }
0x353: {  	[bflag:$0x0] =	sbarrier.arrive $0xFFFF;
	s29 =	simm.s32 $0x14080;
	s5 =	simm.s32 $0x14100  }
0x354: {  	s13 =	simm.s32 $0x14480;
	s2 =	simm.s32 $0x14180;
	s11 =	simm.s32 $0x14500  }
0x355: {  	s16 =	simm.s32 $0x14200;
	s9 =	simm.s32 $0x14580;
	s1 =	simm.s32 $0x14280  }
0x356: {  	s10 =	simm.s32 $0x14600;
	s12 =	simm.s32 $0x14300;
	s31 =	simm.s32 $0x14680  }
0x357: {  	_ =	sfence.sel $0x180000  }
0x358: {  	[bflag:$0x0] =	sbarrier.arrive $0xFFFF  }
0x359: {  	_ =	strace $0x9000004A  }
0x35a: {  	s0 =	stileid.u32;
	[bflag:$0x2] =	sbarrier.arrive $0xFFFF  }
0x35b: {  	p0 =	sne.s32 s0, $0x0;
	s0 =	rddreg [dreg:$0x6]  }
0x35c: {  	s0 =	sadd.s32 @!p0 $0x100000, s0  }
0x35d: {  	[sflag:s0] =	ssyncadd.tile.s32 @!p0 $0x1;
	_ =	shalt  }
.Lfunc_end2:
_tile_overlayer_lowered:
.L_overlay_start_2:
0x35e: {  	(tag) =	ssettag $0x2  }
0x35f: {  	s0 =	rddreg [dreg:$0x0];
	s2 =	stileid.u32  }
0x360: {  	s1 =	rddreg [dreg:$0x1];
	p0 =	sne.s32 s2, $0x0  }
0x361: {  	s3 =	rddreg [dreg:$0x2];
	[bflag:$0x3] =	sbarrier.arrive $0xFFFF;
	s2 =	simm.s32 @!p0 $0x1C05  }
0x362: {  	[timem:s3], [sflag:s2] =	dma.local @!p0 [hbm:s0], s1  }
0x363: {  	s0 =	simm.s32 @!p0 $0x5  }
0x364: {  	_ =	swait.ge @!p0 [sflag:s0], s1  }
0x365: {  	s1 =	ssub.s32 @!p0 $0x0, s1;
	[sflag:s0] =	ssyncset.done @!p0 $0x0  }
0x366: {  	[sflag:s0] =	ssyncadd.s32 @!p0 s1  }
0x367: {  	[bflag:$0x3] =	sbarrier.arrive $0xFFFF  }
0x368: {  	_ =	shalt  }

// kernel: kernel.7.cloned.1.call-start
scs
__scs_entry_jumppad:
0x0: {  	(pc) =	sbr.rel $0x88, $3  }
0x1: {  	(tag) =	ssettag $0x0;
	lr =	simm.s32 $0x1  }
0x2: {  	[smem:$0x3F9E] =	sst lr;
	_ =	strace $0xD0000000  }
0x3: {  	_ = 	snop  }
0x4: {  	_ = 	snop  }
0x5: {  	_ = 	snop  }
0x6: {  	_ = 	snop  }
0x7: {  	_ = 	snop  }
__scs_overlays_trampoline_lowered:
0x8: {  	[smem:$0x3FAD] =	sst s0  }
0x9: {  	[smem:$0x3FAE] =	sst s1  }
0xa: {  	[smem:$0x3FAF] =	sst s2  }
0xb: {  	[smem:$0x3FB0] =	sst s3  }
0xc: {  	[smem:$0x3FB1] =	sst s4  }
0xd: {  	[smem:$0x3FB2] =	sst s5  }
0xe: {  	[smem:$0x3FB3] =	sst s6  }
0xf: {  	[smem:$0x3FB4] =	sst s7  }
0x10: {  	[smem:$0x3FB5] =	sst s8  }
0x11: {  	[smem:$0x3FB6] =	sst s9;
	s0 =	simm.s32 @!p0 $0x0  }
0x12: {  	s1 =	sld [smem:$0x3F9C];
	s0 =	simm.s32 @p0 $0x1  }
0x13: {  	[smem:$0x3FB7] =	sst s0;
	s0 =	simm.s32 @!p1 $0x0  }
0x14: {  	s2 =	sld [smem:$0x3F9B];
	s0 =	simm.s32 @p1 $0x1  }
0x15: {  	[smem:$0x3FB8] =	sst s0;
	s0 =	simm.s32 @!p2 $0x0  }
0x16: {  	s3 =	sld [smem:$0x3FDB];
	s0 =	simm.s32 @p2 $0x1  }
0x17: {  	s4 =	simm.s32 $0x1BF5;
	[smem:$0x3FBA] =	sst s0  }
0x18: {  	s0 =	sld [smem:$0x3F9D];
	_ =	swait.ge [sflag:s4], $0x0  }
0x19: {  	s7 =	sld [smem:$0x3F9E]  }
0x1a: {  	s8 =	sadd.s32 $0xFFFFE003, lr  }
0x1b: {  	s9 =	sadd.s32 $0xFFFFFEF7, lr;
	s5 =	simm.s32 $0xFFFFFFFF;
	p2 =	slt.u32 s8, $0xFFFFF086  }
0x1c: {  	p1 =	slt.u32 s9, $0xF7A;
	s5 =	simm.s32 @!p2 $0x0  }
0x1d: {  	s5 =	simm.s32 @p1 $0x1;
	p0 =	seq.s32 s7, s2  }
0x1e: {  	s7 =	smul.u32 @!p0 $0xF7A, s2;
	p2 =	seq.s32 @!p0 s5, $0x0  }
0x1f: {  	s9 =	smul.u32 $0xF7A, s1;
	s8 =	simm.s32 @!p0 $0x1BF5;
	p2 =	por !p2, p0  }
0x20: {  	[sflag:s8] =	ssyncset.s32 @!p0 $0xFFFFF086;
	s6 =	sadd.s32 @!p0 s3, s7;
	s7 =	simm.s32 @!p0 $0x108  }
0x21: {  	s3 =	sadd.s32 s3, s9;
	s6 =	sadd.s32 @!p0 $0x88, s6;
	s7 =	simm.s32 @p2 $0x1082  }
0x22: {  	[simem:s7], [sflag:s8] =	dma.local @!p0 [hbm:s6], $0xF7A  }
0x23: {  	s9 =	sor.u32 $0xD0000000, s2;
	s6 =	simm.s32 $0x108;
	_ =	swait.ge @!p0 [sflag:s8], $0x0  }
0x24: {  	s3 =	sadd.s32 $0x88, s3;
	s6 =	simm.s32 @!p1 $0x1082;
	[sflag:s4] =	ssyncset.s32 $0xFFFFF086  }
0x25: {  	[simem:s6], [sflag:s4] =	dma.local [hbm:s3], $0xF7A  }
0x26: {  	[smem:$0x3F9E] =	sst s1;
	(tag) =	ssettag s2;
	_ =	strace s9  }
0x27: {  	s1 =	sld [smem:$0x3FAE]  }
0x28: {  	s2 =	sld [smem:$0x3FAF]  }
0x29: {  	s4 =	sld [smem:$0x3FB1]  }
0x2a: {  	p0 =	seq.s32 s5, $0x0;
	s5 =	sld [smem:$0x3FB2]  }
0x2b: {  	s6 =	sld [smem:$0x3FB3]  }
0x2c: {  	s7 =	sld [smem:$0x3FB4]  }
0x2d: {  	s3 =	simm.s32 $0x108;
	s8 =	sld [smem:$0x3FB5]  }
0x2e: {  	s3 =	simm.s32 @!p0 $0x1082;
	s9 =	sld [smem:$0x3FB6]  }
0x2f: {  	lr =	sadd.s32 s0, s3;
	s0 =	sld [smem:$0x3FAD]  }
0x30: {  	s3 =	sld [smem:$0x3FB0]  }
0x31: {  	[smem:$0x3FB9] =	sst s10  }
0x32: {  	s10 =	sld [smem:$0x3FB7];
	_ =	sdelay $0x3  }
0x33: {  	p0 =	seq.s32 s10, $0x1;
	s10 =	sld [smem:$0x3FB9];
	_ =	sdelay $0x3  }
0x34: {  	[smem:$0x3FB9] =	sst s10  }
0x35: {  	s10 =	sld [smem:$0x3FB8];
	_ =	sdelay $0x3  }
0x36: {  	p1 =	seq.s32 s10, $0x1;
	s10 =	sld [smem:$0x3FB9];
	_ =	sdelay $0x3  }
0x37: {  	[smem:$0x3FB9] =	sst s10  }
0x38: {  	s10 =	sld [smem:$0x3FBA]  }
0x39: {  	_ = 	snop;
	(pc) =	sbr.ind lr, $3  }
0x3a: {  	_ = 	snop  }
0x3b: {  	_ = 	snop  }
0x3c: {  	p2 =	seq.s32 s10, $0x1;
	s10 =	sld [smem:$0x3FB9]  }
0x3d: {  	_ =	shalt  }
0x3e: {  	_ =	shalt  }
0x3f: {  	_ =	shalt  }
0x40: {  	_ =	shalt  }
0x41: {  	_ =	shalt  }
0x42: {  	_ =	shalt  }
0x43: {  	_ =	shalt  }
0x44: {  	_ =	shalt  }
0x45: {  	_ =	shalt  }
0x46: {  	_ =	shalt  }
0x47: {  	_ =	shalt  }
0x48: {  	_ =	shalt  }
0x49: {  	_ =	shalt  }
0x4a: {  	_ =	shalt  }
0x4b: {  	_ =	shalt  }
0x4c: {  	_ =	shalt  }
0x4d: {  	_ =	shalt  }
0x4e: {  	_ =	shalt  }
0x4f: {  	_ =	shalt  }
0x50: {  	_ =	shalt  }
0x51: {  	_ =	shalt  }
0x52: {  	_ =	shalt  }
0x53: {  	_ =	shalt  }
0x54: {  	_ =	shalt  }
0x55: {  	_ =	shalt  }
0x56: {  	_ =	shalt  }
0x57: {  	_ =	shalt  }
0x58: {  	_ =	shalt  }
0x59: {  	_ =	shalt  }
0x5a: {  	_ =	shalt  }
0x5b: {  	_ =	shalt  }
0x5c: {  	_ =	shalt  }
0x5d: {  	_ =	shalt  }
0x5e: {  	_ =	shalt  }
0x5f: {  	_ =	shalt  }
0x60: {  	_ =	shalt  }
0x61: {  	_ =	shalt  }
0x62: {  	_ =	shalt  }
0x63: {  	_ =	shalt  }
0x64: {  	_ =	shalt  }
0x65: {  	_ =	shalt  }
0x66: {  	_ =	shalt  }
0x67: {  	_ =	shalt  }
0x68: {  	_ =	shalt  }
0x69: {  	_ =	shalt  }
0x6a: {  	_ =	shalt  }
0x6b: {  	_ =	shalt  }
0x6c: {  	_ =	shalt  }
0x6d: {  	_ =	shalt  }
0x6e: {  	_ =	shalt  }
0x6f: {  	_ =	shalt  }
0x70: {  	_ =	shalt  }
0x71: {  	_ =	shalt  }
0x72: {  	_ =	shalt  }
0x73: {  	_ =	shalt  }
0x74: {  	_ =	shalt  }
0x75: {  	_ =	shalt  }
0x76: {  	_ =	shalt  }
0x77: {  	_ =	shalt  }
0x78: {  	_ =	shalt  }
0x79: {  	_ =	shalt  }
0x7a: {  	_ =	shalt  }
0x7b: {  	_ =	shalt  }
0x7c: {  	_ =	shalt  }
0x7d: {  	_ =	shalt  }
0x7e: {  	_ =	shalt  }
0x7f: {  	_ =	shalt  }
0x80: {  	_ =	shalt  }
0x81: {  	_ =	shalt  }
0x82: {  	_ =	shalt  }
0x83: {  	_ =	shalt  }
0x84: {  	_ =	shalt  }
0x85: {  	_ =	shalt  }
0x86: {  	_ =	shalt  }
0x87: {  	_ =	shalt  }
.Lfunc_end0:
.L_simem_size_0:
called_computation_lowered:
.L_overlay_start_0:
0x88: {  	s2 =	sld [smem:$0x3FD9]  }
0x89: {  	s3 =	sld [smem:$0x3FFE];
	_ =	sdelay $0x1  }
0x8a: {  	s1 =	srdreg.scid  }
0x8b: {  	s0 =	sand.u32 $0x1, s1  }
0x8c: {  	s14 =	sshll.u32 s0, $0xA;
	s2 =	sadd.s32 s3, s2  }
0x8d: {  	s2 =	sadd.s32 s2, s14  }
0x8e: {  	[smem:$0x3FC5] =	sst s2  }
0x8f: {  	_ = 	snop  }
0x90: {  	s2 =	sld [smem:$0x3FD0];
	_ =	sdelay $0x2  }
0x91: {  	s15 =	simm.s32 $0xA;
	s4 =	simm.s32 $0x10  }
0x92: {  	[smem:s4], [sflag:s15] =	dma.local [hbm:s2], $0x1  }
0x93: {  	_ =	swait.eq [sflag:s15], $0x1  }
0x94: {  	[sflag:s15] =	ssyncset.done $0x0  }
0x95: {  	s16 =	sld [smem:$0x13];
	[sflag:s15] =	ssyncadd.s32 $0xFFFFFFFF  }
0x96: {  	s17 =	sld [smem:$0x14];
	(tm) =	ssettm $0x1  }
0x97: {  	s18 =	sld [smem:$0x3FFB];
	_ =	sdelay $0x3  }
0x98: {  	_ =	strace s18  }
0x99: {  	s4 =	sld [smem:$0x3FFC];
	_ =	sdelay $0x3  }
0x9a: {  	_ =	strace s4  }
0x9b: {  	s4 =	sld [smem:$0x3FFD];
	_ =	sdelay $0x3  }
0x9c: {  	_ =	strace s4  }
0x9d: {  	_ =	strace $0x8FFFFFFF  }
0x9e: {  	s19 =	sld [smem:$0x3FDB];
	_ =	sdelay $0x1  }
0x9f: {  	s5 =	simm.s32 $_scs_section_size  }
0xa0: {  	s6 =	simm.s32 $_size__tile_overlayer_lowered;
	s7 =	simm.s32 $_tile_overlayer_lowered  }
0xa1: {  	s22 =	simm.s32 $0x1BFF;
	s21 =	sshll.u32 s7, $0x1;
	s4 =	sadd.s32 s5, s19  }
0xa2: {  	s8 =	simm.s32 $0x0;
	s20 =	sshll.u32 s6, $0x1;
	s6 =	sadd.s32 s21, s4  }
0xa3: {  	[timem:s8], [sflag:s22] =	dma.local [hbm:s6], s20  }
0xa4: {  	_ =	swait.ge [sflag:s22], s20  }
0xa5: {  	s5 =	ssub.s32 $0x0, s20;
	[sflag:s22] =	ssyncset.done $0x0  }
0xa6: {  	[sflag:s22] =	ssyncadd.s32 s5;
	_ =	sdelay $0x1  }
0xa7: {  	s23 =	simm.s32 $0x1B8B  }
0xa8: {  	_ =	swait.ge [sflag:s23], $0x1  }
0xa9: {  	[sflag:s23] =	ssyncset.done $0x0  }
0xaa: {  	s25 =	simm.s32 $0x1B8E;
	s24 =	sld [smem:$0x3FFE];
	[sflag:s23] =	ssyncadd.s32 $0xFFFFFFFF  }
0xab: {  	s26 =	simm.s32 $execute0_lowered;
	[smem:$0x3FD2] =	sst s25  }
0xac: {  	s6 =	sshll.u32 s26, $0x1;
	_ =	strace $0x80000046;
	[dreg:$0x1] =	wrdreg $0xFFFFFFFF  }
0xad: {  	s28 =	simm.s32 $_size_execute0_lowered;
	s4 =	sadd.s32 s4, s6;
	[dreg:$0x0] =	wrdreg $0x0  }
0xae: {  	s6 =	sshll.u32 s28, $0x1;
	[dreg:$0x2] =	wrdreg s4  }
0xaf: {  	[dreg:$0x3] =	wrdreg s6  }
0xb0: {  	[dreg:$0x4] =	wrdreg $0xC0  }
0xb1: {  	_ =	task [dreg:s8], $0x5FFFF  }
0xb2: {  	[dreg:$0x1] =	wrdreg $0xFFFFFFFF  }
0xb3: {  	[dreg:$0x0] =	wrdreg $0x60  }
0xb4: {  	[dreg:$0x2] =	wrdreg s16  }
0xb5: {  	[dreg:$0x3] =	wrdreg s17  }
0xb6: {  	[dreg:$0x4] =	wrdreg s24  }
0xb7: {  	[dreg:$0x5] =	wrdreg $0x0  }
0xb8: {  	[dreg:$0x6] =	wrdreg $0x9  }
0xb9: {  	_ =	task.clear_ibuf [dreg:s8], $0x7FFFF;
	_ =	strace $0x90000046  }
0xba: {  	s29 =	simm.s32 $0x9;
	_ =	strace $0x80000048  }
0xbb: {  	_ =	swait.ge [sflag:s29], $0x1  }
0xbc: {  	[sflag:s29] =	ssyncadd.s32 $0xFFFFFFFF  }
0xbd: {  	_ =	strace $0x90000048  }
0xbe: {  	_ =	sfence  }
0xbf: {  	s30 =	sld [smem:$0x0];
	_ =	sdelay $0x2  }
0xc0: {  	s31 =	sshll.u32 s1, $0xD;
	s1 =	sshrl.u32 s1, $0x2  }
0xc1: {  	s3 =	sand.u32 $0x4000, s31;
	s1 =	sadd.s32 s1, s30  }
0xc2: {  	s0 =	sor.u32 s3, s0;
	s1 =	sshll.u32 s1, $0x11  }
0xc3: {  	s0 =	sor.u32 s1, s0  }
0xc4: {  	s0 =	sadd.s32 $0x8F2B, s0  }
0xc5: {  	[sflag:s0] =	ssyncadd.remote.s32 $0x1  }
0xc6: {  	_ =	sfence.sel $0xFFFF  }
0xc7: {  	[dreg:$0x0] =	wrdreg $0xFFFFFFFF;
	(pc) =	sbr.abs _section_cstart, $3  }
0xc8: {  	[dreg:$0x1] =	wrdreg $0xFFFFFFFF  }
0xc9: {  	_ =	task.clear_ibuf [dreg:s8], $0x2FFFF;
	_ =	strace $0x9FFFFFFF  }
0xca: {  	(tm) =	ssettm $0x7FFFFFFF  }
0xcb: {  	_ =	shalt  }
tec
execute0_lowered:
.L_overlay_start_1:
0x0: {  	(tag) =	ssettag $0x1  }
0x1: {  	s6 =	rddreg [dreg:$0x0]  }
0x2: {  	s1 =	rddreg [dreg:$0x1]  }
0x3: {  	s5 =	rddreg [dreg:$0x2]  }
0x4: {  	s0 =	srdreg.scid;
	s3 =	rddreg [dreg:$0x3]  }
0x5: {  	s2 =	rddreg [dreg:$0x4];
	s7 =	sand.u32 $0x1, s0  }
0x6: {  	s4 =	simm.s32 $0x0;
	s0 =	stileid.u32;
	s8 =	smul.u32 $0x140000, s7  }
0x7: {  	s13 =	simm.s32 $0x80;
	s14 =	simm.s32 $0x5400;
	s9 =	smul.u32 $0x14000, s0  }
0x8: {  	s15 =	simm.s32 $0x0;
	[smem:$0x7FF] =	sst s4;
	s28 =	smul.u32 $0x50000, s0  }
0x9: {  	_ =	strace $0x80000047;
	s29 =	ssub.s32 $0x2, s7;
	s10 =	smul.u32 $0x580, s0  }
0xa: {  	s7 =	smul.u32 $0x5800, s7;
	s30 =	sshll.u32 s0, $0x6;
	s11 =	sshrl.u32 s29, $0x1  }
0xb: {  	s8 =	sadd.s32 s9, s8;
	s9 =	sshrl.u32 s28, $0x2;
	s11 =	ssub.s32 s29, s11  }
0xc: {  	s6 =	sadd.s32 s6, s10;
	s31 =	sshrl.u32 s7, $0x2;
	s8 =	sshrl.u32 s8, $0x3  }
0xd: {  	s12 =	sadd.s32 s9, s3;
	s9 =	sadd.s32 $0x2800, s31;
	s8 =	sadd.s32 s8, s5  }
0xe: {  	s5 =	sor.u32 $0x1C01, s30;
	s10 =	sshrl.u32 s12, $0x3;
	s12 =	simm.s32 $0x2800  }
0xf: {  	v0 =	vimm.f32 $1.000000000e+00;
	s7 =	sadd.s32 $0x1000, s8;
	s8 =	smax.u32 s11, $0x1;
	s11 =	simm.s32 $0x1  }
.LBB2_1:
0x10: {  	[spmem:s10], [sflag:s5] =	dma.local [hbm:s1], $0x2800  }
0x11: {  	_ =	swait.ge [sflag:s11], $0x2800  }
0x12: {  	[sflag:s11] =	ssyncset.done $0x0  }
0x13: {  	[sflag:s11] =	ssyncadd.s32 $0xFFFFD800  }
0x14: {  	[tilespmem:s12], [sflag:$0x1] =	stream.linear.gather [hbm4b:s6+s4], $0x2C00, $0x38;
	[tilespmem:$0x9400] =	vst v63  }
0x15: {  	_ =	swait.ge [sflag:s11], $0x2C00  }
0x16: {  	[sflag:s11] =	ssyncset.done $0x0  }
0x17: {  	s16 =	simm.s32 $0x200;
	s17 =	simm.s32 $0x0;
	[sflag:s11] =	ssyncadd.s32 $0xFFFFD400  }
.LBB2_2:
0x18: {  	p0 =	sne.s32 s16, $0xFE00;
	[tilespmem:s17+$0x5400] =	vst v0;
	s17 =	smov.u32 s16;
	s16 =	sadd.s32 $0x200, s16  }
.Ltmp0:
0x19: {  	(pc) =	sbr.rel @p0 .LBB2_2-.Ltmp0, $2  }
0x1a: {  	_ =	sdelay $0x2  }
0x1b: {  	s17 =	sshra.s32 s17, $0x2  }
0x1c: {  	[tilespmem:s17+$0x5400] =	vst v0  }
0x1d: {  	s16 =	sadd.s32 $0x0, s9;
	[bflag:$0x0] =	sbarrier.arrive $0xFFFF  }
0x1e: {  	[spmem:s3] =	stream.indirect.scatter.add.f32 [tilespmem:s14], [sflag:$0x1], $0x10, s16, s13, $0xb8;
	[tilespmem:$0x9400] =	vst v63  }
0x1f: {  	s16 =	simm.s32 $0x200;
	_ =	swait.ge [sflag:s11], $0x800  }
.LBB2_4:
0x20: {  	s17 =	sshra.s32 s16, $0x2;
	[sflag:s11] =	ssyncset.done $0x0;
	p0 =	sne.s32 s16, $0x5600  }
.Ltmp1:
0x21: {  	s17 =	sadd.s32 s17, s9;
	[sflag:s11] =	ssyncadd.s32 $0xFFFFF800;
	(pc) =	sbr.rel @p0 .LBB2_4-.Ltmp1, $3  }
0x22: {  	[spmem:s3] =	stream.indirect.scatter.add.f32 [tilespmem:s14], [sflag:$0x1], $0x10, s17, s13, $0xb8;
	[tilespmem:$0x9400] =	vst v63  }
0x23: {  	s16 =	sadd.s32 $0x200, s16;
	_ =	sdelay $0x1  }
0x24: {  	_ =	swait.ge [sflag:s11], $0x800  }
0x25: {  	[sflag:s11] =	ssyncset.done $0x0;
	s15 =	sadd.s32 $0x1, s15  }
0x26: {  	[sflag:s11] =	ssyncadd.s32 $0xFFFFF800;
	p0 =	sne.s32 s15, s8  }
.Ltmp2:
0x27: {  	[bflag:$0x0] =	sbarrier.arrive $0xFFFF;
	(pc) =	sbr.rel @p0 .LBB2_1-.Ltmp2, $4  }
0x28: {  	[hbm:s7], [sflag:s5] =	dma.local [spmem:s10], $0x2800  }
0x29: {  	_ =	swait.ge [sflag:s11], $0x2800  }
0x2a: {  	[sflag:s11] =	ssyncset.done $0x0  }
0x2b: {  	[sflag:s11] =	ssyncadd.s32 $0xFFFFD800  }
0x2c: {  	_ =	sfence.sel $0x180000  }
0x2d: {  	[bflag:$0x0] =	sbarrier.arrive $0xFFFF  }
0x2e: {  	p0 =	sne.s32 s0, $0x0;
	_ =	strace $0x90000047  }
0x2f: {  	s0 =	sadd.s32 @!p0 $0x100000, s2;
	[bflag:$0x2] =	sbarrier.arrive $0xFFFF  }
0x30: {  	[sflag:s0] =	ssyncadd.tile.s32 @!p0 $0x1;
	_ =	shalt  }
.Lfunc_end2:
_tile_overlayer_lowered:
.L_overlay_start_2:
0x31: {  	(tag) =	ssettag $0x2  }
0x32: {  	s0 =	rddreg [dreg:$0x0];
	s2 =	stileid.u32  }
0x33: {  	s1 =	rddreg [dreg:$0x1];
	p0 =	sne.s32 s2, $0x0  }
0x34: {  	s3 =	rddreg [dreg:$0x2];
	[bflag:$0x3] =	sbarrier.arrive $0xFFFF;
	s2 =	simm.s32 @!p0 $0x1C01  }
0x35: {  	[timem:s3], [sflag:s2] =	dma.local @!p0 [hbm:s0], s1  }
0x36: {  	s0 =	simm.s32 @!p0 $0x1  }
0x37: {  	_ =	swait.ge @!p0 [sflag:s0], s1  }
0x38: {  	s1 =	ssub.s32 @!p0 $0x0, s1;
	[sflag:s0] =	ssyncset.done @!p0 $0x0  }
0x39: {  	[sflag:s0] =	ssyncadd.s32 @!p0 s1  }
0x3a: {  	[bflag:$0x3] =	sbarrier.arrive $0xFFFF  }
0x3b: {  	_ =	shalt  }

</sc_bundles>
